<compile_context>
chip_gen: v7x
topology: tpu7x:2x2x1
jax: 0.10.2.dev20260603
libtpu: 0.0.44.dev20260713+nightly
codegen_flags: <defaults>
</compile_context>

<pallas_src>
import functools

import jax
import jax.numpy as jnp
from jax import lax
from jax.experimental import pallas as pl
from jax.experimental.pallas import tpu as pltpu
from jax.experimental.pallas import tpu_sc as plsc

_B = 16384
_F = 26
_D = 32
_NW = 32
_BLK = 1024
_BPF = _B // _BLK
_NB = _B * _F // _BLK // _NW
_LANES = 16
_NBUF = 3


def _make_kernel():
    mesh = plsc.VectorSubcoreMesh(core_axis_name="c", subcore_axis_name="s")

    @functools.partial(
        pl.kernel,
        mesh=mesh,
        compiler_params=pltpu.CompilerParams(use_tc_tiling_on_sc=False),
        out_type=jax.ShapeDtypeStruct((_B * _F, _D), jnp.float32),
        scratch_types=[
            pltpu.VMEM((48,), jnp.int32),
            pltpu.VMEM((_NB, _BLK), jnp.int32),
            pltpu.VMEM((_NBUF, _BLK, _D), jnp.float32),
            pltpu.SemaphoreType.DMA,
            pltpu.SemaphoreType.DMA,
            pltpu.SemaphoreType.DMA,
            pltpu.SemaphoreType.DMA,
        ],
    )
    def k(catf_hbm, table_hbm, offs_hbm, out_hbm, offs_v, idx_v, rows_v,
          sem_g0, sem_g1, sem_g2, sem_w):
        sem_g = (sem_g0, sem_g1, sem_g2)
        wid = lax.axis_index("s") * 2 + lax.axis_index("c")
        g0 = wid * _NB

        pltpu.sync_copy(offs_hbm, offs_v)

        def prep(j):
            g = g0 + j
            f = g // _BPF
            pltpu.sync_copy(catf_hbm.at[pl.ds(g * _BLK, _BLK)], idx_v.at[j])
            off = offs_v[pl.ds(f, _LANES)][0]

            def body(i, carry):
                s = i * _LANES
                idx_v[j, pl.ds(s, _LANES)] = idx_v[j, pl.ds(s, _LANES)] + off
                return carry

            lax.fori_loop(0, _BLK // _LANES, body, None)

        def fire(b):
            return pltpu.async_copy(table_hbm.at[idx_v.at[b]],
                                    rows_v.at[b % _NBUF], sem_g[b % _NBUF])

        gh = [None] * _NB
        wh = [None] * _NB
        for b in range(2):
            prep(b)
            gh[b] = fire(b)
        for b in range(_NB):
            if b + 2 < _NB:
                if b >= 1:
                    wh[b - 1].wait()
                prep(b + 2)
                gh[b + 2] = fire(b + 2)
            gh[b].wait()
            wh[b] = pltpu.async_copy(
                rows_v.at[b % _NBUF],
                out_hbm.at[pl.ds((g0 + b) * _BLK, _BLK)], sem_w)
        wh[_NB - 2].wait()
        wh[_NB - 1].wait()

    return k


_lookup = _make_kernel()


def kernel(categorical_inputs, embedding_weight, offsets):
    catf = categorical_inputs.T.reshape(-1).astype(jnp.int32)
    offs_pad = jnp.pad(offsets[:-1].astype(jnp.int32), (0, 48 - _F))
    out = _lookup(catf, embedding_weight, offs_pad)
    return out.reshape(_F, _B, _D).transpose(1, 0, 2)

# --- scband reference (transcript-rebuilt; emitter-appended) ---
"""Pipeline reference for scband-joint-embedding-57260503990935 (READ-ONLY COPY).

The authoritative reference and input builder live on the scoring server;
editing this copy changes nothing except your own understanding.
"""

import jax, jax.numpy as jnp
import numpy as np

NUM_FIELDS = 26
VOCAB_PER_FIELD = 100000
EMBED_DIM = 32
BATCH = 16384

def setup_inputs(seed: int = 0) -> dict:
    key = jax.random.key(seed)
    k_idx, k_w = jax.random.split(key)
    categorical_inputs = jax.random.randint(k_idx, (BATCH, NUM_FIELDS), 0, VOCAB_PER_FIELD, dtype=jnp.int64 if jax.config.read('jax_enable_x64') else jnp.int32)
    sizes = [VOCAB_PER_FIELD] * NUM_FIELDS
    offsets = jnp.cumsum(jnp.array([0] + sizes, dtype=jnp.int32))
    total_rows = NUM_FIELDS * VOCAB_PER_FIELD
    embedding_weight = jax.random.normal(k_w, (total_rows, EMBED_DIM), dtype=jnp.float32) * 0.01
    return {"categorical_inputs": categorical_inputs, "embedding_weight": embedding_weight, "offsets": offsets}

def reference(categorical_inputs, embedding_weight, offsets):
    # JointEmbedding.forward: single fused gather after adding per-field offsets.
    # hash_indices is False so no modulo step.
    shifted = categorical_inputs + offsets[:-1][None, :]
    out = jnp.take(embedding_weight, shifted, axis=0)  # [B, F, D]
    return out

if __name__ == "__main__":
    import jax
    _d = setup_inputs()
    print(jax.jit(kernel)(*tuple(_d.values())))

</pallas_src>

<mosaic_0001>
#map = affine_map<(d0, d1) -> (0)>
#map1 = affine_map<(d0, d1) -> (0, 0)>
module attributes {stable_mosaic.version = 14 : i64} {
  func.func @k(%arg0: i32, %arg1: i32, %arg2: memref<425984xi32, #tpu.memory_space<hbm>>, %arg3: memref<2600000x32xf32, #tpu.memory_space<hbm>>, %arg4: memref<48xi32, #tpu.memory_space<hbm>>, %arg5: memref<425984x32xf32, #tpu.memory_space<hbm>>, %arg6: memref<48xi32, #tpu.memory_space<vmem>>, %arg7: memref<13x1024xi32, #tpu.memory_space<vmem>>, %arg8: memref<3x1024x32xf32, #tpu.memory_space<vmem>>, %arg9: memref<!tpu.dma_semaphore, #tpu.memory_space<semaphore_mem>>, %arg10: memref<!tpu.dma_semaphore, #tpu.memory_space<semaphore_mem>>, %arg11: memref<!tpu.dma_semaphore, #tpu.memory_space<semaphore_mem>>, %arg12: memref<!tpu.dma_semaphore, #tpu.memory_space<semaphore_mem>>) attributes {dimension_semantics = [#tpu.dimension_semantics<core_parallel>, #tpu.dimension_semantics<subcore_parallel>], iteration_bounds = array<i64: 2, 16>, scalar_prefetch = 0 : i64, scratch_operands = 7 : i64, tpu.core_type = #tpu.core_type<sc_vector_subcore>, window_params = [{transform_indices = #map}, {transform_indices = #map1}, {transform_indices = #map}, {transform_indices = #map1}]} {
    %mul3A = arith.constant 2 : i32
    %mul3A_0 = arith.muli %arg1, %mul3A : i32
    %add3A = arith.addi %mul3A_0, %arg0 : i32
    %mul3A_1 = arith.constant 13 : i32
    %mul3A_2 = arith.muli %add3A, %mul3A_1 : i32
    "tpu.region"() ({
      %run_scoped3A_1184 = tpu.sem_alloc : memref<!tpu.dma_semaphore, #tpu.memory_space<semaphore_mem>>
      tpu.enqueue_dma source(%arg4 : memref<48xi32, #tpu.memory_space<hbm>>) target(%arg6 : memref<48xi32, #tpu.memory_space<vmem>>) target_semaphore(%run_scoped3A_1184 : memref<!tpu.dma_semaphore, #tpu.memory_space<semaphore_mem>>)
      tpu.wait_dma2 semaphore(%run_scoped3A_1184 : memref<!tpu.dma_semaphore, #tpu.memory_space<semaphore_mem>>) src(%arg4 : memref<48xi32, #tpu.memory_space<hbm>>) dst(%arg6 : memref<48xi32, #tpu.memory_space<vmem>>)
      tpu.yield
    }) : () -> ()
    %add3A_3 = arith.constant 0 : i32
    %add3A_4 = arith.addi %mul3A_2, %add3A_3 : i32
    %jit3A = arith.constant 16 : i32
    %div3A = arith.divsi %add3A_4, %jit3A : i32
    %sign3A = arith.constant 0 : i32
    %sign3A_5 = arith.cmpi sgt, %add3A_4, %sign3A : i32
    %sign3A_6 = arith.extui %sign3A_5 : i1 to i32
    %sign3A_7 = arith.constant 0 : i32
    %sign3A_8 = arith.cmpi slt, %add3A_4, %sign3A_7 : i32
    %sign3A_9 = arith.extui %sign3A_8 : i1 to i32
    %sign3A_10 = arith.subi %sign3A_6, %sign3A_9 : i32
    %sign3A_11 = arith.constant 0 : i32
    %sign3A_12 = arith.cmpi sgt, %jit3A, %sign3A_11 : i32
    %sign3A_13 = arith.extui %sign3A_12 : i1 to i32
    %sign3A_14 = arith.constant 0 : i32
    %sign3A_15 = arith.cmpi slt, %jit3A, %sign3A_14 : i32
    %sign3A_16 = arith.extui %sign3A_15 : i1 to i32
    %sign3A_17 = arith.subi %sign3A_13, %sign3A_16 : i32
    %ne3A = arith.cmpi ne, %sign3A_10, %sign3A_17 : i32
    %rem3A = arith.remsi %add3A_4, %jit3A : i32
    %ne3A_18 = arith.constant 0 : i32
    %ne3A_19 = arith.cmpi ne, %rem3A, %ne3A_18 : i32
    %and3A = arith.andi %ne3A, %ne3A_19 : i1
    %sub3A = arith.constant 1 : i32
    %sub3A_20 = arith.subi %div3A, %sub3A : i32
    %select_n3A = arith.select %and3A, %sub3A_20, %div3A : i32
    %mul3A_21 = arith.constant 1024 : i32
    %mul3A_22 = arith.muli %add3A_4, %mul3A_21 : i32
    %run_scoped3A = arith.constant 0 : i32
    "tpu.region"() ({
      %run_scoped3A_1184 = tpu.sem_alloc : memref<!tpu.dma_semaphore, #tpu.memory_space<semaphore_mem>>
      %dma_start3A_1185 = arith.constant 0 : i32
      %dma_start3A_1186 = tpu.memref_slice %arg7[%run_scoped3A, %dma_start3A_1185] : memref<13x1024xi32, #tpu.memory_space<vmem>> -> memref<1x1024xi32, #tpu.memory_space<vmem>>
      %dma_start3A_1187 = tpu.memref_squeeze %dma_start3A_1186 : memref<1x1024xi32, #tpu.memory_space<vmem>> -> memref<1024xi32, #tpu.memory_space<vmem>>
      %dma_start3A_1188 = tpu.memref_slice %arg2[%mul3A_22] : memref<425984xi32, #tpu.memory_space<hbm>> -> memref<1024xi32, #tpu.memory_space<hbm>>
      %dma_start3A_1189 = arith.constant 0 : i32
      %dma_start3A_1190 = tpu.memref_slice %arg7[%run_scoped3A, %dma_start3A_1189] : memref<13x1024xi32, #tpu.memory_space<vmem>> -> memref<1x1024xi32, #tpu.memory_space<vmem>>
      %dma_start3A_1191 = tpu.memref_squeeze %dma_start3A_1190 : memref<1x1024xi32, #tpu.memory_space<vmem>> -> memref<1024xi32, #tpu.memory_space<vmem>>
      %dma_start3A_1192 = tpu.memref_slice %arg2[%mul3A_22] : memref<425984xi32, #tpu.memory_space<hbm>> -> memref<1024xi32, #tpu.memory_space<hbm>>
      tpu.enqueue_dma source(%dma_start3A_1192 : memref<1024xi32, #tpu.memory_space<hbm>>) target(%dma_start3A_1191 : memref<1024xi32, #tpu.memory_space<vmem>>) target_semaphore(%run_scoped3A_1184 : memref<!tpu.dma_semaphore, #tpu.memory_space<semaphore_mem>>)
      %dma_wait3A_1193 = arith.constant 0 : i32
      %dma_wait3A_1194 = tpu.memref_slice %arg7[%run_scoped3A, %dma_wait3A_1193] : memref<13x1024xi32, #tpu.memory_space<vmem>> -> memref<1x1024xi32, #tpu.memory_space<vmem>>
      %dma_wait3A_1195 = tpu.memref_squeeze %dma_wait3A_1194 : memref<1x1024xi32, #tpu.memory_space<vmem>> -> memref<1024xi32, #tpu.memory_space<vmem>>
      %dma_wait3A_1196 = tpu.memref_slice %arg2[%mul3A_22] : memref<425984xi32, #tpu.memory_space<hbm>> -> memref<1024xi32, #tpu.memory_space<hbm>>
      %dma_wait3A_1197 = arith.constant 0 : i32
      %dma_wait3A_1198 = tpu.memref_slice %arg7[%run_scoped3A, %dma_wait3A_1197] : memref<13x1024xi32, #tpu.memory_space<vmem>> -> memref<1x1024xi32, #tpu.memory_space<vmem>>
      %dma_wait3A_1199 = tpu.memref_squeeze %dma_wait3A_1198 : memref<1x1024xi32, #tpu.memory_space<vmem>> -> memref<1024xi32, #tpu.memory_space<vmem>>
      %dma_wait3A_1200 = tpu.memref_slice %arg2[%mul3A_22] : memref<425984xi32, #tpu.memory_space<hbm>> -> memref<1024xi32, #tpu.memory_space<hbm>>
      tpu.wait_dma2 semaphore(%run_scoped3A_1184 : memref<!tpu.dma_semaphore, #tpu.memory_space<semaphore_mem>>) src(%dma_wait3A_1200 : memref<1024xi32, #tpu.memory_space<hbm>>) dst(%dma_wait3A_1199 : memref<1024xi32, #tpu.memory_space<vmem>>)
      tpu.yield
    }) : () -> ()
    %get3A = arith.index_cast %select_n3A : i32 to index
    %get3A_23 = tpu.vector_load %arg6[%get3A] {strides = array<i32>} : memref<48xi32, #tpu.memory_space<vmem>>, vector<16xi32>,
    %get3A_24 = vector.shape_cast %get3A_23 : vector<16xi32> to vector<16xi32>
    %slice3A = vector.extract_strided_slice %get3A_24 {offsets = [0], sizes = [1], strides = [1]} : vector<16xi32> to vector<1xi32>
    %squeeze3A = vector.extract %slice3A[0] : i32 from vector<1xi32>
    %scan3A = arith.constant 0 : i32
    %scan3A_25 = arith.constant 64 : i32
    %scan3A_26 = arith.addi %scan3A, %scan3A_25 : i32
    %scan3A_27 = arith.constant 1 : i32
    scf.for %scan3A_1184 = %scan3A to %scan3A_26 step %scan3A_27  : i32 {
      %mul3A_1185 = arith.constant 16 : i32
      %mul3A_1186 = arith.muli %scan3A_1184, %mul3A_1185 : i32
      %get3A_1187 = arith.constant 0 : i32
      %get3A_1188 = arith.index_cast %get3A_1187 : i32 to index
      %get3A_1189 = arith.index_cast %mul3A_1186 : i32 to index
      %get3A_1190 = tpu.vector_load %arg7[%get3A_1188, %get3A_1189] {strides = array<i32>} : memref<13x1024xi32, #tpu.memory_space<vmem>>, vector<1x16xi32>,
      %get3A_1191 = vector.shape_cast %get3A_1190 : vector<1x16xi32> to vector<16xi32>
      %add3A_1192 = vector.broadcast %squeeze3A : i32 to vector<16xi32>
      %add3A_1193 = arith.addi %get3A_1191, %add3A_1192 : vector<16xi32>
      %swap3A = arith.constant 0 : i32
      %swap3A_1194 = arith.index_cast %swap3A : i32 to index
      %swap3A_1195 = arith.index_cast %mul3A_1186 : i32 to index
      %swap3A_1196 = tpu.vector_load %arg7[%swap3A_1194, %swap3A_1195] {strides = array<i32>} : memref<13x1024xi32, #tpu.memory_space<vmem>>, vector<1x16xi32>,
      %swap3A_1197 = vector.shape_cast %swap3A_1196 : vector<1x16xi32> to vector<16xi32>
      %swap3A_1198 = vector.shape_cast %add3A_1193 : vector<16xi32> to vector<1x16xi32>
      tpu.vector_store %arg7[%swap3A_1194, %swap3A_1195], %swap3A_1198 {strides = array<i32>} : memref<13x1024xi32, #tpu.memory_space<vmem>>, vector<1x16xi32>,
    }
    %scan3A_28 = arith.constant 64 : i32
    %dma_start3A = arith.constant 0 : i32
    %dma_start3A_29 = arith.constant 0 : i32
    %dma_start3A_30 = arith.constant 0 : i32
    %dma_start3A_31 = arith.constant 0 : i32
    %dma_start3A_32 = tpu.memref_slice %arg8[%dma_start3A_29, %dma_start3A_30, %dma_start3A_31] : memref<3x1024x32xf32, #tpu.memory_space<vmem>> -> memref<1x1024x32xf32, #tpu.memory_space<vmem>>
    %dma_start3A_33 = tpu.memref_squeeze %dma_start3A_32 : memref<1x1024x32xf32, #tpu.memory_space<vmem>> -> memref<1024x32xf32, #tpu.memory_space<vmem>>
    %dma_start3A_34 = arith.constant 0 : i32
    %dma_start3A_35 = tpu.memref_slice %arg7[%dma_start3A, %dma_start3A_34] : memref<13x1024xi32, #tpu.memory_space<vmem>> -> memref<1x1024xi32, #tpu.memory_space<vmem>>
    %dma_start3A_36 = tpu.memref_squeeze %dma_start3A_35 : memref<1x1024xi32, #tpu.memory_space<vmem>> -> memref<1024xi32, #tpu.memory_space<vmem>>
    %dma_start3A_37 = arith.constant 0 : i32
    %dma_start3A_38 = arith.constant 0 : i32
    %dma_start3A_39 = tpu.memref_slice %arg3[%dma_start3A_37, %dma_start3A_38] : memref<2600000x32xf32, #tpu.memory_space<hbm>> -> memref<2600000x32xf32, #tpu.memory_space<hbm>>
    tpu.enqueue_indirect_dma source(%dma_start3A_39 : memref<2600000x32xf32, #tpu.memory_space<hbm>>) target(%dma_start3A_33 : memref<1024x32xf32, #tpu.memory_space<vmem>>) offsets(%dma_start3A_36 : memref<1024xi32, #tpu.memory_space<vmem>>) semaphore(%arg9 : memref<!tpu.dma_semaphore, #tpu.memory_space<semaphore_mem>>)
    %add3A_40 = arith.constant 1 : i32
    %add3A_41 = arith.addi %mul3A_2, %add3A_40 : i32
    %jit3A_42 = arith.constant 16 : i32
    %div3A_43 = arith.divsi %add3A_41, %jit3A_42 : i32
    %sign3A_44 = arith.constant 0 : i32
    %sign3A_45 = arith.cmpi sgt, %add3A_41, %sign3A_44 : i32
    %sign3A_46 = arith.extui %sign3A_45 : i1 to i32
    %sign3A_47 = arith.constant 0 : i32
    %sign3A_48 = arith.cmpi slt, %add3A_41, %sign3A_47 : i32
    %sign3A_49 = arith.extui %sign3A_48 : i1 to i32
    %sign3A_50 = arith.subi %sign3A_46, %sign3A_49 : i32
    %sign3A_51 = arith.constant 0 : i32
    %sign3A_52 = arith.cmpi sgt, %jit3A_42, %sign3A_51 : i32
    %sign3A_53 = arith.extui %sign3A_52 : i1 to i32
    %sign3A_54 = arith.constant 0 : i32
    %sign3A_55 = arith.cmpi slt, %jit3A_42, %sign3A_54 : i32
    %sign3A_56 = arith.extui %sign3A_55 : i1 to i32
    %sign3A_57 = arith.subi %sign3A_53, %sign3A_56 : i32
    %ne3A_58 = arith.cmpi ne, %sign3A_50, %sign3A_57 : i32
    %rem3A_59 = arith.remsi %add3A_41, %jit3A_42 : i32
    %ne3A_60 = arith.constant 0 : i32
    %ne3A_61 = arith.cmpi ne, %rem3A_59, %ne3A_60 : i32
    %and3A_62 = arith.andi %ne3A_58, %ne3A_61 : i1
    %sub3A_63 = arith.constant 1 : i32
    %sub3A_64 = arith.subi %div3A_43, %sub3A_63 : i32
    %select_n3A_65 = arith.select %and3A_62, %sub3A_64, %div3A_43 : i32
    %mul3A_66 = arith.constant 1024 : i32
    %mul3A_67 = arith.muli %add3A_41, %mul3A_66 : i32
    %run_scoped3A_68 = arith.constant 1 : i32
    "tpu.region"() ({
      %run_scoped3A_1184 = tpu.sem_alloc : memref<!tpu.dma_semaphore, #tpu.memory_space<semaphore_mem>>
      %dma_start3A_1185 = arith.constant 0 : i32
      %dma_start3A_1186 = tpu.memref_slice %arg7[%run_scoped3A_68, %dma_start3A_1185] : memref<13x1024xi32, #tpu.memory_space<vmem>> -> memref<1x1024xi32, #tpu.memory_space<vmem>>
      %dma_start3A_1187 = tpu.memref_squeeze %dma_start3A_1186 : memref<1x1024xi32, #tpu.memory_space<vmem>> -> memref<1024xi32, #tpu.memory_space<vmem>>
      %dma_start3A_1188 = tpu.memref_slice %arg2[%mul3A_67] : memref<425984xi32, #tpu.memory_space<hbm>> -> memref<1024xi32, #tpu.memory_space<hbm>>
      %dma_start3A_1189 = arith.constant 0 : i32
      %dma_start3A_1190 = tpu.memref_slice %arg7[%run_scoped3A_68, %dma_start3A_1189] : memref<13x1024xi32, #tpu.memory_space<vmem>> -> memref<1x1024xi32, #tpu.memory_space<vmem>>
      %dma_start3A_1191 = tpu.memref_squeeze %dma_start3A_1190 : memref<1x1024xi32, #tpu.memory_space<vmem>> -> memref<1024xi32, #tpu.memory_space<vmem>>
      %dma_start3A_1192 = tpu.memref_slice %arg2[%mul3A_67] : memref<425984xi32, #tpu.memory_space<hbm>> -> memref<1024xi32, #tpu.memory_space<hbm>>
      tpu.enqueue_dma source(%dma_start3A_1192 : memref<1024xi32, #tpu.memory_space<hbm>>) target(%dma_start3A_1191 : memref<1024xi32, #tpu.memory_space<vmem>>) target_semaphore(%run_scoped3A_1184 : memref<!tpu.dma_semaphore, #tpu.memory_space<semaphore_mem>>)
      %dma_wait3A_1193 = arith.constant 0 : i32
      %dma_wait3A_1194 = tpu.memref_slice %arg7[%run_scoped3A_68, %dma_wait3A_1193] : memref<13x1024xi32, #tpu.memory_space<vmem>> -> memref<1x1024xi32, #tpu.memory_space<vmem>>
      %dma_wait3A_1195 = tpu.memref_squeeze %dma_wait3A_1194 : memref<1x1024xi32, #tpu.memory_space<vmem>> -> memref<1024xi32, #tpu.memory_space<vmem>>
      %dma_wait3A_1196 = tpu.memref_slice %arg2[%mul3A_67] : memref<425984xi32, #tpu.memory_space<hbm>> -> memref<1024xi32, #tpu.memory_space<hbm>>
      %dma_wait3A_1197 = arith.constant 0 : i32
      %dma_wait3A_1198 = tpu.memref_slice %arg7[%run_scoped3A_68, %dma_wait3A_1197] : memref<13x1024xi32, #tpu.memory_space<vmem>> -> memref<1x1024xi32, #tpu.memory_space<vmem>>
      %dma_wait3A_1199 = tpu.memref_squeeze %dma_wait3A_1198 : memref<1x1024xi32, #tpu.memory_space<vmem>> -> memref<1024xi32, #tpu.memory_space<vmem>>
      %dma_wait3A_1200 = tpu.memref_slice %arg2[%mul3A_67] : memref<425984xi32, #tpu.memory_space<hbm>> -> memref<1024xi32, #tpu.memory_space<hbm>>
      tpu.wait_dma2 semaphore(%run_scoped3A_1184 : memref<!tpu.dma_semaphore, #tpu.memory_space<semaphore_mem>>) src(%dma_wait3A_1200 : memref<1024xi32, #tpu.memory_space<hbm>>) dst(%dma_wait3A_1199 : memref<1024xi32, #tpu.memory_space<vmem>>)
      tpu.yield
    }) : () -> ()
    %get3A_69 = arith.index_cast %select_n3A_65 : i32 to index
    %get3A_70 = tpu.vector_load %arg6[%get3A_69] {strides = array<i32>} : memref<48xi32, #tpu.memory_space<vmem>>, vector<16xi32>,
    %get3A_71 = vector.shape_cast %get3A_70 : vector<16xi32> to vector<16xi32>
    %slice3A_72 = vector.extract_strided_slice %get3A_71 {offsets = [0], sizes = [1], strides = [1]} : vector<16xi32> to vector<1xi32>
    %squeeze3A_73 = vector.extract %slice3A_72[0] : i32 from vector<1xi32>
    %scan3A_74 = arith.constant 0 : i32
    %scan3A_75 = arith.constant 64 : i32
    %scan3A_76 = arith.addi %scan3A_74, %scan3A_75 : i32
    %scan3A_77 = arith.constant 1 : i32
    scf.for %scan3A_1184 = %scan3A_74 to %scan3A_76 step %scan3A_77  : i32 {
      %mul3A_1185 = arith.constant 16 : i32
      %mul3A_1186 = arith.muli %scan3A_1184, %mul3A_1185 : i32
      %get3A_1187 = arith.constant 1 : i32
      %get3A_1188 = arith.index_cast %get3A_1187 : i32 to index
      %get3A_1189 = arith.index_cast %mul3A_1186 : i32 to index
      %get3A_1190 = tpu.vector_load %arg7[%get3A_1188, %get3A_1189] {strides = array<i32>} : memref<13x1024xi32, #tpu.memory_space<vmem>>, vector<1x16xi32>,
      %get3A_1191 = vector.shape_cast %get3A_1190 : vector<1x16xi32> to vector<16xi32>
      %add3A_1192 = vector.broadcast %squeeze3A_73 : i32 to vector<16xi32>
      %add3A_1193 = arith.addi %get3A_1191, %add3A_1192 : vector<16xi32>
      %swap3A = arith.constant 1 : i32
      %swap3A_1194 = arith.index_cast %swap3A : i32 to index
      %swap3A_1195 = arith.index_cast %mul3A_1186 : i32 to index
      %swap3A_1196 = tpu.vector_load %arg7[%swap3A_1194, %swap3A_1195] {strides = array<i32>} : memref<13x1024xi32, #tpu.memory_space<vmem>>, vector<1x16xi32>,
      %swap3A_1197 = vector.shape_cast %swap3A_1196 : vector<1x16xi32> to vector<16xi32>
      %swap3A_1198 = vector.shape_cast %add3A_1193 : vector<16xi32> to vector<1x16xi32>
      tpu.vector_store %arg7[%swap3A_1194, %swap3A_1195], %swap3A_1198 {strides = array<i32>} : memref<13x1024xi32, #tpu.memory_space<vmem>>, vector<1x16xi32>,
    }
    %scan3A_78 = arith.constant 64 : i32
    %dma_start3A_79 = arith.constant 1 : i32
    %dma_start3A_80 = arith.constant 1 : i32
    %dma_start3A_81 = arith.constant 0 : i32
    %dma_start3A_82 = arith.constant 0 : i32
    %dma_start3A_83 = tpu.memref_slice %arg8[%dma_start3A_80, %dma_start3A_81, %dma_start3A_82] : memref<3x1024x32xf32, #tpu.memory_space<vmem>> -> memref<1x1024x32xf32, #tpu.memory_space<vmem>>
    %dma_start3A_84 = tpu.memref_squeeze %dma_start3A_83 : memref<1x1024x32xf32, #tpu.memory_space<vmem>> -> memref<1024x32xf32, #tpu.memory_space<vmem>>
    %dma_start3A_85 = arith.constant 0 : i32
    %dma_start3A_86 = tpu.memref_slice %arg7[%dma_start3A_79, %dma_start3A_85] : memref<13x1024xi32, #tpu.memory_space<vmem>> -> memref<1x1024xi32, #tpu.memory_space<vmem>>
    %dma_start3A_87 = tpu.memref_squeeze %dma_start3A_86 : memref<1x1024xi32, #tpu.memory_space<vmem>> -> memref<1024xi32, #tpu.memory_space<vmem>>
    %dma_start3A_88 = arith.constant 0 : i32
    %dma_start3A_89 = arith.constant 0 : i32
    %dma_start3A_90 = tpu.memref_slice %arg3[%dma_start3A_88, %dma_start3A_89] : memref<2600000x32xf32, #tpu.memory_space<hbm>> -> memref<2600000x32xf32, #tpu.memory_space<hbm>>
    tpu.enqueue_indirect_dma source(%dma_start3A_90 : memref<2600000x32xf32, #tpu.memory_space<hbm>>) target(%dma_start3A_84 : memref<1024x32xf32, #tpu.memory_space<vmem>>) offsets(%dma_start3A_87 : memref<1024xi32, #tpu.memory_space<vmem>>) semaphore(%arg10 : memref<!tpu.dma_semaphore, #tpu.memory_space<semaphore_mem>>)
    %add3A_91 = arith.constant 2 : i32
    %add3A_92 = arith.addi %mul3A_2, %add3A_91 : i32
    %jit3A_93 = arith.constant 16 : i32
    %div3A_94 = arith.divsi %add3A_92, %jit3A_93 : i32
    %sign3A_95 = arith.constant 0 : i32
    %sign3A_96 = arith.cmpi sgt, %add3A_92, %sign3A_95 : i32
    %sign3A_97 = arith.extui %sign3A_96 : i1 to i32
    %sign3A_98 = arith.constant 0 : i32
    %sign3A_99 = arith.cmpi slt, %add3A_92, %sign3A_98 : i32
    %sign3A_100 = arith.extui %sign3A_99 : i1 to i32
    %sign3A_101 = arith.subi %sign3A_97, %sign3A_100 : i32
    %sign3A_102 = arith.constant 0 : i32
    %sign3A_103 = arith.cmpi sgt, %jit3A_93, %sign3A_102 : i32
    %sign3A_104 = arith.extui %sign3A_103 : i1 to i32
    %sign3A_105 = arith.constant 0 : i32
    %sign3A_106 = arith.cmpi slt, %jit3A_93, %sign3A_105 : i32
    %sign3A_107 = arith.extui %sign3A_106 : i1 to i32
    %sign3A_108 = arith.subi %sign3A_104, %sign3A_107 : i32
    %ne3A_109 = arith.cmpi ne, %sign3A_101, %sign3A_108 : i32
    %rem3A_110 = arith.remsi %add3A_92, %jit3A_93 : i32
    %ne3A_111 = arith.constant 0 : i32
    %ne3A_112 = arith.cmpi ne, %rem3A_110, %ne3A_111 : i32
    %and3A_113 = arith.andi %ne3A_109, %ne3A_112 : i1
    %sub3A_114 = arith.constant 1 : i32
    %sub3A_115 = arith.subi %div3A_94, %sub3A_114 : i32
    %select_n3A_116 = arith.select %and3A_113, %sub3A_115, %div3A_94 : i32
    %mul3A_117 = arith.constant 1024 : i32
    %mul3A_118 = arith.muli %add3A_92, %mul3A_117 : i32
    %run_scoped3A_119 = arith.constant 2 : i32
    "tpu.region"() ({
      %run_scoped3A_1184 = tpu.sem_alloc : memref<!tpu.dma_semaphore, #tpu.memory_space<semaphore_mem>>
      %dma_start3A_1185 = arith.constant 0 : i32
      %dma_start3A_1186 = tpu.memref_slice %arg7[%run_scoped3A_119, %dma_start3A_1185] : memref<13x1024xi32, #tpu.memory_space<vmem>> -> memref<1x1024xi32, #tpu.memory_space<vmem>>
      %dma_start3A_1187 = tpu.memref_squeeze %dma_start3A_1186 : memref<1x1024xi32, #tpu.memory_space<vmem>> -> memref<1024xi32, #tpu.memory_space<vmem>>
      %dma_start3A_1188 = tpu.memref_slice %arg2[%mul3A_118] : memref<425984xi32, #tpu.memory_space<hbm>> -> memref<1024xi32, #tpu.memory_space<hbm>>
      %dma_start3A_1189 = arith.constant 0 : i32
      %dma_start3A_1190 = tpu.memref_slice %arg7[%run_scoped3A_119, %dma_start3A_1189] : memref<13x1024xi32, #tpu.memory_space<vmem>> -> memref<1x1024xi32, #tpu.memory_space<vmem>>
      %dma_start3A_1191 = tpu.memref_squeeze %dma_start3A_1190 : memref<1x1024xi32, #tpu.memory_space<vmem>> -> memref<1024xi32, #tpu.memory_space<vmem>>
      %dma_start3A_1192 = tpu.memref_slice %arg2[%mul3A_118] : memref<425984xi32, #tpu.memory_space<hbm>> -> memref<1024xi32, #tpu.memory_space<hbm>>
      tpu.enqueue_dma source(%dma_start3A_1192 : memref<1024xi32, #tpu.memory_space<hbm>>) target(%dma_start3A_1191 : memref<1024xi32, #tpu.memory_space<vmem>>) target_semaphore(%run_scoped3A_1184 : memref<!tpu.dma_semaphore, #tpu.memory_space<semaphore_mem>>)
      %dma_wait3A_1193 = arith.constant 0 : i32
      %dma_wait3A_1194 = tpu.memref_slice %arg7[%run_scoped3A_119, %dma_wait3A_1193] : memref<13x1024xi32, #tpu.memory_space<vmem>> -> memref<1x1024xi32, #tpu.memory_space<vmem>>
      %dma_wait3A_1195 = tpu.memref_squeeze %dma_wait3A_1194 : memref<1x1024xi32, #tpu.memory_space<vmem>> -> memref<1024xi32, #tpu.memory_space<vmem>>
      %dma_wait3A_1196 = tpu.memref_slice %arg2[%mul3A_118] : memref<425984xi32, #tpu.memory_space<hbm>> -> memref<1024xi32, #tpu.memory_space<hbm>>
      %dma_wait3A_1197 = arith.constant 0 : i32
      %dma_wait3A_1198 = tpu.memref_slice %arg7[%run_scoped3A_119, %dma_wait3A_1197] : memref<13x1024xi32, #tpu.memory_space<vmem>> -> memref<1x1024xi32, #tpu.memory_space<vmem>>
      %dma_wait3A_1199 = tpu.memref_squeeze %dma_wait3A_1198 : memref<1x1024xi32, #tpu.memory_space<vmem>> -> memref<1024xi32, #tpu.memory_space<vmem>>
      %dma_wait3A_1200 = tpu.memref_slice %arg2[%mul3A_118] : memref<425984xi32, #tpu.memory_space<hbm>> -> memref<1024xi32, #tpu.memory_space<hbm>>
      tpu.wait_dma2 semaphore(%run_scoped3A_1184 : memref<!tpu.dma_semaphore, #tpu.memory_space<semaphore_mem>>) src(%dma_wait3A_1200 : memref<1024xi32, #tpu.memory_space<hbm>>) dst(%dma_wait3A_1199 : memref<1024xi32, #tpu.memory_space<vmem>>)
      tpu.yield
    }) : () -> ()
    %get3A_120 = arith.index_cast %select_n3A_116 : i32 to index
    %get3A_121 = tpu.vector_load %arg6[%get3A_120] {strides = array<i32>} : memref<48xi32, #tpu.memory_space<vmem>>, vector<16xi32>,
    %get3A_122 = vector.shape_cast %get3A_121 : vector<16xi32> to vector<16xi32>
    %slice3A_123 = vector.extract_strided_slice %get3A_122 {offsets = [0], sizes = [1], strides = [1]} : vector<16xi32> to vector<1xi32>
    %squeeze3A_124 = vector.extract %slice3A_123[0] : i32 from vector<1xi32>
    %scan3A_125 = arith.constant 0 : i32
    %scan3A_126 = arith.constant 64 : i32
    %scan3A_127 = arith.addi %scan3A_125, %scan3A_126 : i32
    %scan3A_128 = arith.constant 1 : i32
    scf.for %scan3A_1184 = %scan3A_125 to %scan3A_127 step %scan3A_128  : i32 {
      %mul3A_1185 = arith.constant 16 : i32
      %mul3A_1186 = arith.muli %scan3A_1184, %mul3A_1185 : i32
      %get3A_1187 = arith.constant 2 : i32
      %get3A_1188 = arith.index_cast %get3A_1187 : i32 to index
      %get3A_1189 = arith.index_cast %mul3A_1186 : i32 to index
      %get3A_1190 = tpu.vector_load %arg7[%get3A_1188, %get3A_1189] {strides = array<i32>} : memref<13x1024xi32, #tpu.memory_space<vmem>>, vector<1x16xi32>,
      %get3A_1191 = vector.shape_cast %get3A_1190 : vector<1x16xi32> to vector<16xi32>
      %add3A_1192 = vector.broadcast %squeeze3A_124 : i32 to vector<16xi32>
      %add3A_1193 = arith.addi %get3A_1191, %add3A_1192 : vector<16xi32>
      %swap3A = arith.constant 2 : i32
      %swap3A_1194 = arith.index_cast %swap3A : i32 to index
      %swap3A_1195 = arith.index_cast %mul3A_1186 : i32 to index
      %swap3A_1196 = tpu.vector_load %arg7[%swap3A_1194, %swap3A_1195] {strides = array<i32>} : memref<13x1024xi32, #tpu.memory_space<vmem>>, vector<1x16xi32>,
      %swap3A_1197 = vector.shape_cast %swap3A_1196 : vector<1x16xi32> to vector<16xi32>
      %swap3A_1198 = vector.shape_cast %add3A_1193 : vector<16xi32> to vector<1x16xi32>
      tpu.vector_store %arg7[%swap3A_1194, %swap3A_1195], %swap3A_1198 {strides = array<i32>} : memref<13x1024xi32, #tpu.memory_space<vmem>>, vector<1x16xi32>,
    }
    %scan3A_129 = arith.constant 64 : i32
    %dma_start3A_130 = arith.constant 2 : i32
    %dma_start3A_131 = arith.constant 2 : i32
    %dma_start3A_132 = arith.constant 0 : i32
    %dma_start3A_133 = arith.constant 0 : i32
    %dma_start3A_134 = tpu.memref_slice %arg8[%dma_start3A_131, %dma_start3A_132, %dma_start3A_133] : memref<3x1024x32xf32, #tpu.memory_space<vmem>> -> memref<1x1024x32xf32, #tpu.memory_space<vmem>>
    %dma_start3A_135 = tpu.memref_squeeze %dma_start3A_134 : memref<1x1024x32xf32, #tpu.memory_space<vmem>> -> memref<1024x32xf32, #tpu.memory_space<vmem>>
    %dma_start3A_136 = arith.constant 0 : i32
    %dma_start3A_137 = tpu.memref_slice %arg7[%dma_start3A_130, %dma_start3A_136] : memref<13x1024xi32, #tpu.memory_space<vmem>> -> memref<1x1024xi32, #tpu.memory_space<vmem>>
    %dma_start3A_138 = tpu.memref_squeeze %dma_start3A_137 : memref<1x1024xi32, #tpu.memory_space<vmem>> -> memref<1024xi32, #tpu.memory_space<vmem>>
    %dma_start3A_139 = arith.constant 0 : i32
    %dma_start3A_140 = arith.constant 0 : i32
    %dma_start3A_141 = tpu.memref_slice %arg3[%dma_start3A_139, %dma_start3A_140] : memref<2600000x32xf32, #tpu.memory_space<hbm>> -> memref<2600000x32xf32, #tpu.memory_space<hbm>>
    tpu.enqueue_indirect_dma source(%dma_start3A_141 : memref<2600000x32xf32, #tpu.memory_space<hbm>>) target(%dma_start3A_135 : memref<1024x32xf32, #tpu.memory_space<vmem>>) offsets(%dma_start3A_138 : memref<1024xi32, #tpu.memory_space<vmem>>) semaphore(%arg11 : memref<!tpu.dma_semaphore, #tpu.memory_space<semaphore_mem>>)
    %dma_wait3A = arith.constant 0 : i32
    %dma_wait3A_142 = arith.constant 0 : i32
    %dma_wait3A_143 = arith.constant 0 : i32
    %dma_wait3A_144 = arith.constant 0 : i32
    %dma_wait3A_145 = tpu.memref_slice %arg8[%dma_wait3A_142, %dma_wait3A_143, %dma_wait3A_144] : memref<3x1024x32xf32, #tpu.memory_space<vmem>> -> memref<1x1024x32xf32, #tpu.memory_space<vmem>>
    %dma_wait3A_146 = tpu.memref_squeeze %dma_wait3A_145 : memref<1x1024x32xf32, #tpu.memory_space<vmem>> -> memref<1024x32xf32, #tpu.memory_space<vmem>>
    %dma_wait3A_147 = arith.constant 0 : i32
    %dma_wait3A_148 = tpu.memref_slice %arg7[%dma_wait3A, %dma_wait3A_147] : memref<13x1024xi32, #tpu.memory_space<vmem>> -> memref<1x1024xi32, #tpu.memory_space<vmem>>
    %dma_wait3A_149 = tpu.memref_squeeze %dma_wait3A_148 : memref<1x1024xi32, #tpu.memory_space<vmem>> -> memref<1024xi32, #tpu.memory_space<vmem>>
    %dma_wait3A_150 = arith.constant 0 : i32
    %dma_wait3A_151 = arith.constant 0 : i32
    %dma_wait3A_152 = tpu.memref_slice %arg3[%dma_wait3A_150, %dma_wait3A_151] : memref<2600000x32xf32, #tpu.memory_space<hbm>> -> memref<2600000x32xf32, #tpu.memory_space<hbm>>
    tpu.wait_indirect_dma semaphore(%arg9 : memref<!tpu.dma_semaphore, #tpu.memory_space<semaphore_mem>>) src(%dma_wait3A_152 : memref<2600000x32xf32, #tpu.memory_space<hbm>>) dst(%dma_wait3A_146 : memref<1024x32xf32, #tpu.memory_space<vmem>>)
    %add3A_153 = arith.constant 0 : i32
    %add3A_154 = arith.addi %mul3A_2, %add3A_153 : i32
    %mul3A_155 = arith.constant 1024 : i32
    %mul3A_156 = arith.muli %add3A_154, %mul3A_155 : i32
    %dma_start3A_157 = arith.constant 0 : i32
    %dma_start3A_158 = arith.constant 0 : i32
    %dma_start3A_159 = arith.constant 0 : i32
    %dma_start3A_160 = tpu.memref_slice %arg8[%dma_start3A_157, %dma_start3A_158, %dma_start3A_159] : memref<3x1024x32xf32, #tpu.memory_space<vmem>> -> memref<1x1024x32xf32, #tpu.memory_space<vmem>>
    %dma_start3A_161 = tpu.memref_squeeze %dma_start3A_160 : memref<1x1024x32xf32, #tpu.memory_space<vmem>> -> memref<1024x32xf32, #tpu.memory_space<vmem>>
    %dma_start3A_162 = arith.constant 0 : i32
    %dma_start3A_163 = tpu.memref_slice %arg5[%mul3A_156, %dma_start3A_162] : memref<425984x32xf32, #tpu.memory_space<hbm>> -> memref<1024x32xf32, #tpu.memory_space<hbm>>
    %dma_start3A_164 = arith.constant 0 : i32
    %dma_start3A_165 = tpu.memref_slice %arg5[%mul3A_156, %dma_start3A_164] : memref<425984x32xf32, #tpu.memory_space<hbm>> -> memref<1024x32xf32, #tpu.memory_space<hbm>>
    %dma_start3A_166 = arith.constant 0 : i32
    %dma_start3A_167 = arith.constant 0 : i32
    %dma_start3A_168 = tpu.memref_slice %arg8[%dma_start3A_157, %dma_start3A_166, %dma_start3A_167] : memref<3x1024x32xf32, #tpu.memory_space<vmem>> -> memref<1x1024x32xf32, #tpu.memory_space<vmem>>
    %dma_start3A_169 = tpu.memref_squeeze %dma_start3A_168 : memref<1x1024x32xf32, #tpu.memory_space<vmem>> -> memref<1024x32xf32, #tpu.memory_space<vmem>>
    tpu.enqueue_dma source(%dma_start3A_169 : memref<1024x32xf32, #tpu.memory_space<vmem>>) target(%dma_start3A_165 : memref<1024x32xf32, #tpu.memory_space<hbm>>) target_semaphore(%arg12 : memref<!tpu.dma_semaphore, #tpu.memory_space<semaphore_mem>>)
    %dma_wait3A_170 = arith.constant 0 : i32
    %dma_wait3A_171 = arith.constant 0 : i32
    %dma_wait3A_172 = arith.constant 0 : i32
    %dma_wait3A_173 = tpu.memref_slice %arg8[%dma_wait3A_170, %dma_wait3A_171, %dma_wait3A_172] : memref<3x1024x32xf32, #tpu.memory_space<vmem>> -> memref<1x1024x32xf32, #tpu.memory_space<vmem>>
    %dma_wait3A_174 = tpu.memref_squeeze %dma_wait3A_173 : memref<1x1024x32xf32, #tpu.memory_space<vmem>> -> memref<1024x32xf32, #tpu.memory_space<vmem>>
    %dma_wait3A_175 = arith.constant 0 : i32
    %dma_wait3A_176 = tpu.memref_slice %arg5[%mul3A_156, %dma_wait3A_175] : memref<425984x32xf32, #tpu.memory_space<hbm>> -> memref<1024x32xf32, #tpu.memory_space<hbm>>
    %dma_wait3A_177 = arith.constant 0 : i32
    %dma_wait3A_178 = tpu.memref_slice %arg5[%mul3A_156, %dma_wait3A_177] : memref<425984x32xf32, #tpu.memory_space<hbm>> -> memref<1024x32xf32, #tpu.memory_space<hbm>>
    %dma_wait3A_179 = arith.constant 0 : i32
    %dma_wait3A_180 = arith.constant 0 : i32
    %dma_wait3A_181 = tpu.memref_slice %arg8[%dma_wait3A_170, %dma_wait3A_179, %dma_wait3A_180] : memref<3x1024x32xf32, #tpu.memory_space<vmem>> -> memref<1x1024x32xf32, #tpu.memory_space<vmem>>
    %dma_wait3A_182 = tpu.memref_squeeze %dma_wait3A_181 : memref<1x1024x32xf32, #tpu.memory_space<vmem>> -> memref<1024x32xf32, #tpu.memory_space<vmem>>
    tpu.wait_dma2 semaphore(%arg12 : memref<!tpu.dma_semaphore, #tpu.memory_space<semaphore_mem>>) src(%dma_wait3A_182 : memref<1024x32xf32, #tpu.memory_space<vmem>>) dst(%dma_wait3A_178 : memref<1024x32xf32, #tpu.memory_space<hbm>>)
    %add3A_183 = arith.constant 3 : i32
    %add3A_184 = arith.addi %mul3A_2, %add3A_183 : i32
    %jit3A_185 = arith.constant 16 : i32
    %div3A_186 = arith.divsi %add3A_184, %jit3A_185 : i32
    %sign3A_187 = arith.constant 0 : i32
    %sign3A_188 = arith.cmpi sgt, %add3A_184, %sign3A_187 : i32
    %sign3A_189 = arith.extui %sign3A_188 : i1 to i32
    %sign3A_190 = arith.constant 0 : i32
    %sign3A_191 = arith.cmpi slt, %add3A_184, %sign3A_190 : i32
    %sign3A_192 = arith.extui %sign3A_191 : i1 to i32
    %sign3A_193 = arith.subi %sign3A_189, %sign3A_192 : i32
    %sign3A_194 = arith.constant 0 : i32
    %sign3A_195 = arith.cmpi sgt, %jit3A_185, %sign3A_194 : i32
    %sign3A_196 = arith.extui %sign3A_195 : i1 to i32
    %sign3A_197 = arith.constant 0 : i32
    %sign3A_198 = arith.cmpi slt, %jit3A_185, %sign3A_197 : i32
    %sign3A_199 = arith.extui %sign3A_198 : i1 to i32
    %sign3A_200 = arith.subi %sign3A_196, %sign3A_199 : i32
    %ne3A_201 = arith.cmpi ne, %sign3A_193, %sign3A_200 : i32
    %rem3A_202 = arith.remsi %add3A_184, %jit3A_185 : i32
    %ne3A_203 = arith.constant 0 : i32
    %ne3A_204 = arith.cmpi ne, %rem3A_202, %ne3A_203 : i32
    %and3A_205 = arith.andi %ne3A_201, %ne3A_204 : i1
    %sub3A_206 = arith.constant 1 : i32
    %sub3A_207 = arith.subi %div3A_186, %sub3A_206 : i32
    %select_n3A_208 = arith.select %and3A_205, %sub3A_207, %div3A_186 : i32
    %mul3A_209 = arith.constant 1024 : i32
    %mul3A_210 = arith.muli %add3A_184, %mul3A_209 : i32
    %run_scoped3A_211 = arith.constant 3 : i32
    "tpu.region"() ({
      %run_scoped3A_1184 = tpu.sem_alloc : memref<!tpu.dma_semaphore, #tpu.memory_space<semaphore_mem>>
      %dma_start3A_1185 = arith.constant 0 : i32
      %dma_start3A_1186 = tpu.memref_slice %arg7[%run_scoped3A_211, %dma_start3A_1185] : memref<13x1024xi32, #tpu.memory_space<vmem>> -> memref<1x1024xi32, #tpu.memory_space<vmem>>
      %dma_start3A_1187 = tpu.memref_squeeze %dma_start3A_1186 : memref<1x1024xi32, #tpu.memory_space<vmem>> -> memref<1024xi32, #tpu.memory_space<vmem>>
      %dma_start3A_1188 = tpu.memref_slice %arg2[%mul3A_210] : memref<425984xi32, #tpu.memory_space<hbm>> -> memref<1024xi32, #tpu.memory_space<hbm>>
      %dma_start3A_1189 = arith.constant 0 : i32
      %dma_start3A_1190 = tpu.memref_slice %arg7[%run_scoped3A_211, %dma_start3A_1189] : memref<13x1024xi32, #tpu.memory_space<vmem>> -> memref<1x1024xi32, #tpu.memory_space<vmem>>
      %dma_start3A_1191 = tpu.memref_squeeze %dma_start3A_1190 : memref<1x1024xi32, #tpu.memory_space<vmem>> -> memref<1024xi32, #tpu.memory_space<vmem>>
      %dma_start3A_1192 = tpu.memref_slice %arg2[%mul3A_210] : memref<425984xi32, #tpu.memory_space<hbm>> -> memref<1024xi32, #tpu.memory_space<hbm>>
      tpu.enqueue_dma source(%dma_start3A_1192 : memref<1024xi32, #tpu.memory_space<hbm>>) target(%dma_start3A_1191 : memref<1024xi32, #tpu.memory_space<vmem>>) target_semaphore(%run_scoped3A_1184 : memref<!tpu.dma_semaphore, #tpu.memory_space<semaphore_mem>>)
      %dma_wait3A_1193 = arith.constant 0 : i32
      %dma_wait3A_1194 = tpu.memref_slice %arg7[%run_scoped3A_211, %dma_wait3A_1193] : memref<13x1024xi32, #tpu.memory_space<vmem>> -> memref<1x1024xi32, #tpu.memory_space<vmem>>
      %dma_wait3A_1195 = tpu.memref_squeeze %dma_wait3A_1194 : memref<1x1024xi32, #tpu.memory_space<vmem>> -> memref<1024xi32, #tpu.memory_space<vmem>>
      %dma_wait3A_1196 = tpu.memref_slice %arg2[%mul3A_210] : memref<425984xi32, #tpu.memory_space<hbm>> -> memref<1024xi32, #tpu.memory_space<hbm>>
      %dma_wait3A_1197 = arith.constant 0 : i32
      %dma_wait3A_1198 = tpu.memref_slice %arg7[%run_scoped3A_211, %dma_wait3A_1197] : memref<13x1024xi32, #tpu.memory_space<vmem>> -> memref<1x1024xi32, #tpu.memory_space<vmem>>
      %dma_wait3A_1199 = tpu.memref_squeeze %dma_wait3A_1198 : memref<1x1024xi32, #tpu.memory_space<vmem>> -> memref<1024xi32, #tpu.memory_space<vmem>>
      %dma_wait3A_1200 = tpu.memref_slice %arg2[%mul3A_210] : memref<425984xi32, #tpu.memory_space<hbm>> -> memref<1024xi32, #tpu.memory_space<hbm>>
      tpu.wait_dma2 semaphore(%run_scoped3A_1184 : memref<!tpu.dma_semaphore, #tpu.memory_space<semaphore_mem>>) src(%dma_wait3A_1200 : memref<1024xi32, #tpu.memory_space<hbm>>) dst(%dma_wait3A_1199 : memref<1024xi32, #tpu.memory_space<vmem>>)
      tpu.yield
    }) : () -> ()
    %get3A_212 = arith.index_cast %select_n3A_208 : i32 to index
    %get3A_213 = tpu.vector_load %arg6[%get3A_212] {strides = array<i32>} : memref<48xi32, #tpu.memory_space<vmem>>, vector<16xi32>,
    %get3A_214 = vector.shape_cast %get3A_213 : vector<16xi32> to vector<16xi32>
    %slice3A_215 = vector.extract_strided_slice %get3A_214 {offsets = [0], sizes = [1], strides = [1]} : vector<16xi32> to vector<1xi32>
    %squeeze3A_216 = vector.extract %slice3A_215[0] : i32 from vector<1xi32>
    %scan3A_217 = arith.constant 0 : i32
    %scan3A_218 = arith.constant 64 : i32
    %scan3A_219 = arith.addi %scan3A_217, %scan3A_218 : i32
    %scan3A_220 = arith.constant 1 : i32
    scf.for %scan3A_1184 = %scan3A_217 to %scan3A_219 step %scan3A_220  : i32 {
      %mul3A_1185 = arith.constant 16 : i32
      %mul3A_1186 = arith.muli %scan3A_1184, %mul3A_1185 : i32
      %get3A_1187 = arith.constant 3 : i32
      %get3A_1188 = arith.index_cast %get3A_1187 : i32 to index
      %get3A_1189 = arith.index_cast %mul3A_1186 : i32 to index
      %get3A_1190 = tpu.vector_load %arg7[%get3A_1188, %get3A_1189] {strides = array<i32>} : memref<13x1024xi32, #tpu.memory_space<vmem>>, vector<1x16xi32>,
      %get3A_1191 = vector.shape_cast %get3A_1190 : vector<1x16xi32> to vector<16xi32>
      %add3A_1192 = vector.broadcast %squeeze3A_216 : i32 to vector<16xi32>
      %add3A_1193 = arith.addi %get3A_1191, %add3A_1192 : vector<16xi32>
      %swap3A = arith.constant 3 : i32
      %swap3A_1194 = arith.index_cast %swap3A : i32 to index
      %swap3A_1195 = arith.index_cast %mul3A_1186 : i32 to index
      %swap3A_1196 = tpu.vector_load %arg7[%swap3A_1194, %swap3A_1195] {strides = array<i32>} : memref<13x1024xi32, #tpu.memory_space<vmem>>, vector<1x16xi32>,
      %swap3A_1197 = vector.shape_cast %swap3A_1196 : vector<1x16xi32> to vector<16xi32>
      %swap3A_1198 = vector.shape_cast %add3A_1193 : vector<16xi32> to vector<1x16xi32>
      tpu.vector_store %arg7[%swap3A_1194, %swap3A_1195], %swap3A_1198 {strides = array<i32>} : memref<13x1024xi32, #tpu.memory_space<vmem>>, vector<1x16xi32>,
    }
    %scan3A_221 = arith.constant 64 : i32
    %dma_start3A_222 = arith.constant 3 : i32
    %dma_start3A_223 = arith.constant 0 : i32
    %dma_start3A_224 = arith.constant 0 : i32
    %dma_start3A_225 = arith.constant 0 : i32
    %dma_start3A_226 = tpu.memref_slice %arg8[%dma_start3A_223, %dma_start3A_224, %dma_start3A_225] : memref<3x1024x32xf32, #tpu.memory_space<vmem>> -> memref<1x1024x32xf32, #tpu.memory_space<vmem>>
    %dma_start3A_227 = tpu.memref_squeeze %dma_start3A_226 : memref<1x1024x32xf32, #tpu.memory_space<vmem>> -> memref<1024x32xf32, #tpu.memory_space<vmem>>
    %dma_start3A_228 = arith.constant 0 : i32
    %dma_start3A_229 = tpu.memref_slice %arg7[%dma_start3A_222, %dma_start3A_228] : memref<13x1024xi32, #tpu.memory_space<vmem>> -> memref<1x1024xi32, #tpu.memory_space<vmem>>
    %dma_start3A_230 = tpu.memref_squeeze %dma_start3A_229 : memref<1x1024xi32, #tpu.memory_space<vmem>> -> memref<1024xi32, #tpu.memory_space<vmem>>
    %dma_start3A_231 = arith.constant 0 : i32
    %dma_start3A_232 = arith.constant 0 : i32
    %dma_start3A_233 = tpu.memref_slice %arg3[%dma_start3A_231, %dma_start3A_232] : memref<2600000x32xf32, #tpu.memory_space<hbm>> -> memref<2600000x32xf32, #tpu.memory_space<hbm>>
    tpu.enqueue_indirect_dma source(%dma_start3A_233 : memref<2600000x32xf32, #tpu.memory_space<hbm>>) target(%dma_start3A_227 : memref<1024x32xf32, #tpu.memory_space<vmem>>) offsets(%dma_start3A_230 : memref<1024xi32, #tpu.memory_space<vmem>>) semaphore(%arg9 : memref<!tpu.dma_semaphore, #tpu.memory_space<semaphore_mem>>)
    %dma_wait3A_234 = arith.constant 1 : i32
    %dma_wait3A_235 = arith.constant 1 : i32
    %dma_wait3A_236 = arith.constant 0 : i32
    %dma_wait3A_237 = arith.constant 0 : i32
    %dma_wait3A_238 = tpu.memref_slice %arg8[%dma_wait3A_235, %dma_wait3A_236, %dma_wait3A_237] : memref<3x1024x32xf32, #tpu.memory_space<vmem>> -> memref<1x1024x32xf32, #tpu.memory_space<vmem>>
    %dma_wait3A_239 = tpu.memref_squeeze %dma_wait3A_238 : memref<1x1024x32xf32, #tpu.memory_space<vmem>> -> memref<1024x32xf32, #tpu.memory_space<vmem>>
    %dma_wait3A_240 = arith.constant 0 : i32
    %dma_wait3A_241 = tpu.memref_slice %arg7[%dma_wait3A_234, %dma_wait3A_240] : memref<13x1024xi32, #tpu.memory_space<vmem>> -> memref<1x1024xi32, #tpu.memory_space<vmem>>
    %dma_wait3A_242 = tpu.memref_squeeze %dma_wait3A_241 : memref<1x1024xi32, #tpu.memory_space<vmem>> -> memref<1024xi32, #tpu.memory_space<vmem>>
    %dma_wait3A_243 = arith.constant 0 : i32
    %dma_wait3A_244 = arith.constant 0 : i32
    %dma_wait3A_245 = tpu.memref_slice %arg3[%dma_wait3A_243, %dma_wait3A_244] : memref<2600000x32xf32, #tpu.memory_space<hbm>> -> memref<2600000x32xf32, #tpu.memory_space<hbm>>
    tpu.wait_indirect_dma semaphore(%arg10 : memref<!tpu.dma_semaphore, #tpu.memory_space<semaphore_mem>>) src(%dma_wait3A_245 : memref<2600000x32xf32, #tpu.memory_space<hbm>>) dst(%dma_wait3A_239 : memref<1024x32xf32, #tpu.memory_space<vmem>>)
    %add3A_246 = arith.constant 1 : i32
    %add3A_247 = arith.addi %mul3A_2, %add3A_246 : i32
    %mul3A_248 = arith.constant 1024 : i32
    %mul3A_249 = arith.muli %add3A_247, %mul3A_248 : i32
    %dma_start3A_250 = arith.constant 1 : i32
    %dma_start3A_251 = arith.constant 0 : i32
    %dma_start3A_252 = arith.constant 0 : i32
    %dma_start3A_253 = tpu.memref_slice %arg8[%dma_start3A_250, %dma_start3A_251, %dma_start3A_252] : memref<3x1024x32xf32, #tpu.memory_space<vmem>> -> memref<1x1024x32xf32, #tpu.memory_space<vmem>>
    %dma_start3A_254 = tpu.memref_squeeze %dma_start3A_253 : memref<1x1024x32xf32, #tpu.memory_space<vmem>> -> memref<1024x32xf32, #tpu.memory_space<vmem>>
    %dma_start3A_255 = arith.constant 0 : i32
    %dma_start3A_256 = tpu.memref_slice %arg5[%mul3A_249, %dma_start3A_255] : memref<425984x32xf32, #tpu.memory_space<hbm>> -> memref<1024x32xf32, #tpu.memory_space<hbm>>
    %dma_start3A_257 = arith.constant 0 : i32
    %dma_start3A_258 = tpu.memref_slice %arg5[%mul3A_249, %dma_start3A_257] : memref<425984x32xf32, #tpu.memory_space<hbm>> -> memref<1024x32xf32, #tpu.memory_space<hbm>>
    %dma_start3A_259 = arith.constant 0 : i32
    %dma_start3A_260 = arith.constant 0 : i32
    %dma_start3A_261 = tpu.memref_slice %arg8[%dma_start3A_250, %dma_start3A_259, %dma_start3A_260] : memref<3x1024x32xf32, #tpu.memory_space<vmem>> -> memref<1x1024x32xf32, #tpu.memory_space<vmem>>
    %dma_start3A_262 = tpu.memref_squeeze %dma_start3A_261 : memref<1x1024x32xf32, #tpu.memory_space<vmem>> -> memref<1024x32xf32, #tpu.memory_space<vmem>>
    tpu.enqueue_dma source(%dma_start3A_262 : memref<1024x32xf32, #tpu.memory_space<vmem>>) target(%dma_start3A_258 : memref<1024x32xf32, #tpu.memory_space<hbm>>) target_semaphore(%arg12 : memref<!tpu.dma_semaphore, #tpu.memory_space<semaphore_mem>>)
    %dma_wait3A_263 = arith.constant 1 : i32
    %dma_wait3A_264 = arith.constant 0 : i32
    %dma_wait3A_265 = arith.constant 0 : i32
    %dma_wait3A_266 = tpu.memref_slice %arg8[%dma_wait3A_263, %dma_wait3A_264, %dma_wait3A_265] : memref<3x1024x32xf32, #tpu.memory_space<vmem>> -> memref<1x1024x32xf32, #tpu.memory_space<vmem>>
    %dma_wait3A_267 = tpu.memref_squeeze %dma_wait3A_266 : memref<1x1024x32xf32, #tpu.memory_space<vmem>> -> memref<1024x32xf32, #tpu.memory_space<vmem>>
    %dma_wait3A_268 = arith.constant 0 : i32
    %dma_wait3A_269 = tpu.memref_slice %arg5[%mul3A_249, %dma_wait3A_268] : memref<425984x32xf32, #tpu.memory_space<hbm>> -> memref<1024x32xf32, #tpu.memory_space<hbm>>
    %dma_wait3A_270 = arith.constant 0 : i32
    %dma_wait3A_271 = tpu.memref_slice %arg5[%mul3A_249, %dma_wait3A_270] : memref<425984x32xf32, #tpu.memory_space<hbm>> -> memref<1024x32xf32, #tpu.memory_space<hbm>>
    %dma_wait3A_272 = arith.constant 0 : i32
    %dma_wait3A_273 = arith.constant 0 : i32
    %dma_wait3A_274 = tpu.memref_slice %arg8[%dma_wait3A_263, %dma_wait3A_272, %dma_wait3A_273] : memref<3x1024x32xf32, #tpu.memory_space<vmem>> -> memref<1x1024x32xf32, #tpu.memory_space<vmem>>
    %dma_wait3A_275 = tpu.memref_squeeze %dma_wait3A_274 : memref<1x1024x32xf32, #tpu.memory_space<vmem>> -> memref<1024x32xf32, #tpu.memory_space<vmem>>
    tpu.wait_dma2 semaphore(%arg12 : memref<!tpu.dma_semaphore, #tpu.memory_space<semaphore_mem>>) src(%dma_wait3A_275 : memref<1024x32xf32, #tpu.memory_space<vmem>>) dst(%dma_wait3A_271 : memref<1024x32xf32, #tpu.memory_space<hbm>>)
    %add3A_276 = arith.constant 4 : i32
    %add3A_277 = arith.addi %mul3A_2, %add3A_276 : i32
    %jit3A_278 = arith.constant 16 : i32
    %div3A_279 = arith.divsi %add3A_277, %jit3A_278 : i32
    %sign3A_280 = arith.constant 0 : i32
    %sign3A_281 = arith.cmpi sgt, %add3A_277, %sign3A_280 : i32
    %sign3A_282 = arith.extui %sign3A_281 : i1 to i32
    %sign3A_283 = arith.constant 0 : i32
    %sign3A_284 = arith.cmpi slt, %add3A_277, %sign3A_283 : i32
    %sign3A_285 = arith.extui %sign3A_284 : i1 to i32
    %sign3A_286 = arith.subi %sign3A_282, %sign3A_285 : i32
    %sign3A_287 = arith.constant 0 : i32
    %sign3A_288 = arith.cmpi sgt, %jit3A_278, %sign3A_287 : i32
    %sign3A_289 = arith.extui %sign3A_288 : i1 to i32
    %sign3A_290 = arith.constant 0 : i32
    %sign3A_291 = arith.cmpi slt, %jit3A_278, %sign3A_290 : i32
    %sign3A_292 = arith.extui %sign3A_291 : i1 to i32
    %sign3A_293 = arith.subi %sign3A_289, %sign3A_292 : i32
    %ne3A_294 = arith.cmpi ne, %sign3A_286, %sign3A_293 : i32
    %rem3A_295 = arith.remsi %add3A_277, %jit3A_278 : i32
    %ne3A_296 = arith.constant 0 : i32
    %ne3A_297 = arith.cmpi ne, %rem3A_295, %ne3A_296 : i32
    %and3A_298 = arith.andi %ne3A_294, %ne3A_297 : i1
    %sub3A_299 = arith.constant 1 : i32
    %sub3A_300 = arith.subi %div3A_279, %sub3A_299 : i32
    %select_n3A_301 = arith.select %and3A_298, %sub3A_300, %div3A_279 : i32
    %mul3A_302 = arith.constant 1024 : i32
    %mul3A_303 = arith.muli %add3A_277, %mul3A_302 : i32
    %run_scoped3A_304 = arith.constant 4 : i32
    "tpu.region"() ({
      %run_scoped3A_1184 = tpu.sem_alloc : memref<!tpu.dma_semaphore, #tpu.memory_space<semaphore_mem>>
      %dma_start3A_1185 = arith.constant 0 : i32
      %dma_start3A_1186 = tpu.memref_slice %arg7[%run_scoped3A_304, %dma_start3A_1185] : memref<13x1024xi32, #tpu.memory_space<vmem>> -> memref<1x1024xi32, #tpu.memory_space<vmem>>
      %dma_start3A_1187 = tpu.memref_squeeze %dma_start3A_1186 : memref<1x1024xi32, #tpu.memory_space<vmem>> -> memref<1024xi32, #tpu.memory_space<vmem>>
      %dma_start3A_1188 = tpu.memref_slice %arg2[%mul3A_303] : memref<425984xi32, #tpu.memory_space<hbm>> -> memref<1024xi32, #tpu.memory_space<hbm>>
      %dma_start3A_1189 = arith.constant 0 : i32
      %dma_start3A_1190 = tpu.memref_slice %arg7[%run_scoped3A_304, %dma_start3A_1189] : memref<13x1024xi32, #tpu.memory_space<vmem>> -> memref<1x1024xi32, #tpu.memory_space<vmem>>
      %dma_start3A_1191 = tpu.memref_squeeze %dma_start3A_1190 : memref<1x1024xi32, #tpu.memory_space<vmem>> -> memref<1024xi32, #tpu.memory_space<vmem>>
      %dma_start3A_1192 = tpu.memref_slice %arg2[%mul3A_303] : memref<425984xi32, #tpu.memory_space<hbm>> -> memref<1024xi32, #tpu.memory_space<hbm>>
      tpu.enqueue_dma source(%dma_start3A_1192 : memref<1024xi32, #tpu.memory_space<hbm>>) target(%dma_start3A_1191 : memref<1024xi32, #tpu.memory_space<vmem>>) target_semaphore(%run_scoped3A_1184 : memref<!tpu.dma_semaphore, #tpu.memory_space<semaphore_mem>>)
      %dma_wait3A_1193 = arith.constant 0 : i32
      %dma_wait3A_1194 = tpu.memref_slice %arg7[%run_scoped3A_304, %dma_wait3A_1193] : memref<13x1024xi32, #tpu.memory_space<vmem>> -> memref<1x1024xi32, #tpu.memory_space<vmem>>
      %dma_wait3A_1195 = tpu.memref_squeeze %dma_wait3A_1194 : memref<1x1024xi32, #tpu.memory_space<vmem>> -> memref<1024xi32, #tpu.memory_space<vmem>>
      %dma_wait3A_1196 = tpu.memref_slice %arg2[%mul3A_303] : memref<425984xi32, #tpu.memory_space<hbm>> -> memref<1024xi32, #tpu.memory_space<hbm>>
      %dma_wait3A_1197 = arith.constant 0 : i32
      %dma_wait3A_1198 = tpu.memref_slice %arg7[%run_scoped3A_304, %dma_wait3A_1197] : memref<13x1024xi32, #tpu.memory_space<vmem>> -> memref<1x1024xi32, #tpu.memory_space<vmem>>
      %dma_wait3A_1199 = tpu.memref_squeeze %dma_wait3A_1198 : memref<1x1024xi32, #tpu.memory_space<vmem>> -> memref<1024xi32, #tpu.memory_space<vmem>>
      %dma_wait3A_1200 = tpu.memref_slice %arg2[%mul3A_303] : memref<425984xi32, #tpu.memory_space<hbm>> -> memref<1024xi32, #tpu.memory_space<hbm>>
      tpu.wait_dma2 semaphore(%run_scoped3A_1184 : memref<!tpu.dma_semaphore, #tpu.memory_space<semaphore_mem>>) src(%dma_wait3A_1200 : memref<1024xi32, #tpu.memory_space<hbm>>) dst(%dma_wait3A_1199 : memref<1024xi32, #tpu.memory_space<vmem>>)
      tpu.yield
    }) : () -> ()
    %get3A_305 = arith.index_cast %select_n3A_301 : i32 to index
    %get3A_306 = tpu.vector_load %arg6[%get3A_305] {strides = array<i32>} : memref<48xi32, #tpu.memory_space<vmem>>, vector<16xi32>,
    %get3A_307 = vector.shape_cast %get3A_306 : vector<16xi32> to vector<16xi32>
    %slice3A_308 = vector.extract_strided_slice %get3A_307 {offsets = [0], sizes = [1], strides = [1]} : vector<16xi32> to vector<1xi32>
    %squeeze3A_309 = vector.extract %slice3A_308[0] : i32 from vector<1xi32>
    %scan3A_310 = arith.constant 0 : i32
    %scan3A_311 = arith.constant 64 : i32
    %scan3A_312 = arith.addi %scan3A_310, %scan3A_311 : i32
    %scan3A_313 = arith.constant 1 : i32
    scf.for %scan3A_1184 = %scan3A_310 to %scan3A_312 step %scan3A_313  : i32 {
      %mul3A_1185 = arith.constant 16 : i32
      %mul3A_1186 = arith.muli %scan3A_1184, %mul3A_1185 : i32
      %get3A_1187 = arith.constant 4 : i32
      %get3A_1188 = arith.index_cast %get3A_1187 : i32 to index
      %get3A_1189 = arith.index_cast %mul3A_1186 : i32 to index
      %get3A_1190 = tpu.vector_load %arg7[%get3A_1188, %get3A_1189] {strides = array<i32>} : memref<13x1024xi32, #tpu.memory_space<vmem>>, vector<1x16xi32>,
      %get3A_1191 = vector.shape_cast %get3A_1190 : vector<1x16xi32> to vector<16xi32>
      %add3A_1192 = vector.broadcast %squeeze3A_309 : i32 to vector<16xi32>
      %add3A_1193 = arith.addi %get3A_1191, %add3A_1192 : vector<16xi32>
      %swap3A = arith.constant 4 : i32
      %swap3A_1194 = arith.index_cast %swap3A : i32 to index
      %swap3A_1195 = arith.index_cast %mul3A_1186 : i32 to index
      %swap3A_1196 = tpu.vector_load %arg7[%swap3A_1194, %swap3A_1195] {strides = array<i32>} : memref<13x1024xi32, #tpu.memory_space<vmem>>, vector<1x16xi32>,
      %swap3A_1197 = vector.shape_cast %swap3A_1196 : vector<1x16xi32> to vector<16xi32>
      %swap3A_1198 = vector.shape_cast %add3A_1193 : vector<16xi32> to vector<1x16xi32>
      tpu.vector_store %arg7[%swap3A_1194, %swap3A_1195], %swap3A_1198 {strides = array<i32>} : memref<13x1024xi32, #tpu.memory_space<vmem>>, vector<1x16xi32>,
    }
    %scan3A_314 = arith.constant 64 : i32
    %dma_start3A_315 = arith.constant 4 : i32
    %dma_start3A_316 = arith.constant 1 : i32
    %dma_start3A_317 = arith.constant 0 : i32
    %dma_start3A_318 = arith.constant 0 : i32
    %dma_start3A_319 = tpu.memref_slice %arg8[%dma_start3A_316, %dma_start3A_317, %dma_start3A_318] : memref<3x1024x32xf32, #tpu.memory_space<vmem>> -> memref<1x1024x32xf32, #tpu.memory_space<vmem>>
    %dma_start3A_320 = tpu.memref_squeeze %dma_start3A_319 : memref<1x1024x32xf32, #tpu.memory_space<vmem>> -> memref<1024x32xf32, #tpu.memory_space<vmem>>
    %dma_start3A_321 = arith.constant 0 : i32
    %dma_start3A_322 = tpu.memref_slice %arg7[%dma_start3A_315, %dma_start3A_321] : memref<13x1024xi32, #tpu.memory_space<vmem>> -> memref<1x1024xi32, #tpu.memory_space<vmem>>
    %dma_start3A_323 = tpu.memref_squeeze %dma_start3A_322 : memref<1x1024xi32, #tpu.memory_space<vmem>> -> memref<1024xi32, #tpu.memory_space<vmem>>
    %dma_start3A_324 = arith.constant 0 : i32
    %dma_start3A_325 = arith.constant 0 : i32
    %dma_start3A_326 = tpu.memref_slice %arg3[%dma_start3A_324, %dma_start3A_325] : memref<2600000x32xf32, #tpu.memory_space<hbm>> -> memref<2600000x32xf32, #tpu.memory_space<hbm>>
    tpu.enqueue_indirect_dma source(%dma_start3A_326 : memref<2600000x32xf32, #tpu.memory_space<hbm>>) target(%dma_start3A_320 : memref<1024x32xf32, #tpu.memory_space<vmem>>) offsets(%dma_start3A_323 : memref<1024xi32, #tpu.memory_space<vmem>>) semaphore(%arg10 : memref<!tpu.dma_semaphore, #tpu.memory_space<semaphore_mem>>)
    %dma_wait3A_327 = arith.constant 2 : i32
    %dma_wait3A_328 = arith.constant 2 : i32
    %dma_wait3A_329 = arith.constant 0 : i32
    %dma_wait3A_330 = arith.constant 0 : i32
    %dma_wait3A_331 = tpu.memref_slice %arg8[%dma_wait3A_328, %dma_wait3A_329, %dma_wait3A_330] : memref<3x1024x32xf32, #tpu.memory_space<vmem>> -> memref<1x1024x32xf32, #tpu.memory_space<vmem>>
    %dma_wait3A_332 = tpu.memref_squeeze %dma_wait3A_331 : memref<1x1024x32xf32, #tpu.memory_space<vmem>> -> memref<1024x32xf32, #tpu.memory_space<vmem>>
    %dma_wait3A_333 = arith.constant 0 : i32
    %dma_wait3A_334 = tpu.memref_slice %arg7[%dma_wait3A_327, %dma_wait3A_333] : memref<13x1024xi32, #tpu.memory_space<vmem>> -> memref<1x1024xi32, #tpu.memory_space<vmem>>
    %dma_wait3A_335 = tpu.memref_squeeze %dma_wait3A_334 : memref<1x1024xi32, #tpu.memory_space<vmem>> -> memref<1024xi32, #tpu.memory_space<vmem>>
    %dma_wait3A_336 = arith.constant 0 : i32
    %dma_wait3A_337 = arith.constant 0 : i32
    %dma_wait3A_338 = tpu.memref_slice %arg3[%dma_wait3A_336, %dma_wait3A_337] : memref<2600000x32xf32, #tpu.memory_space<hbm>> -> memref<2600000x32xf32, #tpu.memory_space<hbm>>
    tpu.wait_indirect_dma semaphore(%arg11 : memref<!tpu.dma_semaphore, #tpu.memory_space<semaphore_mem>>) src(%dma_wait3A_338 : memref<2600000x32xf32, #tpu.memory_space<hbm>>) dst(%dma_wait3A_332 : memref<1024x32xf32, #tpu.memory_space<vmem>>)
    %add3A_339 = arith.constant 2 : i32
    %add3A_340 = arith.addi %mul3A_2, %add3A_339 : i32
    %mul3A_341 = arith.constant 1024 : i32
    %mul3A_342 = arith.muli %add3A_340, %mul3A_341 : i32
    %dma_start3A_343 = arith.constant 2 : i32
    %dma_start3A_344 = arith.constant 0 : i32
    %dma_start3A_345 = arith.constant 0 : i32
    %dma_start3A_346 = tpu.memref_slice %arg8[%dma_start3A_343, %dma_start3A_344, %dma_start3A_345] : memref<3x1024x32xf32, #tpu.memory_space<vmem>> -> memref<1x1024x32xf32, #tpu.memory_space<vmem>>
    %dma_start3A_347 = tpu.memref_squeeze %dma_start3A_346 : memref<1x1024x32xf32, #tpu.memory_space<vmem>> -> memref<1024x32xf32, #tpu.memory_space<vmem>>
    %dma_start3A_348 = arith.constant 0 : i32
    %dma_start3A_349 = tpu.memref_slice %arg5[%mul3A_342, %dma_start3A_348] : memref<425984x32xf32, #tpu.memory_space<hbm>> -> memref<1024x32xf32, #tpu.memory_space<hbm>>
    %dma_start3A_350 = arith.constant 0 : i32
    %dma_start3A_351 = tpu.memref_slice %arg5[%mul3A_342, %dma_start3A_350] : memref<425984x32xf32, #tpu.memory_space<hbm>> -> memref<1024x32xf32, #tpu.memory_space<hbm>>
    %dma_start3A_352 = arith.constant 0 : i32
    %dma_start3A_353 = arith.constant 0 : i32
    %dma_start3A_354 = tpu.memref_slice %arg8[%dma_start3A_343, %dma_start3A_352, %dma_start3A_353] : memref<3x1024x32xf32, #tpu.memory_space<vmem>> -> memref<1x1024x32xf32, #tpu.memory_space<vmem>>
    %dma_start3A_355 = tpu.memref_squeeze %dma_start3A_354 : memref<1x1024x32xf32, #tpu.memory_space<vmem>> -> memref<1024x32xf32, #tpu.memory_space<vmem>>
    tpu.enqueue_dma source(%dma_start3A_355 : memref<1024x32xf32, #tpu.memory_space<vmem>>) target(%dma_start3A_351 : memref<1024x32xf32, #tpu.memory_space<hbm>>) target_semaphore(%arg12 : memref<!tpu.dma_semaphore, #tpu.memory_space<semaphore_mem>>)
    %dma_wait3A_356 = arith.constant 2 : i32
    %dma_wait3A_357 = arith.constant 0 : i32
    %dma_wait3A_358 = arith.constant 0 : i32
    %dma_wait3A_359 = tpu.memref_slice %arg8[%dma_wait3A_356, %dma_wait3A_357, %dma_wait3A_358] : memref<3x1024x32xf32, #tpu.memory_space<vmem>> -> memref<1x1024x32xf32, #tpu.memory_space<vmem>>
    %dma_wait3A_360 = tpu.memref_squeeze %dma_wait3A_359 : memref<1x1024x32xf32, #tpu.memory_space<vmem>> -> memref<1024x32xf32, #tpu.memory_space<vmem>>
    %dma_wait3A_361 = arith.constant 0 : i32
    %dma_wait3A_362 = tpu.memref_slice %arg5[%mul3A_342, %dma_wait3A_361] : memref<425984x32xf32, #tpu.memory_space<hbm>> -> memref<1024x32xf32, #tpu.memory_space<hbm>>
    %dma_wait3A_363 = arith.constant 0 : i32
    %dma_wait3A_364 = tpu.memref_slice %arg5[%mul3A_342, %dma_wait3A_363] : memref<425984x32xf32, #tpu.memory_space<hbm>> -> memref<1024x32xf32, #tpu.memory_space<hbm>>
    %dma_wait3A_365 = arith.constant 0 : i32
    %dma_wait3A_366 = arith.constant 0 : i32
    %dma_wait3A_367 = tpu.memref_slice %arg8[%dma_wait3A_356, %dma_wait3A_365, %dma_wait3A_366] : memref<3x1024x32xf32, #tpu.memory_space<vmem>> -> memref<1x1024x32xf32, #tpu.memory_space<vmem>>
    %dma_wait3A_368 = tpu.memref_squeeze %dma_wait3A_367 : memref<1x1024x32xf32, #tpu.memory_space<vmem>> -> memref<1024x32xf32, #tpu.memory_space<vmem>>
    tpu.wait_dma2 semaphore(%arg12 : memref<!tpu.dma_semaphore, #tpu.memory_space<semaphore_mem>>) src(%dma_wait3A_368 : memref<1024x32xf32, #tpu.memory_space<vmem>>) dst(%dma_wait3A_364 : memref<1024x32xf32, #tpu.memory_space<hbm>>)
    %add3A_369 = arith.constant 5 : i32
    %add3A_370 = arith.addi %mul3A_2, %add3A_369 : i32
    %jit3A_371 = arith.constant 16 : i32
    %div3A_372 = arith.divsi %add3A_370, %jit3A_371 : i32
    %sign3A_373 = arith.constant 0 : i32
    %sign3A_374 = arith.cmpi sgt, %add3A_370, %sign3A_373 : i32
    %sign3A_375 = arith.extui %sign3A_374 : i1 to i32
    %sign3A_376 = arith.constant 0 : i32
    %sign3A_377 = arith.cmpi slt, %add3A_370, %sign3A_376 : i32
    %sign3A_378 = arith.extui %sign3A_377 : i1 to i32
    %sign3A_379 = arith.subi %sign3A_375, %sign3A_378 : i32
    %sign3A_380 = arith.constant 0 : i32
    %sign3A_381 = arith.cmpi sgt, %jit3A_371, %sign3A_380 : i32
    %sign3A_382 = arith.extui %sign3A_381 : i1 to i32
    %sign3A_383 = arith.constant 0 : i32
    %sign3A_384 = arith.cmpi slt, %jit3A_371, %sign3A_383 : i32
    %sign3A_385 = arith.extui %sign3A_384 : i1 to i32
    %sign3A_386 = arith.subi %sign3A_382, %sign3A_385 : i32
    %ne3A_387 = arith.cmpi ne, %sign3A_379, %sign3A_386 : i32
    %rem3A_388 = arith.remsi %add3A_370, %jit3A_371 : i32
    %ne3A_389 = arith.constant 0 : i32
    %ne3A_390 = arith.cmpi ne, %rem3A_388, %ne3A_389 : i32
    %and3A_391 = arith.andi %ne3A_387, %ne3A_390 : i1
    %sub3A_392 = arith.constant 1 : i32
    %sub3A_393 = arith.subi %div3A_372, %sub3A_392 : i32
    %select_n3A_394 = arith.select %and3A_391, %sub3A_393, %div3A_372 : i32
    %mul3A_395 = arith.constant 1024 : i32
    %mul3A_396 = arith.muli %add3A_370, %mul3A_395 : i32
    %run_scoped3A_397 = arith.constant 5 : i32
    "tpu.region"() ({
      %run_scoped3A_1184 = tpu.sem_alloc : memref<!tpu.dma_semaphore, #tpu.memory_space<semaphore_mem>>
      %dma_start3A_1185 = arith.constant 0 : i32
      %dma_start3A_1186 = tpu.memref_slice %arg7[%run_scoped3A_397, %dma_start3A_1185] : memref<13x1024xi32, #tpu.memory_space<vmem>> -> memref<1x1024xi32, #tpu.memory_space<vmem>>
      %dma_start3A_1187 = tpu.memref_squeeze %dma_start3A_1186 : memref<1x1024xi32, #tpu.memory_space<vmem>> -> memref<1024xi32, #tpu.memory_space<vmem>>
      %dma_start3A_1188 = tpu.memref_slice %arg2[%mul3A_396] : memref<425984xi32, #tpu.memory_space<hbm>> -> memref<1024xi32, #tpu.memory_space<hbm>>
      %dma_start3A_1189 = arith.constant 0 : i32
      %dma_start3A_1190 = tpu.memref_slice %arg7[%run_scoped3A_397, %dma_start3A_1189] : memref<13x1024xi32, #tpu.memory_space<vmem>> -> memref<1x1024xi32, #tpu.memory_space<vmem>>
      %dma_start3A_1191 = tpu.memref_squeeze %dma_start3A_1190 : memref<1x1024xi32, #tpu.memory_space<vmem>> -> memref<1024xi32, #tpu.memory_space<vmem>>
      %dma_start3A_1192 = tpu.memref_slice %arg2[%mul3A_396] : memref<425984xi32, #tpu.memory_space<hbm>> -> memref<1024xi32, #tpu.memory_space<hbm>>
      tpu.enqueue_dma source(%dma_start3A_1192 : memref<1024xi32, #tpu.memory_space<hbm>>) target(%dma_start3A_1191 : memref<1024xi32, #tpu.memory_space<vmem>>) target_semaphore(%run_scoped3A_1184 : memref<!tpu.dma_semaphore, #tpu.memory_space<semaphore_mem>>)
      %dma_wait3A_1193 = arith.constant 0 : i32
      %dma_wait3A_1194 = tpu.memref_slice %arg7[%run_scoped3A_397, %dma_wait3A_1193] : memref<13x1024xi32, #tpu.memory_space<vmem>> -> memref<1x1024xi32, #tpu.memory_space<vmem>>
      %dma_wait3A_1195 = tpu.memref_squeeze %dma_wait3A_1194 : memref<1x1024xi32, #tpu.memory_space<vmem>> -> memref<1024xi32, #tpu.memory_space<vmem>>
      %dma_wait3A_1196 = tpu.memref_slice %arg2[%mul3A_396] : memref<425984xi32, #tpu.memory_space<hbm>> -> memref<1024xi32, #tpu.memory_space<hbm>>
      %dma_wait3A_1197 = arith.constant 0 : i32
      %dma_wait3A_1198 = tpu.memref_slice %arg7[%run_scoped3A_397, %dma_wait3A_1197] : memref<13x1024xi32, #tpu.memory_space<vmem>> -> memref<1x1024xi32, #tpu.memory_space<vmem>>
      %dma_wait3A_1199 = tpu.memref_squeeze %dma_wait3A_1198 : memref<1x1024xi32, #tpu.memory_space<vmem>> -> memref<1024xi32, #tpu.memory_space<vmem>>
      %dma_wait3A_1200 = tpu.memref_slice %arg2[%mul3A_396] : memref<425984xi32, #tpu.memory_space<hbm>> -> memref<1024xi32, #tpu.memory_space<hbm>>
      tpu.wait_dma2 semaphore(%run_scoped3A_1184 : memref<!tpu.dma_semaphore, #tpu.memory_space<semaphore_mem>>) src(%dma_wait3A_1200 : memref<1024xi32, #tpu.memory_space<hbm>>) dst(%dma_wait3A_1199 : memref<1024xi32, #tpu.memory_space<vmem>>)
      tpu.yield
    }) : () -> ()
    %get3A_398 = arith.index_cast %select_n3A_394 : i32 to index
    %get3A_399 = tpu.vector_load %arg6[%get3A_398] {strides = array<i32>} : memref<48xi32, #tpu.memory_space<vmem>>, vector<16xi32>,
    %get3A_400 = vector.shape_cast %get3A_399 : vector<16xi32> to vector<16xi32>
    %slice3A_401 = vector.extract_strided_slice %get3A_400 {offsets = [0], sizes = [1], strides = [1]} : vector<16xi32> to vector<1xi32>
    %squeeze3A_402 = vector.extract %slice3A_401[0] : i32 from vector<1xi32>
    %scan3A_403 = arith.constant 0 : i32
    %scan3A_404 = arith.constant 64 : i32
    %scan3A_405 = arith.addi %scan3A_403, %scan3A_404 : i32
    %scan3A_406 = arith.constant 1 : i32
    scf.for %scan3A_1184 = %scan3A_403 to %scan3A_405 step %scan3A_406  : i32 {
      %mul3A_1185 = arith.constant 16 : i32
      %mul3A_1186 = arith.muli %scan3A_1184, %mul3A_1185 : i32
      %get3A_1187 = arith.constant 5 : i32
      %get3A_1188 = arith.index_cast %get3A_1187 : i32 to index
      %get3A_1189 = arith.index_cast %mul3A_1186 : i32 to index
      %get3A_1190 = tpu.vector_load %arg7[%get3A_1188, %get3A_1189] {strides = array<i32>} : memref<13x1024xi32, #tpu.memory_space<vmem>>, vector<1x16xi32>,
      %get3A_1191 = vector.shape_cast %get3A_1190 : vector<1x16xi32> to vector<16xi32>
      %add3A_1192 = vector.broadcast %squeeze3A_402 : i32 to vector<16xi32>
      %add3A_1193 = arith.addi %get3A_1191, %add3A_1192 : vector<16xi32>
      %swap3A = arith.constant 5 : i32
      %swap3A_1194 = arith.index_cast %swap3A : i32 to index
      %swap3A_1195 = arith.index_cast %mul3A_1186 : i32 to index
      %swap3A_1196 = tpu.vector_load %arg7[%swap3A_1194, %swap3A_1195] {strides = array<i32>} : memref<13x1024xi32, #tpu.memory_space<vmem>>, vector<1x16xi32>,
      %swap3A_1197 = vector.shape_cast %swap3A_1196 : vector<1x16xi32> to vector<16xi32>
      %swap3A_1198 = vector.shape_cast %add3A_1193 : vector<16xi32> to vector<1x16xi32>
      tpu.vector_store %arg7[%swap3A_1194, %swap3A_1195], %swap3A_1198 {strides = array<i32>} : memref<13x1024xi32, #tpu.memory_space<vmem>>, vector<1x16xi32>,
    }
    %scan3A_407 = arith.constant 64 : i32
    %dma_start3A_408 = arith.constant 5 : i32
    %dma_start3A_409 = arith.constant 2 : i32
    %dma_start3A_410 = arith.constant 0 : i32
    %dma_start3A_411 = arith.constant 0 : i32
    %dma_start3A_412 = tpu.memref_slice %arg8[%dma_start3A_409, %dma_start3A_410, %dma_start3A_411] : memref<3x1024x32xf32, #tpu.memory_space<vmem>> -> memref<1x1024x32xf32, #tpu.memory_space<vmem>>
    %dma_start3A_413 = tpu.memref_squeeze %dma_start3A_412 : memref<1x1024x32xf32, #tpu.memory_space<vmem>> -> memref<1024x32xf32, #tpu.memory_space<vmem>>
    %dma_start3A_414 = arith.constant 0 : i32
    %dma_start3A_415 = tpu.memref_slice %arg7[%dma_start3A_408, %dma_start3A_414] : memref<13x1024xi32, #tpu.memory_space<vmem>> -> memref<1x1024xi32, #tpu.memory_space<vmem>>
    %dma_start3A_416 = tpu.memref_squeeze %dma_start3A_415 : memref<1x1024xi32, #tpu.memory_space<vmem>> -> memref<1024xi32, #tpu.memory_space<vmem>>
    %dma_start3A_417 = arith.constant 0 : i32
    %dma_start3A_418 = arith.constant 0 : i32
    %dma_start3A_419 = tpu.memref_slice %arg3[%dma_start3A_417, %dma_start3A_418] : memref<2600000x32xf32, #tpu.memory_space<hbm>> -> memref<2600000x32xf32, #tpu.memory_space<hbm>>
    tpu.enqueue_indirect_dma source(%dma_start3A_419 : memref<2600000x32xf32, #tpu.memory_space<hbm>>) target(%dma_start3A_413 : memref<1024x32xf32, #tpu.memory_space<vmem>>) offsets(%dma_start3A_416 : memref<1024xi32, #tpu.memory_space<vmem>>) semaphore(%arg11 : memref<!tpu.dma_semaphore, #tpu.memory_space<semaphore_mem>>)
    %dma_wait3A_420 = arith.constant 3 : i32
    %dma_wait3A_421 = arith.constant 0 : i32
    %dma_wait3A_422 = arith.constant 0 : i32
    %dma_wait3A_423 = arith.constant 0 : i32
    %dma_wait3A_424 = tpu.memref_slice %arg8[%dma_wait3A_421, %dma_wait3A_422, %dma_wait3A_423] : memref<3x1024x32xf32, #tpu.memory_space<vmem>> -> memref<1x1024x32xf32, #tpu.memory_space<vmem>>
    %dma_wait3A_425 = tpu.memref_squeeze %dma_wait3A_424 : memref<1x1024x32xf32, #tpu.memory_space<vmem>> -> memref<1024x32xf32, #tpu.memory_space<vmem>>
    %dma_wait3A_426 = arith.constant 0 : i32
    %dma_wait3A_427 = tpu.memref_slice %arg7[%dma_wait3A_420, %dma_wait3A_426] : memref<13x1024xi32, #tpu.memory_space<vmem>> -> memref<1x1024xi32, #tpu.memory_space<vmem>>
    %dma_wait3A_428 = tpu.memref_squeeze %dma_wait3A_427 : memref<1x1024xi32, #tpu.memory_space<vmem>> -> memref<1024xi32, #tpu.memory_space<vmem>>
    %dma_wait3A_429 = arith.constant 0 : i32
    %dma_wait3A_430 = arith.constant 0 : i32
    %dma_wait3A_431 = tpu.memref_slice %arg3[%dma_wait3A_429, %dma_wait3A_430] : memref<2600000x32xf32, #tpu.memory_space<hbm>> -> memref<2600000x32xf32, #tpu.memory_space<hbm>>
    tpu.wait_indirect_dma semaphore(%arg9 : memref<!tpu.dma_semaphore, #tpu.memory_space<semaphore_mem>>) src(%dma_wait3A_431 : memref<2600000x32xf32, #tpu.memory_space<hbm>>) dst(%dma_wait3A_425 : memref<1024x32xf32, #tpu.memory_space<vmem>>)
    %add3A_432 = arith.constant 3 : i32
    %add3A_433 = arith.addi %mul3A_2, %add3A_432 : i32
    %mul3A_434 = arith.constant 1024 : i32
    %mul3A_435 = arith.muli %add3A_433, %mul3A_434 : i32
    %dma_start3A_436 = arith.constant 0 : i32
    %dma_start3A_437 = arith.constant 0 : i32
    %dma_start3A_438 = arith.constant 0 : i32
    %dma_start3A_439 = tpu.memref_slice %arg8[%dma_start3A_436, %dma_start3A_437, %dma_start3A_438] : memref<3x1024x32xf32, #tpu.memory_space<vmem>> -> memref<1x1024x32xf32, #tpu.memory_space<vmem>>
    %dma_start3A_440 = tpu.memref_squeeze %dma_start3A_439 : memref<1x1024x32xf32, #tpu.memory_space<vmem>> -> memref<1024x32xf32, #tpu.memory_space<vmem>>
    %dma_start3A_441 = arith.constant 0 : i32
    %dma_start3A_442 = tpu.memref_slice %arg5[%mul3A_435, %dma_start3A_441] : memref<425984x32xf32, #tpu.memory_space<hbm>> -> memref<1024x32xf32, #tpu.memory_space<hbm>>
    %dma_start3A_443 = arith.constant 0 : i32
    %dma_start3A_444 = tpu.memref_slice %arg5[%mul3A_435, %dma_start3A_443] : memref<425984x32xf32, #tpu.memory_space<hbm>> -> memref<1024x32xf32, #tpu.memory_space<hbm>>
    %dma_start3A_445 = arith.constant 0 : i32
    %dma_start3A_446 = arith.constant 0 : i32
    %dma_start3A_447 = tpu.memref_slice %arg8[%dma_start3A_436, %dma_start3A_445, %dma_start3A_446] : memref<3x1024x32xf32, #tpu.memory_space<vmem>> -> memref<1x1024x32xf32, #tpu.memory_space<vmem>>
    %dma_start3A_448 = tpu.memref_squeeze %dma_start3A_447 : memref<1x1024x32xf32, #tpu.memory_space<vmem>> -> memref<1024x32xf32, #tpu.memory_space<vmem>>
    tpu.enqueue_dma source(%dma_start3A_448 : memref<1024x32xf32, #tpu.memory_space<vmem>>) target(%dma_start3A_444 : memref<1024x32xf32, #tpu.memory_space<hbm>>) target_semaphore(%arg12 : memref<!tpu.dma_semaphore, #tpu.memory_space<semaphore_mem>>)
    %dma_wait3A_449 = arith.constant 0 : i32
    %dma_wait3A_450 = arith.constant 0 : i32
    %dma_wait3A_451 = arith.constant 0 : i32
    %dma_wait3A_452 = tpu.memref_slice %arg8[%dma_wait3A_449, %dma_wait3A_450, %dma_wait3A_451] : memref<3x1024x32xf32, #tpu.memory_space<vmem>> -> memref<1x1024x32xf32, #tpu.memory_space<vmem>>
    %dma_wait3A_453 = tpu.memref_squeeze %dma_wait3A_452 : memref<1x1024x32xf32, #tpu.memory_space<vmem>> -> memref<1024x32xf32, #tpu.memory_space<vmem>>
    %dma_wait3A_454 = arith.constant 0 : i32
    %dma_wait3A_455 = tpu.memref_slice %arg5[%mul3A_435, %dma_wait3A_454] : memref<425984x32xf32, #tpu.memory_space<hbm>> -> memref<1024x32xf32, #tpu.memory_space<hbm>>
    %dma_wait3A_456 = arith.constant 0 : i32
    %dma_wait3A_457 = tpu.memref_slice %arg5[%mul3A_435, %dma_wait3A_456] : memref<425984x32xf32, #tpu.memory_space<hbm>> -> memref<1024x32xf32, #tpu.memory_space<hbm>>
    %dma_wait3A_458 = arith.constant 0 : i32
    %dma_wait3A_459 = arith.constant 0 : i32
    %dma_wait3A_460 = tpu.memref_slice %arg8[%dma_wait3A_449, %dma_wait3A_458, %dma_wait3A_459] : memref<3x1024x32xf32, #tpu.memory_space<vmem>> -> memref<1x1024x32xf32, #tpu.memory_space<vmem>>
    %dma_wait3A_461 = tpu.memref_squeeze %dma_wait3A_460 : memref<1x1024x32xf32, #tpu.memory_space<vmem>> -> memref<1024x32xf32, #tpu.memory_space<vmem>>
    tpu.wait_dma2 semaphore(%arg12 : memref<!tpu.dma_semaphore, #tpu.memory_space<semaphore_mem>>) src(%dma_wait3A_461 : memref<1024x32xf32, #tpu.memory_space<vmem>>) dst(%dma_wait3A_457 : memref<1024x32xf32, #tpu.memory_space<hbm>>)
    %add3A_462 = arith.constant 6 : i32
    %add3A_463 = arith.addi %mul3A_2, %add3A_462 : i32
    %jit3A_464 = arith.constant 16 : i32
    %div3A_465 = arith.divsi %add3A_463, %jit3A_464 : i32
    %sign3A_466 = arith.constant 0 : i32
    %sign3A_467 = arith.cmpi sgt, %add3A_463, %sign3A_466 : i32
    %sign3A_468 = arith.extui %sign3A_467 : i1 to i32
    %sign3A_469 = arith.constant 0 : i32
    %sign3A_470 = arith.cmpi slt, %add3A_463, %sign3A_469 : i32
    %sign3A_471 = arith.extui %sign3A_470 : i1 to i32
    %sign3A_472 = arith.subi %sign3A_468, %sign3A_471 : i32
    %sign3A_473 = arith.constant 0 : i32
    %sign3A_474 = arith.cmpi sgt, %jit3A_464, %sign3A_473 : i32
    %sign3A_475 = arith.extui %sign3A_474 : i1 to i32
    %sign3A_476 = arith.constant 0 : i32
    %sign3A_477 = arith.cmpi slt, %jit3A_464, %sign3A_476 : i32
    %sign3A_478 = arith.extui %sign3A_477 : i1 to i32
    %sign3A_479 = arith.subi %sign3A_475, %sign3A_478 : i32
    %ne3A_480 = arith.cmpi ne, %sign3A_472, %sign3A_479 : i32
    %rem3A_481 = arith.remsi %add3A_463, %jit3A_464 : i32
    %ne3A_482 = arith.constant 0 : i32
    %ne3A_483 = arith.cmpi ne, %rem3A_481, %ne3A_482 : i32
    %and3A_484 = arith.andi %ne3A_480, %ne3A_483 : i1
    %sub3A_485 = arith.constant 1 : i32
    %sub3A_486 = arith.subi %div3A_465, %sub3A_485 : i32
    %select_n3A_487 = arith.select %and3A_484, %sub3A_486, %div3A_465 : i32
    %mul3A_488 = arith.constant 1024 : i32
    %mul3A_489 = arith.muli %add3A_463, %mul3A_488 : i32
    %run_scoped3A_490 = arith.constant 6 : i32
    "tpu.region"() ({
      %run_scoped3A_1184 = tpu.sem_alloc : memref<!tpu.dma_semaphore, #tpu.memory_space<semaphore_mem>>
      %dma_start3A_1185 = arith.constant 0 : i32
      %dma_start3A_1186 = tpu.memref_slice %arg7[%run_scoped3A_490, %dma_start3A_1185] : memref<13x1024xi32, #tpu.memory_space<vmem>> -> memref<1x1024xi32, #tpu.memory_space<vmem>>
      %dma_start3A_1187 = tpu.memref_squeeze %dma_start3A_1186 : memref<1x1024xi32, #tpu.memory_space<vmem>> -> memref<1024xi32, #tpu.memory_space<vmem>>
      %dma_start3A_1188 = tpu.memref_slice %arg2[%mul3A_489] : memref<425984xi32, #tpu.memory_space<hbm>> -> memref<1024xi32, #tpu.memory_space<hbm>>
      %dma_start3A_1189 = arith.constant 0 : i32
      %dma_start3A_1190 = tpu.memref_slice %arg7[%run_scoped3A_490, %dma_start3A_1189] : memref<13x1024xi32, #tpu.memory_space<vmem>> -> memref<1x1024xi32, #tpu.memory_space<vmem>>
      %dma_start3A_1191 = tpu.memref_squeeze %dma_start3A_1190 : memref<1x1024xi32, #tpu.memory_space<vmem>> -> memref<1024xi32, #tpu.memory_space<vmem>>
      %dma_start3A_1192 = tpu.memref_slice %arg2[%mul3A_489] : memref<425984xi32, #tpu.memory_space<hbm>> -> memref<1024xi32, #tpu.memory_space<hbm>>
      tpu.enqueue_dma source(%dma_start3A_1192 : memref<1024xi32, #tpu.memory_space<hbm>>) target(%dma_start3A_1191 : memref<1024xi32, #tpu.memory_space<vmem>>) target_semaphore(%run_scoped3A_1184 : memref<!tpu.dma_semaphore, #tpu.memory_space<semaphore_mem>>)
      %dma_wait3A_1193 = arith.constant 0 : i32
      %dma_wait3A_1194 = tpu.memref_slice %arg7[%run_scoped3A_490, %dma_wait3A_1193] : memref<13x1024xi32, #tpu.memory_space<vmem>> -> memref<1x1024xi32, #tpu.memory_space<vmem>>
      %dma_wait3A_1195 = tpu.memref_squeeze %dma_wait3A_1194 : memref<1x1024xi32, #tpu.memory_space<vmem>> -> memref<1024xi32, #tpu.memory_space<vmem>>
      %dma_wait3A_1196 = tpu.memref_slice %arg2[%mul3A_489] : memref<425984xi32, #tpu.memory_space<hbm>> -> memref<1024xi32, #tpu.memory_space<hbm>>
      %dma_wait3A_1197 = arith.constant 0 : i32
      %dma_wait3A_1198 = tpu.memref_slice %arg7[%run_scoped3A_490, %dma_wait3A_1197] : memref<13x1024xi32, #tpu.memory_space<vmem>> -> memref<1x1024xi32, #tpu.memory_space<vmem>>
      %dma_wait3A_1199 = tpu.memref_squeeze %dma_wait3A_1198 : memref<1x1024xi32, #tpu.memory_space<vmem>> -> memref<1024xi32, #tpu.memory_space<vmem>>
      %dma_wait3A_1200 = tpu.memref_slice %arg2[%mul3A_489] : memref<425984xi32, #tpu.memory_space<hbm>> -> memref<1024xi32, #tpu.memory_space<hbm>>
      tpu.wait_dma2 semaphore(%run_scoped3A_1184 : memref<!tpu.dma_semaphore, #tpu.memory_space<semaphore_mem>>) src(%dma_wait3A_1200 : memref<1024xi32, #tpu.memory_space<hbm>>) dst(%dma_wait3A_1199 : memref<1024xi32, #tpu.memory_space<vmem>>)
      tpu.yield
    }) : () -> ()
    %get3A_491 = arith.index_cast %select_n3A_487 : i32 to index
    %get3A_492 = tpu.vector_load %arg6[%get3A_491] {strides = array<i32>} : memref<48xi32, #tpu.memory_space<vmem>>, vector<16xi32>,
    %get3A_493 = vector.shape_cast %get3A_492 : vector<16xi32> to vector<16xi32>
    %slice3A_494 = vector.extract_strided_slice %get3A_493 {offsets = [0], sizes = [1], strides = [1]} : vector<16xi32> to vector<1xi32>
    %squeeze3A_495 = vector.extract %slice3A_494[0] : i32 from vector<1xi32>
    %scan3A_496 = arith.constant 0 : i32
    %scan3A_497 = arith.constant 64 : i32
    %scan3A_498 = arith.addi %scan3A_496, %scan3A_497 : i32
    %scan3A_499 = arith.constant 1 : i32
    scf.for %scan3A_1184 = %scan3A_496 to %scan3A_498 step %scan3A_499  : i32 {
      %mul3A_1185 = arith.constant 16 : i32
      %mul3A_1186 = arith.muli %scan3A_1184, %mul3A_1185 : i32
      %get3A_1187 = arith.constant 6 : i32
      %get3A_1188 = arith.index_cast %get3A_1187 : i32 to index
      %get3A_1189 = arith.index_cast %mul3A_1186 : i32 to index
      %get3A_1190 = tpu.vector_load %arg7[%get3A_1188, %get3A_1189] {strides = array<i32>} : memref<13x1024xi32, #tpu.memory_space<vmem>>, vector<1x16xi32>,
      %get3A_1191 = vector.shape_cast %get3A_1190 : vector<1x16xi32> to vector<16xi32>
      %add3A_1192 = vector.broadcast %squeeze3A_495 : i32 to vector<16xi32>
      %add3A_1193 = arith.addi %get3A_1191, %add3A_1192 : vector<16xi32>
      %swap3A = arith.constant 6 : i32
      %swap3A_1194 = arith.index_cast %swap3A : i32 to index
      %swap3A_1195 = arith.index_cast %mul3A_1186 : i32 to index
      %swap3A_1196 = tpu.vector_load %arg7[%swap3A_1194, %swap3A_1195] {strides = array<i32>} : memref<13x1024xi32, #tpu.memory_space<vmem>>, vector<1x16xi32>,
      %swap3A_1197 = vector.shape_cast %swap3A_1196 : vector<1x16xi32> to vector<16xi32>
      %swap3A_1198 = vector.shape_cast %add3A_1193 : vector<16xi32> to vector<1x16xi32>
      tpu.vector_store %arg7[%swap3A_1194, %swap3A_1195], %swap3A_1198 {strides = array<i32>} : memref<13x1024xi32, #tpu.memory_space<vmem>>, vector<1x16xi32>,
    }
    %scan3A_500 = arith.constant 64 : i32
    %dma_start3A_501 = arith.constant 6 : i32
    %dma_start3A_502 = arith.constant 0 : i32
    %dma_start3A_503 = arith.constant 0 : i32
    %dma_start3A_504 = arith.constant 0 : i32
    %dma_start3A_505 = tpu.memref_slice %arg8[%dma_start3A_502, %dma_start3A_503, %dma_start3A_504] : memref<3x1024x32xf32, #tpu.memory_space<vmem>> -> memref<1x1024x32xf32, #tpu.memory_space<vmem>>
    %dma_start3A_506 = tpu.memref_squeeze %dma_start3A_505 : memref<1x1024x32xf32, #tpu.memory_space<vmem>> -> memref<1024x32xf32, #tpu.memory_space<vmem>>
    %dma_start3A_507 = arith.constant 0 : i32
    %dma_start3A_508 = tpu.memref_slice %arg7[%dma_start3A_501, %dma_start3A_507] : memref<13x1024xi32, #tpu.memory_space<vmem>> -> memref<1x1024xi32, #tpu.memory_space<vmem>>
    %dma_start3A_509 = tpu.memref_squeeze %dma_start3A_508 : memref<1x1024xi32, #tpu.memory_space<vmem>> -> memref<1024xi32, #tpu.memory_space<vmem>>
    %dma_start3A_510 = arith.constant 0 : i32
    %dma_start3A_511 = arith.constant 0 : i32
    %dma_start3A_512 = tpu.memref_slice %arg3[%dma_start3A_510, %dma_start3A_511] : memref<2600000x32xf32, #tpu.memory_space<hbm>> -> memref<2600000x32xf32, #tpu.memory_space<hbm>>
    tpu.enqueue_indirect_dma source(%dma_start3A_512 : memref<2600000x32xf32, #tpu.memory_space<hbm>>) target(%dma_start3A_506 : memref<1024x32xf32, #tpu.memory_space<vmem>>) offsets(%dma_start3A_509 : memref<1024xi32, #tpu.memory_space<vmem>>) semaphore(%arg9 : memref<!tpu.dma_semaphore, #tpu.memory_space<semaphore_mem>>)
    %dma_wait3A_513 = arith.constant 4 : i32
    %dma_wait3A_514 = arith.constant 1 : i32
    %dma_wait3A_515 = arith.constant 0 : i32
    %dma_wait3A_516 = arith.constant 0 : i32
    %dma_wait3A_517 = tpu.memref_slice %arg8[%dma_wait3A_514, %dma_wait3A_515, %dma_wait3A_516] : memref<3x1024x32xf32, #tpu.memory_space<vmem>> -> memref<1x1024x32xf32, #tpu.memory_space<vmem>>
    %dma_wait3A_518 = tpu.memref_squeeze %dma_wait3A_517 : memref<1x1024x32xf32, #tpu.memory_space<vmem>> -> memref<1024x32xf32, #tpu.memory_space<vmem>>
    %dma_wait3A_519 = arith.constant 0 : i32
    %dma_wait3A_520 = tpu.memref_slice %arg7[%dma_wait3A_513, %dma_wait3A_519] : memref<13x1024xi32, #tpu.memory_space<vmem>> -> memref<1x1024xi32, #tpu.memory_space<vmem>>
    %dma_wait3A_521 = tpu.memref_squeeze %dma_wait3A_520 : memref<1x1024xi32, #tpu.memory_space<vmem>> -> memref<1024xi32, #tpu.memory_space<vmem>>
    %dma_wait3A_522 = arith.constant 0 : i32
    %dma_wait3A_523 = arith.constant 0 : i32
    %dma_wait3A_524 = tpu.memref_slice %arg3[%dma_wait3A_522, %dma_wait3A_523] : memref<2600000x32xf32, #tpu.memory_space<hbm>> -> memref<2600000x32xf32, #tpu.memory_space<hbm>>
    tpu.wait_indirect_dma semaphore(%arg10 : memref<!tpu.dma_semaphore, #tpu.memory_space<semaphore_mem>>) src(%dma_wait3A_524 : memref<2600000x32xf32, #tpu.memory_space<hbm>>) dst(%dma_wait3A_518 : memref<1024x32xf32, #tpu.memory_space<vmem>>)
    %add3A_525 = arith.constant 4 : i32
    %add3A_526 = arith.addi %mul3A_2, %add3A_525 : i32
    %mul3A_527 = arith.constant 1024 : i32
    %mul3A_528 = arith.muli %add3A_526, %mul3A_527 : i32
    %dma_start3A_529 = arith.constant 1 : i32
    %dma_start3A_530 = arith.constant 0 : i32
    %dma_start3A_531 = arith.constant 0 : i32
    %dma_start3A_532 = tpu.memref_slice %arg8[%dma_start3A_529, %dma_start3A_530, %dma_start3A_531] : memref<3x1024x32xf32, #tpu.memory_space<vmem>> -> memref<1x1024x32xf32, #tpu.memory_space<vmem>>
    %dma_start3A_533 = tpu.memref_squeeze %dma_start3A_532 : memref<1x1024x32xf32, #tpu.memory_space<vmem>> -> memref<1024x32xf32, #tpu.memory_space<vmem>>
    %dma_start3A_534 = arith.constant 0 : i32
    %dma_start3A_535 = tpu.memref_slice %arg5[%mul3A_528, %dma_start3A_534] : memref<425984x32xf32, #tpu.memory_space<hbm>> -> memref<1024x32xf32, #tpu.memory_space<hbm>>
    %dma_start3A_536 = arith.constant 0 : i32
    %dma_start3A_537 = tpu.memref_slice %arg5[%mul3A_528, %dma_start3A_536] : memref<425984x32xf32, #tpu.memory_space<hbm>> -> memref<1024x32xf32, #tpu.memory_space<hbm>>
    %dma_start3A_538 = arith.constant 0 : i32
    %dma_start3A_539 = arith.constant 0 : i32
    %dma_start3A_540 = tpu.memref_slice %arg8[%dma_start3A_529, %dma_start3A_538, %dma_start3A_539] : memref<3x1024x32xf32, #tpu.memory_space<vmem>> -> memref<1x1024x32xf32, #tpu.memory_space<vmem>>
    %dma_start3A_541 = tpu.memref_squeeze %dma_start3A_540 : memref<1x1024x32xf32, #tpu.memory_space<vmem>> -> memref<1024x32xf32, #tpu.memory_space<vmem>>
    tpu.enqueue_dma source(%dma_start3A_541 : memref<1024x32xf32, #tpu.memory_space<vmem>>) target(%dma_start3A_537 : memref<1024x32xf32, #tpu.memory_space<hbm>>) target_semaphore(%arg12 : memref<!tpu.dma_semaphore, #tpu.memory_space<semaphore_mem>>)
    %dma_wait3A_542 = arith.constant 1 : i32
    %dma_wait3A_543 = arith.constant 0 : i32
    %dma_wait3A_544 = arith.constant 0 : i32
    %dma_wait3A_545 = tpu.memref_slice %arg8[%dma_wait3A_542, %dma_wait3A_543, %dma_wait3A_544] : memref<3x1024x32xf32, #tpu.memory_space<vmem>> -> memref<1x1024x32xf32, #tpu.memory_space<vmem>>
    %dma_wait3A_546 = tpu.memref_squeeze %dma_wait3A_545 : memref<1x1024x32xf32, #tpu.memory_space<vmem>> -> memref<1024x32xf32, #tpu.memory_space<vmem>>
    %dma_wait3A_547 = arith.constant 0 : i32
    %dma_wait3A_548 = tpu.memref_slice %arg5[%mul3A_528, %dma_wait3A_547] : memref<425984x32xf32, #tpu.memory_space<hbm>> -> memref<1024x32xf32, #tpu.memory_space<hbm>>
    %dma_wait3A_549 = arith.constant 0 : i32
    %dma_wait3A_550 = tpu.memref_slice %arg5[%mul3A_528, %dma_wait3A_549] : memref<425984x32xf32, #tpu.memory_space<hbm>> -> memref<1024x32xf32, #tpu.memory_space<hbm>>
    %dma_wait3A_551 = arith.constant 0 : i32
    %dma_wait3A_552 = arith.constant 0 : i32
    %dma_wait3A_553 = tpu.memref_slice %arg8[%dma_wait3A_542, %dma_wait3A_551, %dma_wait3A_552] : memref<3x1024x32xf32, #tpu.memory_space<vmem>> -> memref<1x1024x32xf32, #tpu.memory_space<vmem>>
    %dma_wait3A_554 = tpu.memref_squeeze %dma_wait3A_553 : memref<1x1024x32xf32, #tpu.memory_space<vmem>> -> memref<1024x32xf32, #tpu.memory_space<vmem>>
    tpu.wait_dma2 semaphore(%arg12 : memref<!tpu.dma_semaphore, #tpu.memory_space<semaphore_mem>>) src(%dma_wait3A_554 : memref<1024x32xf32, #tpu.memory_space<vmem>>) dst(%dma_wait3A_550 : memref<1024x32xf32, #tpu.memory_space<hbm>>)
    %add3A_555 = arith.constant 7 : i32
    %add3A_556 = arith.addi %mul3A_2, %add3A_555 : i32
    %jit3A_557 = arith.constant 16 : i32
    %div3A_558 = arith.divsi %add3A_556, %jit3A_557 : i32
    %sign3A_559 = arith.constant 0 : i32
    %sign3A_560 = arith.cmpi sgt, %add3A_556, %sign3A_559 : i32
    %sign3A_561 = arith.extui %sign3A_560 : i1 to i32
    %sign3A_562 = arith.constant 0 : i32
    %sign3A_563 = arith.cmpi slt, %add3A_556, %sign3A_562 : i32
    %sign3A_564 = arith.extui %sign3A_563 : i1 to i32
    %sign3A_565 = arith.subi %sign3A_561, %sign3A_564 : i32
    %sign3A_566 = arith.constant 0 : i32
    %sign3A_567 = arith.cmpi sgt, %jit3A_557, %sign3A_566 : i32
    %sign3A_568 = arith.extui %sign3A_567 : i1 to i32
    %sign3A_569 = arith.constant 0 : i32
    %sign3A_570 = arith.cmpi slt, %jit3A_557, %sign3A_569 : i32
    %sign3A_571 = arith.extui %sign3A_570 : i1 to i32
    %sign3A_572 = arith.subi %sign3A_568, %sign3A_571 : i32
    %ne3A_573 = arith.cmpi ne, %sign3A_565, %sign3A_572 : i32
    %rem3A_574 = arith.remsi %add3A_556, %jit3A_557 : i32
    %ne3A_575 = arith.constant 0 : i32
    %ne3A_576 = arith.cmpi ne, %rem3A_574, %ne3A_575 : i32
    %and3A_577 = arith.andi %ne3A_573, %ne3A_576 : i1
    %sub3A_578 = arith.constant 1 : i32
    %sub3A_579 = arith.subi %div3A_558, %sub3A_578 : i32
    %select_n3A_580 = arith.select %and3A_577, %sub3A_579, %div3A_558 : i32
    %mul3A_581 = arith.constant 1024 : i32
    %mul3A_582 = arith.muli %add3A_556, %mul3A_581 : i32
    %run_scoped3A_583 = arith.constant 7 : i32
    "tpu.region"() ({
      %run_scoped3A_1184 = tpu.sem_alloc : memref<!tpu.dma_semaphore, #tpu.memory_space<semaphore_mem>>
      %dma_start3A_1185 = arith.constant 0 : i32
      %dma_start3A_1186 = tpu.memref_slice %arg7[%run_scoped3A_583, %dma_start3A_1185] : memref<13x1024xi32, #tpu.memory_space<vmem>> -> memref<1x1024xi32, #tpu.memory_space<vmem>>
      %dma_start3A_1187 = tpu.memref_squeeze %dma_start3A_1186 : memref<1x1024xi32, #tpu.memory_space<vmem>> -> memref<1024xi32, #tpu.memory_space<vmem>>
      %dma_start3A_1188 = tpu.memref_slice %arg2[%mul3A_582] : memref<425984xi32, #tpu.memory_space<hbm>> -> memref<1024xi32, #tpu.memory_space<hbm>>
      %dma_start3A_1189 = arith.constant 0 : i32
      %dma_start3A_1190 = tpu.memref_slice %arg7[%run_scoped3A_583, %dma_start3A_1189] : memref<13x1024xi32, #tpu.memory_space<vmem>> -> memref<1x1024xi32, #tpu.memory_space<vmem>>
      %dma_start3A_1191 = tpu.memref_squeeze %dma_start3A_1190 : memref<1x1024xi32, #tpu.memory_space<vmem>> -> memref<1024xi32, #tpu.memory_space<vmem>>
      %dma_start3A_1192 = tpu.memref_slice %arg2[%mul3A_582] : memref<425984xi32, #tpu.memory_space<hbm>> -> memref<1024xi32, #tpu.memory_space<hbm>>
      tpu.enqueue_dma source(%dma_start3A_1192 : memref<1024xi32, #tpu.memory_space<hbm>>) target(%dma_start3A_1191 : memref<1024xi32, #tpu.memory_space<vmem>>) target_semaphore(%run_scoped3A_1184 : memref<!tpu.dma_semaphore, #tpu.memory_space<semaphore_mem>>)
      %dma_wait3A_1193 = arith.constant 0 : i32
      %dma_wait3A_1194 = tpu.memref_slice %arg7[%run_scoped3A_583, %dma_wait3A_1193] : memref<13x1024xi32, #tpu.memory_space<vmem>> -> memref<1x1024xi32, #tpu.memory_space<vmem>>
      %dma_wait3A_1195 = tpu.memref_squeeze %dma_wait3A_1194 : memref<1x1024xi32, #tpu.memory_space<vmem>> -> memref<1024xi32, #tpu.memory_space<vmem>>
      %dma_wait3A_1196 = tpu.memref_slice %arg2[%mul3A_582] : memref<425984xi32, #tpu.memory_space<hbm>> -> memref<1024xi32, #tpu.memory_space<hbm>>
      %dma_wait3A_1197 = arith.constant 0 : i32
      %dma_wait3A_1198 = tpu.memref_slice %arg7[%run_scoped3A_583, %dma_wait3A_1197] : memref<13x1024xi32, #tpu.memory_space<vmem>> -> memref<1x1024xi32, #tpu.memory_space<vmem>>
      %dma_wait3A_1199 = tpu.memref_squeeze %dma_wait3A_1198 : memref<1x1024xi32, #tpu.memory_space<vmem>> -> memref<1024xi32, #tpu.memory_space<vmem>>
      %dma_wait3A_1200 = tpu.memref_slice %arg2[%mul3A_582] : memref<425984xi32, #tpu.memory_space<hbm>> -> memref<1024xi32, #tpu.memory_space<hbm>>
      tpu.wait_dma2 semaphore(%run_scoped3A_1184 : memref<!tpu.dma_semaphore, #tpu.memory_space<semaphore_mem>>) src(%dma_wait3A_1200 : memref<1024xi32, #tpu.memory_space<hbm>>) dst(%dma_wait3A_1199 : memref<1024xi32, #tpu.memory_space<vmem>>)
      tpu.yield
    }) : () -> ()
    %get3A_584 = arith.index_cast %select_n3A_580 : i32 to index
    %get3A_585 = tpu.vector_load %arg6[%get3A_584] {strides = array<i32>} : memref<48xi32, #tpu.memory_space<vmem>>, vector<16xi32>,
    %get3A_586 = vector.shape_cast %get3A_585 : vector<16xi32> to vector<16xi32>
    %slice3A_587 = vector.extract_strided_slice %get3A_586 {offsets = [0], sizes = [1], strides = [1]} : vector<16xi32> to vector<1xi32>
    %squeeze3A_588 = vector.extract %slice3A_587[0] : i32 from vector<1xi32>
    %scan3A_589 = arith.constant 0 : i32
    %scan3A_590 = arith.constant 64 : i32
    %scan3A_591 = arith.addi %scan3A_589, %scan3A_590 : i32
    %scan3A_592 = arith.constant 1 : i32
    scf.for %scan3A_1184 = %scan3A_589 to %scan3A_591 step %scan3A_592  : i32 {
      %mul3A_1185 = arith.constant 16 : i32
      %mul3A_1186 = arith.muli %scan3A_1184, %mul3A_1185 : i32
      %get3A_1187 = arith.constant 7 : i32
      %get3A_1188 = arith.index_cast %get3A_1187 : i32 to index
      %get3A_1189 = arith.index_cast %mul3A_1186 : i32 to index
      %get3A_1190 = tpu.vector_load %arg7[%get3A_1188, %get3A_1189] {strides = array<i32>} : memref<13x1024xi32, #tpu.memory_space<vmem>>, vector<1x16xi32>,
      %get3A_1191 = vector.shape_cast %get3A_1190 : vector<1x16xi32> to vector<16xi32>
      %add3A_1192 = vector.broadcast %squeeze3A_588 : i32 to vector<16xi32>
      %add3A_1193 = arith.addi %get3A_1191, %add3A_1192 : vector<16xi32>
      %swap3A = arith.constant 7 : i32
      %swap3A_1194 = arith.index_cast %swap3A : i32 to index
      %swap3A_1195 = arith.index_cast %mul3A_1186 : i32 to index
      %swap3A_1196 = tpu.vector_load %arg7[%swap3A_1194, %swap3A_1195] {strides = array<i32>} : memref<13x1024xi32, #tpu.memory_space<vmem>>, vector<1x16xi32>,
      %swap3A_1197 = vector.shape_cast %swap3A_1196 : vector<1x16xi32> to vector<16xi32>
      %swap3A_1198 = vector.shape_cast %add3A_1193 : vector<16xi32> to vector<1x16xi32>
      tpu.vector_store %arg7[%swap3A_1194, %swap3A_1195], %swap3A_1198 {strides = array<i32>} : memref<13x1024xi32, #tpu.memory_space<vmem>>, vector<1x16xi32>,
    }
    %scan3A_593 = arith.constant 64 : i32
    %dma_start3A_594 = arith.constant 7 : i32
    %dma_start3A_595 = arith.constant 1 : i32
    %dma_start3A_596 = arith.constant 0 : i32
    %dma_start3A_597 = arith.constant 0 : i32
    %dma_start3A_598 = tpu.memref_slice %arg8[%dma_start3A_595, %dma_start3A_596, %dma_start3A_597] : memref<3x1024x32xf32, #tpu.memory_space<vmem>> -> memref<1x1024x32xf32, #tpu.memory_space<vmem>>
    %dma_start3A_599 = tpu.memref_squeeze %dma_start3A_598 : memref<1x1024x32xf32, #tpu.memory_space<vmem>> -> memref<1024x32xf32, #tpu.memory_space<vmem>>
    %dma_start3A_600 = arith.constant 0 : i32
    %dma_start3A_601 = tpu.memref_slice %arg7[%dma_start3A_594, %dma_start3A_600] : memref<13x1024xi32, #tpu.memory_space<vmem>> -> memref<1x1024xi32, #tpu.memory_space<vmem>>
    %dma_start3A_602 = tpu.memref_squeeze %dma_start3A_601 : memref<1x1024xi32, #tpu.memory_space<vmem>> -> memref<1024xi32, #tpu.memory_space<vmem>>
    %dma_start3A_603 = arith.constant 0 : i32
    %dma_start3A_604 = arith.constant 0 : i32
    %dma_start3A_605 = tpu.memref_slice %arg3[%dma_start3A_603, %dma_start3A_604] : memref<2600000x32xf32, #tpu.memory_space<hbm>> -> memref<2600000x32xf32, #tpu.memory_space<hbm>>
    tpu.enqueue_indirect_dma source(%dma_start3A_605 : memref<2600000x32xf32, #tpu.memory_space<hbm>>) target(%dma_start3A_599 : memref<1024x32xf32, #tpu.memory_space<vmem>>) offsets(%dma_start3A_602 : memref<1024xi32, #tpu.memory_space<vmem>>) semaphore(%arg10 : memref<!tpu.dma_semaphore, #tpu.memory_space<semaphore_mem>>)
    %dma_wait3A_606 = arith.constant 5 : i32
    %dma_wait3A_607 = arith.constant 2 : i32
    %dma_wait3A_608 = arith.constant 0 : i32
    %dma_wait3A_609 = arith.constant 0 : i32
    %dma_wait3A_610 = tpu.memref_slice %arg8[%dma_wait3A_607, %dma_wait3A_608, %dma_wait3A_609] : memref<3x1024x32xf32, #tpu.memory_space<vmem>> -> memref<1x1024x32xf32, #tpu.memory_space<vmem>>
    %dma_wait3A_611 = tpu.memref_squeeze %dma_wait3A_610 : memref<1x1024x32xf32, #tpu.memory_space<vmem>> -> memref<1024x32xf32, #tpu.memory_space<vmem>>
    %dma_wait3A_612 = arith.constant 0 : i32
    %dma_wait3A_613 = tpu.memref_slice %arg7[%dma_wait3A_606, %dma_wait3A_612] : memref<13x1024xi32, #tpu.memory_space<vmem>> -> memref<1x1024xi32, #tpu.memory_space<vmem>>
    %dma_wait3A_614 = tpu.memref_squeeze %dma_wait3A_613 : memref<1x1024xi32, #tpu.memory_space<vmem>> -> memref<1024xi32, #tpu.memory_space<vmem>>
    %dma_wait3A_615 = arith.constant 0 : i32
    %dma_wait3A_616 = arith.constant 0 : i32
    %dma_wait3A_617 = tpu.memref_slice %arg3[%dma_wait3A_615, %dma_wait3A_616] : memref<2600000x32xf32, #tpu.memory_space<hbm>> -> memref<2600000x32xf32, #tpu.memory_space<hbm>>
    tpu.wait_indirect_dma semaphore(%arg11 : memref<!tpu.dma_semaphore, #tpu.memory_space<semaphore_mem>>) src(%dma_wait3A_617 : memref<2600000x32xf32, #tpu.memory_space<hbm>>) dst(%dma_wait3A_611 : memref<1024x32xf32, #tpu.memory_space<vmem>>)
    %add3A_618 = arith.constant 5 : i32
    %add3A_619 = arith.addi %mul3A_2, %add3A_618 : i32
    %mul3A_620 = arith.constant 1024 : i32
    %mul3A_621 = arith.muli %add3A_619, %mul3A_620 : i32
    %dma_start3A_622 = arith.constant 2 : i32
    %dma_start3A_623 = arith.constant 0 : i32
    %dma_start3A_624 = arith.constant 0 : i32
    %dma_start3A_625 = tpu.memref_slice %arg8[%dma_start3A_622, %dma_start3A_623, %dma_start3A_624] : memref<3x1024x32xf32, #tpu.memory_space<vmem>> -> memref<1x1024x32xf32, #tpu.memory_space<vmem>>
    %dma_start3A_626 = tpu.memref_squeeze %dma_start3A_625 : memref<1x1024x32xf32, #tpu.memory_space<vmem>> -> memref<1024x32xf32, #tpu.memory_space<vmem>>
    %dma_start3A_627 = arith.constant 0 : i32
    %dma_start3A_628 = tpu.memref_slice %arg5[%mul3A_621, %dma_start3A_627] : memref<425984x32xf32, #tpu.memory_space<hbm>> -> memref<1024x32xf32, #tpu.memory_space<hbm>>
    %dma_start3A_629 = arith.constant 0 : i32
    %dma_start3A_630 = tpu.memref_slice %arg5[%mul3A_621, %dma_start3A_629] : memref<425984x32xf32, #tpu.memory_space<hbm>> -> memref<1024x32xf32, #tpu.memory_space<hbm>>
    %dma_start3A_631 = arith.constant 0 : i32
    %dma_start3A_632 = arith.constant 0 : i32
    %dma_start3A_633 = tpu.memref_slice %arg8[%dma_start3A_622, %dma_start3A_631, %dma_start3A_632] : memref<3x1024x32xf32, #tpu.memory_space<vmem>> -> memref<1x1024x32xf32, #tpu.memory_space<vmem>>
    %dma_start3A_634 = tpu.memref_squeeze %dma_start3A_633 : memref<1x1024x32xf32, #tpu.memory_space<vmem>> -> memref<1024x32xf32, #tpu.memory_space<vmem>>
    tpu.enqueue_dma source(%dma_start3A_634 : memref<1024x32xf32, #tpu.memory_space<vmem>>) target(%dma_start3A_630 : memref<1024x32xf32, #tpu.memory_space<hbm>>) target_semaphore(%arg12 : memref<!tpu.dma_semaphore, #tpu.memory_space<semaphore_mem>>)
    %dma_wait3A_635 = arith.constant 2 : i32
    %dma_wait3A_636 = arith.constant 0 : i32
    %dma_wait3A_637 = arith.constant 0 : i32
    %dma_wait3A_638 = tpu.memref_slice %arg8[%dma_wait3A_635, %dma_wait3A_636, %dma_wait3A_637] : memref<3x1024x32xf32, #tpu.memory_space<vmem>> -> memref<1x1024x32xf32, #tpu.memory_space<vmem>>
    %dma_wait3A_639 = tpu.memref_squeeze %dma_wait3A_638 : memref<1x1024x32xf32, #tpu.memory_space<vmem>> -> memref<1024x32xf32, #tpu.memory_space<vmem>>
    %dma_wait3A_640 = arith.constant 0 : i32
    %dma_wait3A_641 = tpu.memref_slice %arg5[%mul3A_621, %dma_wait3A_640] : memref<425984x32xf32, #tpu.memory_space<hbm>> -> memref<1024x32xf32, #tpu.memory_space<hbm>>
    %dma_wait3A_642 = arith.constant 0 : i32
    %dma_wait3A_643 = tpu.memref_slice %arg5[%mul3A_621, %dma_wait3A_642] : memref<425984x32xf32, #tpu.memory_space<hbm>> -> memref<1024x32xf32, #tpu.memory_space<hbm>>
    %dma_wait3A_644 = arith.constant 0 : i32
    %dma_wait3A_645 = arith.constant 0 : i32
    %dma_wait3A_646 = tpu.memref_slice %arg8[%dma_wait3A_635, %dma_wait3A_644, %dma_wait3A_645] : memref<3x1024x32xf32, #tpu.memory_space<vmem>> -> memref<1x1024x32xf32, #tpu.memory_space<vmem>>
    %dma_wait3A_647 = tpu.memref_squeeze %dma_wait3A_646 : memref<1x1024x32xf32, #tpu.memory_space<vmem>> -> memref<1024x32xf32, #tpu.memory_space<vmem>>
    tpu.wait_dma2 semaphore(%arg12 : memref<!tpu.dma_semaphore, #tpu.memory_space<semaphore_mem>>) src(%dma_wait3A_647 : memref<1024x32xf32, #tpu.memory_space<vmem>>) dst(%dma_wait3A_643 : memref<1024x32xf32, #tpu.memory_space<hbm>>)
    %add3A_648 = arith.constant 8 : i32
    %add3A_649 = arith.addi %mul3A_2, %add3A_648 : i32
    %jit3A_650 = arith.constant 16 : i32
    %div3A_651 = arith.divsi %add3A_649, %jit3A_650 : i32
    %sign3A_652 = arith.constant 0 : i32
    %sign3A_653 = arith.cmpi sgt, %add3A_649, %sign3A_652 : i32
    %sign3A_654 = arith.extui %sign3A_653 : i1 to i32
    %sign3A_655 = arith.constant 0 : i32
    %sign3A_656 = arith.cmpi slt, %add3A_649, %sign3A_655 : i32
    %sign3A_657 = arith.extui %sign3A_656 : i1 to i32
    %sign3A_658 = arith.subi %sign3A_654, %sign3A_657 : i32
    %sign3A_659 = arith.constant 0 : i32
    %sign3A_660 = arith.cmpi sgt, %jit3A_650, %sign3A_659 : i32
    %sign3A_661 = arith.extui %sign3A_660 : i1 to i32
    %sign3A_662 = arith.constant 0 : i32
    %sign3A_663 = arith.cmpi slt, %jit3A_650, %sign3A_662 : i32
    %sign3A_664 = arith.extui %sign3A_663 : i1 to i32
    %sign3A_665 = arith.subi %sign3A_661, %sign3A_664 : i32
    %ne3A_666 = arith.cmpi ne, %sign3A_658, %sign3A_665 : i32
    %rem3A_667 = arith.remsi %add3A_649, %jit3A_650 : i32
    %ne3A_668 = arith.constant 0 : i32
    %ne3A_669 = arith.cmpi ne, %rem3A_667, %ne3A_668 : i32
    %and3A_670 = arith.andi %ne3A_666, %ne3A_669 : i1
    %sub3A_671 = arith.constant 1 : i32
    %sub3A_672 = arith.subi %div3A_651, %sub3A_671 : i32
    %select_n3A_673 = arith.select %and3A_670, %sub3A_672, %div3A_651 : i32
    %mul3A_674 = arith.constant 1024 : i32
    %mul3A_675 = arith.muli %add3A_649, %mul3A_674 : i32
    %run_scoped3A_676 = arith.constant 8 : i32
    "tpu.region"() ({
      %run_scoped3A_1184 = tpu.sem_alloc : memref<!tpu.dma_semaphore, #tpu.memory_space<semaphore_mem>>
      %dma_start3A_1185 = arith.constant 0 : i32
      %dma_start3A_1186 = tpu.memref_slice %arg7[%run_scoped3A_676, %dma_start3A_1185] : memref<13x1024xi32, #tpu.memory_space<vmem>> -> memref<1x1024xi32, #tpu.memory_space<vmem>>
      %dma_start3A_1187 = tpu.memref_squeeze %dma_start3A_1186 : memref<1x1024xi32, #tpu.memory_space<vmem>> -> memref<1024xi32, #tpu.memory_space<vmem>>
      %dma_start3A_1188 = tpu.memref_slice %arg2[%mul3A_675] : memref<425984xi32, #tpu.memory_space<hbm>> -> memref<1024xi32, #tpu.memory_space<hbm>>
      %dma_start3A_1189 = arith.constant 0 : i32
      %dma_start3A_1190 = tpu.memref_slice %arg7[%run_scoped3A_676, %dma_start3A_1189] : memref<13x1024xi32, #tpu.memory_space<vmem>> -> memref<1x1024xi32, #tpu.memory_space<vmem>>
      %dma_start3A_1191 = tpu.memref_squeeze %dma_start3A_1190 : memref<1x1024xi32, #tpu.memory_space<vmem>> -> memref<1024xi32, #tpu.memory_space<vmem>>
      %dma_start3A_1192 = tpu.memref_slice %arg2[%mul3A_675] : memref<425984xi32, #tpu.memory_space<hbm>> -> memref<1024xi32, #tpu.memory_space<hbm>>
      tpu.enqueue_dma source(%dma_start3A_1192 : memref<1024xi32, #tpu.memory_space<hbm>>) target(%dma_start3A_1191 : memref<1024xi32, #tpu.memory_space<vmem>>) target_semaphore(%run_scoped3A_1184 : memref<!tpu.dma_semaphore, #tpu.memory_space<semaphore_mem>>)
      %dma_wait3A_1193 = arith.constant 0 : i32
      %dma_wait3A_1194 = tpu.memref_slice %arg7[%run_scoped3A_676, %dma_wait3A_1193] : memref<13x1024xi32, #tpu.memory_space<vmem>> -> memref<1x1024xi32, #tpu.memory_space<vmem>>
      %dma_wait3A_1195 = tpu.memref_squeeze %dma_wait3A_1194 : memref<1x1024xi32, #tpu.memory_space<vmem>> -> memref<1024xi32, #tpu.memory_space<vmem>>
      %dma_wait3A_1196 = tpu.memref_slice %arg2[%mul3A_675] : memref<425984xi32, #tpu.memory_space<hbm>> -> memref<1024xi32, #tpu.memory_space<hbm>>
      %dma_wait3A_1197 = arith.constant 0 : i32
      %dma_wait3A_1198 = tpu.memref_slice %arg7[%run_scoped3A_676, %dma_wait3A_1197] : memref<13x1024xi32, #tpu.memory_space<vmem>> -> memref<1x1024xi32, #tpu.memory_space<vmem>>
      %dma_wait3A_1199 = tpu.memref_squeeze %dma_wait3A_1198 : memref<1x1024xi32, #tpu.memory_space<vmem>> -> memref<1024xi32, #tpu.memory_space<vmem>>
      %dma_wait3A_1200 = tpu.memref_slice %arg2[%mul3A_675] : memref<425984xi32, #tpu.memory_space<hbm>> -> memref<1024xi32, #tpu.memory_space<hbm>>
      tpu.wait_dma2 semaphore(%run_scoped3A_1184 : memref<!tpu.dma_semaphore, #tpu.memory_space<semaphore_mem>>) src(%dma_wait3A_1200 : memref<1024xi32, #tpu.memory_space<hbm>>) dst(%dma_wait3A_1199 : memref<1024xi32, #tpu.memory_space<vmem>>)
      tpu.yield
    }) : () -> ()
    %get3A_677 = arith.index_cast %select_n3A_673 : i32 to index
    %get3A_678 = tpu.vector_load %arg6[%get3A_677] {strides = array<i32>} : memref<48xi32, #tpu.memory_space<vmem>>, vector<16xi32>,
    %get3A_679 = vector.shape_cast %get3A_678 : vector<16xi32> to vector<16xi32>
    %slice3A_680 = vector.extract_strided_slice %get3A_679 {offsets = [0], sizes = [1], strides = [1]} : vector<16xi32> to vector<1xi32>
    %squeeze3A_681 = vector.extract %slice3A_680[0] : i32 from vector<1xi32>
    %scan3A_682 = arith.constant 0 : i32
    %scan3A_683 = arith.constant 64 : i32
    %scan3A_684 = arith.addi %scan3A_682, %scan3A_683 : i32
    %scan3A_685 = arith.constant 1 : i32
    scf.for %scan3A_1184 = %scan3A_682 to %scan3A_684 step %scan3A_685  : i32 {
      %mul3A_1185 = arith.constant 16 : i32
      %mul3A_1186 = arith.muli %scan3A_1184, %mul3A_1185 : i32
      %get3A_1187 = arith.constant 8 : i32
      %get3A_1188 = arith.index_cast %get3A_1187 : i32 to index
      %get3A_1189 = arith.index_cast %mul3A_1186 : i32 to index
      %get3A_1190 = tpu.vector_load %arg7[%get3A_1188, %get3A_1189] {strides = array<i32>} : memref<13x1024xi32, #tpu.memory_space<vmem>>, vector<1x16xi32>,
      %get3A_1191 = vector.shape_cast %get3A_1190 : vector<1x16xi32> to vector<16xi32>
      %add3A_1192 = vector.broadcast %squeeze3A_681 : i32 to vector<16xi32>
      %add3A_1193 = arith.addi %get3A_1191, %add3A_1192 : vector<16xi32>
      %swap3A = arith.constant 8 : i32
      %swap3A_1194 = arith.index_cast %swap3A : i32 to index
      %swap3A_1195 = arith.index_cast %mul3A_1186 : i32 to index
      %swap3A_1196 = tpu.vector_load %arg7[%swap3A_1194, %swap3A_1195] {strides = array<i32>} : memref<13x1024xi32, #tpu.memory_space<vmem>>, vector<1x16xi32>,
      %swap3A_1197 = vector.shape_cast %swap3A_1196 : vector<1x16xi32> to vector<16xi32>
      %swap3A_1198 = vector.shape_cast %add3A_1193 : vector<16xi32> to vector<1x16xi32>
      tpu.vector_store %arg7[%swap3A_1194, %swap3A_1195], %swap3A_1198 {strides = array<i32>} : memref<13x1024xi32, #tpu.memory_space<vmem>>, vector<1x16xi32>,
    }
    %scan3A_686 = arith.constant 64 : i32
    %dma_start3A_687 = arith.constant 8 : i32
    %dma_start3A_688 = arith.constant 2 : i32
    %dma_start3A_689 = arith.constant 0 : i32
    %dma_start3A_690 = arith.constant 0 : i32
    %dma_start3A_691 = tpu.memref_slice %arg8[%dma_start3A_688, %dma_start3A_689, %dma_start3A_690] : memref<3x1024x32xf32, #tpu.memory_space<vmem>> -> memref<1x1024x32xf32, #tpu.memory_space<vmem>>
    %dma_start3A_692 = tpu.memref_squeeze %dma_start3A_691 : memref<1x1024x32xf32, #tpu.memory_space<vmem>> -> memref<1024x32xf32, #tpu.memory_space<vmem>>
    %dma_start3A_693 = arith.constant 0 : i32
    %dma_start3A_694 = tpu.memref_slice %arg7[%dma_start3A_687, %dma_start3A_693] : memref<13x1024xi32, #tpu.memory_space<vmem>> -> memref<1x1024xi32, #tpu.memory_space<vmem>>
    %dma_start3A_695 = tpu.memref_squeeze %dma_start3A_694 : memref<1x1024xi32, #tpu.memory_space<vmem>> -> memref<1024xi32, #tpu.memory_space<vmem>>
    %dma_start3A_696 = arith.constant 0 : i32
    %dma_start3A_697 = arith.constant 0 : i32
    %dma_start3A_698 = tpu.memref_slice %arg3[%dma_start3A_696, %dma_start3A_697] : memref<2600000x32xf32, #tpu.memory_space<hbm>> -> memref<2600000x32xf32, #tpu.memory_space<hbm>>
    tpu.enqueue_indirect_dma source(%dma_start3A_698 : memref<2600000x32xf32, #tpu.memory_space<hbm>>) target(%dma_start3A_692 : memref<1024x32xf32, #tpu.memory_space<vmem>>) offsets(%dma_start3A_695 : memref<1024xi32, #tpu.memory_space<vmem>>) semaphore(%arg11 : memref<!tpu.dma_semaphore, #tpu.memory_space<semaphore_mem>>)
    %dma_wait3A_699 = arith.constant 6 : i32
    %dma_wait3A_700 = arith.constant 0 : i32
    %dma_wait3A_701 = arith.constant 0 : i32
    %dma_wait3A_702 = arith.constant 0 : i32
    %dma_wait3A_703 = tpu.memref_slice %arg8[%dma_wait3A_700, %dma_wait3A_701, %dma_wait3A_702] : memref<3x1024x32xf32, #tpu.memory_space<vmem>> -> memref<1x1024x32xf32, #tpu.memory_space<vmem>>
    %dma_wait3A_704 = tpu.memref_squeeze %dma_wait3A_703 : memref<1x1024x32xf32, #tpu.memory_space<vmem>> -> memref<1024x32xf32, #tpu.memory_space<vmem>>
    %dma_wait3A_705 = arith.constant 0 : i32
    %dma_wait3A_706 = tpu.memref_slice %arg7[%dma_wait3A_699, %dma_wait3A_705] : memref<13x1024xi32, #tpu.memory_space<vmem>> -> memref<1x1024xi32, #tpu.memory_space<vmem>>
    %dma_wait3A_707 = tpu.memref_squeeze %dma_wait3A_706 : memref<1x1024xi32, #tpu.memory_space<vmem>> -> memref<1024xi32, #tpu.memory_space<vmem>>
    %dma_wait3A_708 = arith.constant 0 : i32
    %dma_wait3A_709 = arith.constant 0 : i32
    %dma_wait3A_710 = tpu.memref_slice %arg3[%dma_wait3A_708, %dma_wait3A_709] : memref<2600000x32xf32, #tpu.memory_space<hbm>> -> memref<2600000x32xf32, #tpu.memory_space<hbm>>
    tpu.wait_indirect_dma semaphore(%arg9 : memref<!tpu.dma_semaphore, #tpu.memory_space<semaphore_mem>>) src(%dma_wait3A_710 : memref<2600000x32xf32, #tpu.memory_space<hbm>>) dst(%dma_wait3A_704 : memref<1024x32xf32, #tpu.memory_space<vmem>>)
    %add3A_711 = arith.constant 6 : i32
    %add3A_712 = arith.addi %mul3A_2, %add3A_711 : i32
    %mul3A_713 = arith.constant 1024 : i32
    %mul3A_714 = arith.muli %add3A_712, %mul3A_713 : i32
    %dma_start3A_715 = arith.constant 0 : i32
    %dma_start3A_716 = arith.constant 0 : i32
    %dma_start3A_717 = arith.constant 0 : i32
    %dma_start3A_718 = tpu.memref_slice %arg8[%dma_start3A_715, %dma_start3A_716, %dma_start3A_717] : memref<3x1024x32xf32, #tpu.memory_space<vmem>> -> memref<1x1024x32xf32, #tpu.memory_space<vmem>>
    %dma_start3A_719 = tpu.memref_squeeze %dma_start3A_718 : memref<1x1024x32xf32, #tpu.memory_space<vmem>> -> memref<1024x32xf32, #tpu.memory_space<vmem>>
    %dma_start3A_720 = arith.constant 0 : i32
    %dma_start3A_721 = tpu.memref_slice %arg5[%mul3A_714, %dma_start3A_720] : memref<425984x32xf32, #tpu.memory_space<hbm>> -> memref<1024x32xf32, #tpu.memory_space<hbm>>
    %dma_start3A_722 = arith.constant 0 : i32
    %dma_start3A_723 = tpu.memref_slice %arg5[%mul3A_714, %dma_start3A_722] : memref<425984x32xf32, #tpu.memory_space<hbm>> -> memref<1024x32xf32, #tpu.memory_space<hbm>>
    %dma_start3A_724 = arith.constant 0 : i32
    %dma_start3A_725 = arith.constant 0 : i32
    %dma_start3A_726 = tpu.memref_slice %arg8[%dma_start3A_715, %dma_start3A_724, %dma_start3A_725] : memref<3x1024x32xf32, #tpu.memory_space<vmem>> -> memref<1x1024x32xf32, #tpu.memory_space<vmem>>
    %dma_start3A_727 = tpu.memref_squeeze %dma_start3A_726 : memref<1x1024x32xf32, #tpu.memory_space<vmem>> -> memref<1024x32xf32, #tpu.memory_space<vmem>>
    tpu.enqueue_dma source(%dma_start3A_727 : memref<1024x32xf32, #tpu.memory_space<vmem>>) target(%dma_start3A_723 : memref<1024x32xf32, #tpu.memory_space<hbm>>) target_semaphore(%arg12 : memref<!tpu.dma_semaphore, #tpu.memory_space<semaphore_mem>>)
    %dma_wait3A_728 = arith.constant 0 : i32
    %dma_wait3A_729 = arith.constant 0 : i32
    %dma_wait3A_730 = arith.constant 0 : i32
    %dma_wait3A_731 = tpu.memref_slice %arg8[%dma_wait3A_728, %dma_wait3A_729, %dma_wait3A_730] : memref<3x1024x32xf32, #tpu.memory_space<vmem>> -> memref<1x1024x32xf32, #tpu.memory_space<vmem>>
    %dma_wait3A_732 = tpu.memref_squeeze %dma_wait3A_731 : memref<1x1024x32xf32, #tpu.memory_space<vmem>> -> memref<1024x32xf32, #tpu.memory_space<vmem>>
    %dma_wait3A_733 = arith.constant 0 : i32
    %dma_wait3A_734 = tpu.memref_slice %arg5[%mul3A_714, %dma_wait3A_733] : memref<425984x32xf32, #tpu.memory_space<hbm>> -> memref<1024x32xf32, #tpu.memory_space<hbm>>
    %dma_wait3A_735 = arith.constant 0 : i32
    %dma_wait3A_736 = tpu.memref_slice %arg5[%mul3A_714, %dma_wait3A_735] : memref<425984x32xf32, #tpu.memory_space<hbm>> -> memref<1024x32xf32, #tpu.memory_space<hbm>>
    %dma_wait3A_737 = arith.constant 0 : i32
    %dma_wait3A_738 = arith.constant 0 : i32
    %dma_wait3A_739 = tpu.memref_slice %arg8[%dma_wait3A_728, %dma_wait3A_737, %dma_wait3A_738] : memref<3x1024x32xf32, #tpu.memory_space<vmem>> -> memref<1x1024x32xf32, #tpu.memory_space<vmem>>
    %dma_wait3A_740 = tpu.memref_squeeze %dma_wait3A_739 : memref<1x1024x32xf32, #tpu.memory_space<vmem>> -> memref<1024x32xf32, #tpu.memory_space<vmem>>
    tpu.wait_dma2 semaphore(%arg12 : memref<!tpu.dma_semaphore, #tpu.memory_space<semaphore_mem>>) src(%dma_wait3A_740 : memref<1024x32xf32, #tpu.memory_space<vmem>>) dst(%dma_wait3A_736 : memref<1024x32xf32, #tpu.memory_space<hbm>>)
    %add3A_741 = arith.constant 9 : i32
    %add3A_742 = arith.addi %mul3A_2, %add3A_741 : i32
    %jit3A_743 = arith.constant 16 : i32
    %div3A_744 = arith.divsi %add3A_742, %jit3A_743 : i32
    %sign3A_745 = arith.constant 0 : i32
    %sign3A_746 = arith.cmpi sgt, %add3A_742, %sign3A_745 : i32
    %sign3A_747 = arith.extui %sign3A_746 : i1 to i32
    %sign3A_748 = arith.constant 0 : i32
    %sign3A_749 = arith.cmpi slt, %add3A_742, %sign3A_748 : i32
    %sign3A_750 = arith.extui %sign3A_749 : i1 to i32
    %sign3A_751 = arith.subi %sign3A_747, %sign3A_750 : i32
    %sign3A_752 = arith.constant 0 : i32
    %sign3A_753 = arith.cmpi sgt, %jit3A_743, %sign3A_752 : i32
    %sign3A_754 = arith.extui %sign3A_753 : i1 to i32
    %sign3A_755 = arith.constant 0 : i32
    %sign3A_756 = arith.cmpi slt, %jit3A_743, %sign3A_755 : i32
    %sign3A_757 = arith.extui %sign3A_756 : i1 to i32
    %sign3A_758 = arith.subi %sign3A_754, %sign3A_757 : i32
    %ne3A_759 = arith.cmpi ne, %sign3A_751, %sign3A_758 : i32
    %rem3A_760 = arith.remsi %add3A_742, %jit3A_743 : i32
    %ne3A_761 = arith.constant 0 : i32
    %ne3A_762 = arith.cmpi ne, %rem3A_760, %ne3A_761 : i32
    %and3A_763 = arith.andi %ne3A_759, %ne3A_762 : i1
    %sub3A_764 = arith.constant 1 : i32
    %sub3A_765 = arith.subi %div3A_744, %sub3A_764 : i32
    %select_n3A_766 = arith.select %and3A_763, %sub3A_765, %div3A_744 : i32
    %mul3A_767 = arith.constant 1024 : i32
    %mul3A_768 = arith.muli %add3A_742, %mul3A_767 : i32
    %run_scoped3A_769 = arith.constant 9 : i32
    "tpu.region"() ({
      %run_scoped3A_1184 = tpu.sem_alloc : memref<!tpu.dma_semaphore, #tpu.memory_space<semaphore_mem>>
      %dma_start3A_1185 = arith.constant 0 : i32
      %dma_start3A_1186 = tpu.memref_slice %arg7[%run_scoped3A_769, %dma_start3A_1185] : memref<13x1024xi32, #tpu.memory_space<vmem>> -> memref<1x1024xi32, #tpu.memory_space<vmem>>
      %dma_start3A_1187 = tpu.memref_squeeze %dma_start3A_1186 : memref<1x1024xi32, #tpu.memory_space<vmem>> -> memref<1024xi32, #tpu.memory_space<vmem>>
      %dma_start3A_1188 = tpu.memref_slice %arg2[%mul3A_768] : memref<425984xi32, #tpu.memory_space<hbm>> -> memref<1024xi32, #tpu.memory_space<hbm>>
      %dma_start3A_1189 = arith.constant 0 : i32
      %dma_start3A_1190 = tpu.memref_slice %arg7[%run_scoped3A_769, %dma_start3A_1189] : memref<13x1024xi32, #tpu.memory_space<vmem>> -> memref<1x1024xi32, #tpu.memory_space<vmem>>
      %dma_start3A_1191 = tpu.memref_squeeze %dma_start3A_1190 : memref<1x1024xi32, #tpu.memory_space<vmem>> -> memref<1024xi32, #tpu.memory_space<vmem>>
      %dma_start3A_1192 = tpu.memref_slice %arg2[%mul3A_768] : memref<425984xi32, #tpu.memory_space<hbm>> -> memref<1024xi32, #tpu.memory_space<hbm>>
      tpu.enqueue_dma source(%dma_start3A_1192 : memref<1024xi32, #tpu.memory_space<hbm>>) target(%dma_start3A_1191 : memref<1024xi32, #tpu.memory_space<vmem>>) target_semaphore(%run_scoped3A_1184 : memref<!tpu.dma_semaphore, #tpu.memory_space<semaphore_mem>>)
      %dma_wait3A_1193 = arith.constant 0 : i32
      %dma_wait3A_1194 = tpu.memref_slice %arg7[%run_scoped3A_769, %dma_wait3A_1193] : memref<13x1024xi32, #tpu.memory_space<vmem>> -> memref<1x1024xi32, #tpu.memory_space<vmem>>
      %dma_wait3A_1195 = tpu.memref_squeeze %dma_wait3A_1194 : memref<1x1024xi32, #tpu.memory_space<vmem>> -> memref<1024xi32, #tpu.memory_space<vmem>>
      %dma_wait3A_1196 = tpu.memref_slice %arg2[%mul3A_768] : memref<425984xi32, #tpu.memory_space<hbm>> -> memref<1024xi32, #tpu.memory_space<hbm>>
      %dma_wait3A_1197 = arith.constant 0 : i32
      %dma_wait3A_1198 = tpu.memref_slice %arg7[%run_scoped3A_769, %dma_wait3A_1197] : memref<13x1024xi32, #tpu.memory_space<vmem>> -> memref<1x1024xi32, #tpu.memory_space<vmem>>
      %dma_wait3A_1199 = tpu.memref_squeeze %dma_wait3A_1198 : memref<1x1024xi32, #tpu.memory_space<vmem>> -> memref<1024xi32, #tpu.memory_space<vmem>>
      %dma_wait3A_1200 = tpu.memref_slice %arg2[%mul3A_768] : memref<425984xi32, #tpu.memory_space<hbm>> -> memref<1024xi32, #tpu.memory_space<hbm>>
      tpu.wait_dma2 semaphore(%run_scoped3A_1184 : memref<!tpu.dma_semaphore, #tpu.memory_space<semaphore_mem>>) src(%dma_wait3A_1200 : memref<1024xi32, #tpu.memory_space<hbm>>) dst(%dma_wait3A_1199 : memref<1024xi32, #tpu.memory_space<vmem>>)
      tpu.yield
    }) : () -> ()
    %get3A_770 = arith.index_cast %select_n3A_766 : i32 to index
    %get3A_771 = tpu.vector_load %arg6[%get3A_770] {strides = array<i32>} : memref<48xi32, #tpu.memory_space<vmem>>, vector<16xi32>,
    %get3A_772 = vector.shape_cast %get3A_771 : vector<16xi32> to vector<16xi32>
    %slice3A_773 = vector.extract_strided_slice %get3A_772 {offsets = [0], sizes = [1], strides = [1]} : vector<16xi32> to vector<1xi32>
    %squeeze3A_774 = vector.extract %slice3A_773[0] : i32 from vector<1xi32>
    %scan3A_775 = arith.constant 0 : i32
    %scan3A_776 = arith.constant 64 : i32
    %scan3A_777 = arith.addi %scan3A_775, %scan3A_776 : i32
    %scan3A_778 = arith.constant 1 : i32
    scf.for %scan3A_1184 = %scan3A_775 to %scan3A_777 step %scan3A_778  : i32 {
      %mul3A_1185 = arith.constant 16 : i32
      %mul3A_1186 = arith.muli %scan3A_1184, %mul3A_1185 : i32
      %get3A_1187 = arith.constant 9 : i32
      %get3A_1188 = arith.index_cast %get3A_1187 : i32 to index
      %get3A_1189 = arith.index_cast %mul3A_1186 : i32 to index
      %get3A_1190 = tpu.vector_load %arg7[%get3A_1188, %get3A_1189] {strides = array<i32>} : memref<13x1024xi32, #tpu.memory_space<vmem>>, vector<1x16xi32>,
      %get3A_1191 = vector.shape_cast %get3A_1190 : vector<1x16xi32> to vector<16xi32>
      %add3A_1192 = vector.broadcast %squeeze3A_774 : i32 to vector<16xi32>
      %add3A_1193 = arith.addi %get3A_1191, %add3A_1192 : vector<16xi32>
      %swap3A = arith.constant 9 : i32
      %swap3A_1194 = arith.index_cast %swap3A : i32 to index
      %swap3A_1195 = arith.index_cast %mul3A_1186 : i32 to index
      %swap3A_1196 = tpu.vector_load %arg7[%swap3A_1194, %swap3A_1195] {strides = array<i32>} : memref<13x1024xi32, #tpu.memory_space<vmem>>, vector<1x16xi32>,
      %swap3A_1197 = vector.shape_cast %swap3A_1196 : vector<1x16xi32> to vector<16xi32>
      %swap3A_1198 = vector.shape_cast %add3A_1193 : vector<16xi32> to vector<1x16xi32>
      tpu.vector_store %arg7[%swap3A_1194, %swap3A_1195], %swap3A_1198 {strides = array<i32>} : memref<13x1024xi32, #tpu.memory_space<vmem>>, vector<1x16xi32>,
    }
    %scan3A_779 = arith.constant 64 : i32
    %dma_start3A_780 = arith.constant 9 : i32
    %dma_start3A_781 = arith.constant 0 : i32
    %dma_start3A_782 = arith.constant 0 : i32
    %dma_start3A_783 = arith.constant 0 : i32
    %dma_start3A_784 = tpu.memref_slice %arg8[%dma_start3A_781, %dma_start3A_782, %dma_start3A_783] : memref<3x1024x32xf32, #tpu.memory_space<vmem>> -> memref<1x1024x32xf32, #tpu.memory_space<vmem>>
    %dma_start3A_785 = tpu.memref_squeeze %dma_start3A_784 : memref<1x1024x32xf32, #tpu.memory_space<vmem>> -> memref<1024x32xf32, #tpu.memory_space<vmem>>
    %dma_start3A_786 = arith.constant 0 : i32
    %dma_start3A_787 = tpu.memref_slice %arg7[%dma_start3A_780, %dma_start3A_786] : memref<13x1024xi32, #tpu.memory_space<vmem>> -> memref<1x1024xi32, #tpu.memory_space<vmem>>
    %dma_start3A_788 = tpu.memref_squeeze %dma_start3A_787 : memref<1x1024xi32, #tpu.memory_space<vmem>> -> memref<1024xi32, #tpu.memory_space<vmem>>
    %dma_start3A_789 = arith.constant 0 : i32
    %dma_start3A_790 = arith.constant 0 : i32
    %dma_start3A_791 = tpu.memref_slice %arg3[%dma_start3A_789, %dma_start3A_790] : memref<2600000x32xf32, #tpu.memory_space<hbm>> -> memref<2600000x32xf32, #tpu.memory_space<hbm>>
    tpu.enqueue_indirect_dma source(%dma_start3A_791 : memref<2600000x32xf32, #tpu.memory_space<hbm>>) target(%dma_start3A_785 : memref<1024x32xf32, #tpu.memory_space<vmem>>) offsets(%dma_start3A_788 : memref<1024xi32, #tpu.memory_space<vmem>>) semaphore(%arg9 : memref<!tpu.dma_semaphore, #tpu.memory_space<semaphore_mem>>)
    %dma_wait3A_792 = arith.constant 7 : i32
    %dma_wait3A_793 = arith.constant 1 : i32
    %dma_wait3A_794 = arith.constant 0 : i32
    %dma_wait3A_795 = arith.constant 0 : i32
    %dma_wait3A_796 = tpu.memref_slice %arg8[%dma_wait3A_793, %dma_wait3A_794, %dma_wait3A_795] : memref<3x1024x32xf32, #tpu.memory_space<vmem>> -> memref<1x1024x32xf32, #tpu.memory_space<vmem>>
    %dma_wait3A_797 = tpu.memref_squeeze %dma_wait3A_796 : memref<1x1024x32xf32, #tpu.memory_space<vmem>> -> memref<1024x32xf32, #tpu.memory_space<vmem>>
    %dma_wait3A_798 = arith.constant 0 : i32
    %dma_wait3A_799 = tpu.memref_slice %arg7[%dma_wait3A_792, %dma_wait3A_798] : memref<13x1024xi32, #tpu.memory_space<vmem>> -> memref<1x1024xi32, #tpu.memory_space<vmem>>
    %dma_wait3A_800 = tpu.memref_squeeze %dma_wait3A_799 : memref<1x1024xi32, #tpu.memory_space<vmem>> -> memref<1024xi32, #tpu.memory_space<vmem>>
    %dma_wait3A_801 = arith.constant 0 : i32
    %dma_wait3A_802 = arith.constant 0 : i32
    %dma_wait3A_803 = tpu.memref_slice %arg3[%dma_wait3A_801, %dma_wait3A_802] : memref<2600000x32xf32, #tpu.memory_space<hbm>> -> memref<2600000x32xf32, #tpu.memory_space<hbm>>
    tpu.wait_indirect_dma semaphore(%arg10 : memref<!tpu.dma_semaphore, #tpu.memory_space<semaphore_mem>>) src(%dma_wait3A_803 : memref<2600000x32xf32, #tpu.memory_space<hbm>>) dst(%dma_wait3A_797 : memref<1024x32xf32, #tpu.memory_space<vmem>>)
    %add3A_804 = arith.constant 7 : i32
    %add3A_805 = arith.addi %mul3A_2, %add3A_804 : i32
    %mul3A_806 = arith.constant 1024 : i32
    %mul3A_807 = arith.muli %add3A_805, %mul3A_806 : i32
    %dma_start3A_808 = arith.constant 1 : i32
    %dma_start3A_809 = arith.constant 0 : i32
    %dma_start3A_810 = arith.constant 0 : i32
    %dma_start3A_811 = tpu.memref_slice %arg8[%dma_start3A_808, %dma_start3A_809, %dma_start3A_810] : memref<3x1024x32xf32, #tpu.memory_space<vmem>> -> memref<1x1024x32xf32, #tpu.memory_space<vmem>>
    %dma_start3A_812 = tpu.memref_squeeze %dma_start3A_811 : memref<1x1024x32xf32, #tpu.memory_space<vmem>> -> memref<1024x32xf32, #tpu.memory_space<vmem>>
    %dma_start3A_813 = arith.constant 0 : i32
    %dma_start3A_814 = tpu.memref_slice %arg5[%mul3A_807, %dma_start3A_813] : memref<425984x32xf32, #tpu.memory_space<hbm>> -> memref<1024x32xf32, #tpu.memory_space<hbm>>
    %dma_start3A_815 = arith.constant 0 : i32
    %dma_start3A_816 = tpu.memref_slice %arg5[%mul3A_807, %dma_start3A_815] : memref<425984x32xf32, #tpu.memory_space<hbm>> -> memref<1024x32xf32, #tpu.memory_space<hbm>>
    %dma_start3A_817 = arith.constant 0 : i32
    %dma_start3A_818 = arith.constant 0 : i32
    %dma_start3A_819 = tpu.memref_slice %arg8[%dma_start3A_808, %dma_start3A_817, %dma_start3A_818] : memref<3x1024x32xf32, #tpu.memory_space<vmem>> -> memref<1x1024x32xf32, #tpu.memory_space<vmem>>
    %dma_start3A_820 = tpu.memref_squeeze %dma_start3A_819 : memref<1x1024x32xf32, #tpu.memory_space<vmem>> -> memref<1024x32xf32, #tpu.memory_space<vmem>>
    tpu.enqueue_dma source(%dma_start3A_820 : memref<1024x32xf32, #tpu.memory_space<vmem>>) target(%dma_start3A_816 : memref<1024x32xf32, #tpu.memory_space<hbm>>) target_semaphore(%arg12 : memref<!tpu.dma_semaphore, #tpu.memory_space<semaphore_mem>>)
    %dma_wait3A_821 = arith.constant 1 : i32
    %dma_wait3A_822 = arith.constant 0 : i32
    %dma_wait3A_823 = arith.constant 0 : i32
    %dma_wait3A_824 = tpu.memref_slice %arg8[%dma_wait3A_821, %dma_wait3A_822, %dma_wait3A_823] : memref<3x1024x32xf32, #tpu.memory_space<vmem>> -> memref<1x1024x32xf32, #tpu.memory_space<vmem>>
    %dma_wait3A_825 = tpu.memref_squeeze %dma_wait3A_824 : memref<1x1024x32xf32, #tpu.memory_space<vmem>> -> memref<1024x32xf32, #tpu.memory_space<vmem>>
    %dma_wait3A_826 = arith.constant 0 : i32
    %dma_wait3A_827 = tpu.memref_slice %arg5[%mul3A_807, %dma_wait3A_826] : memref<425984x32xf32, #tpu.memory_space<hbm>> -> memref<1024x32xf32, #tpu.memory_space<hbm>>
    %dma_wait3A_828 = arith.constant 0 : i32
    %dma_wait3A_829 = tpu.memref_slice %arg5[%mul3A_807, %dma_wait3A_828] : memref<425984x32xf32, #tpu.memory_space<hbm>> -> memref<1024x32xf32, #tpu.memory_space<hbm>>
    %dma_wait3A_830 = arith.constant 0 : i32
    %dma_wait3A_831 = arith.constant 0 : i32
    %dma_wait3A_832 = tpu.memref_slice %arg8[%dma_wait3A_821, %dma_wait3A_830, %dma_wait3A_831] : memref<3x1024x32xf32, #tpu.memory_space<vmem>> -> memref<1x1024x32xf32, #tpu.memory_space<vmem>>
    %dma_wait3A_833 = tpu.memref_squeeze %dma_wait3A_832 : memref<1x1024x32xf32, #tpu.memory_space<vmem>> -> memref<1024x32xf32, #tpu.memory_space<vmem>>
    tpu.wait_dma2 semaphore(%arg12 : memref<!tpu.dma_semaphore, #tpu.memory_space<semaphore_mem>>) src(%dma_wait3A_833 : memref<1024x32xf32, #tpu.memory_space<vmem>>) dst(%dma_wait3A_829 : memref<1024x32xf32, #tpu.memory_space<hbm>>)
    %add3A_834 = arith.constant 10 : i32
    %add3A_835 = arith.addi %mul3A_2, %add3A_834 : i32
    %jit3A_836 = arith.constant 16 : i32
    %div3A_837 = arith.divsi %add3A_835, %jit3A_836 : i32
    %sign3A_838 = arith.constant 0 : i32
    %sign3A_839 = arith.cmpi sgt, %add3A_835, %sign3A_838 : i32
    %sign3A_840 = arith.extui %sign3A_839 : i1 to i32
    %sign3A_841 = arith.constant 0 : i32
    %sign3A_842 = arith.cmpi slt, %add3A_835, %sign3A_841 : i32
    %sign3A_843 = arith.extui %sign3A_842 : i1 to i32
    %sign3A_844 = arith.subi %sign3A_840, %sign3A_843 : i32
    %sign3A_845 = arith.constant 0 : i32
    %sign3A_846 = arith.cmpi sgt, %jit3A_836, %sign3A_845 : i32
    %sign3A_847 = arith.extui %sign3A_846 : i1 to i32
    %sign3A_848 = arith.constant 0 : i32
    %sign3A_849 = arith.cmpi slt, %jit3A_836, %sign3A_848 : i32
    %sign3A_850 = arith.extui %sign3A_849 : i1 to i32
    %sign3A_851 = arith.subi %sign3A_847, %sign3A_850 : i32
    %ne3A_852 = arith.cmpi ne, %sign3A_844, %sign3A_851 : i32
    %rem3A_853 = arith.remsi %add3A_835, %jit3A_836 : i32
    %ne3A_854 = arith.constant 0 : i32
    %ne3A_855 = arith.cmpi ne, %rem3A_853, %ne3A_854 : i32
    %and3A_856 = arith.andi %ne3A_852, %ne3A_855 : i1
    %sub3A_857 = arith.constant 1 : i32
    %sub3A_858 = arith.subi %div3A_837, %sub3A_857 : i32
    %select_n3A_859 = arith.select %and3A_856, %sub3A_858, %div3A_837 : i32
    %mul3A_860 = arith.constant 1024 : i32
    %mul3A_861 = arith.muli %add3A_835, %mul3A_860 : i32
    %run_scoped3A_862 = arith.constant 10 : i32
    "tpu.region"() ({
      %run_scoped3A_1184 = tpu.sem_alloc : memref<!tpu.dma_semaphore, #tpu.memory_space<semaphore_mem>>
      %dma_start3A_1185 = arith.constant 0 : i32
      %dma_start3A_1186 = tpu.memref_slice %arg7[%run_scoped3A_862, %dma_start3A_1185] : memref<13x1024xi32, #tpu.memory_space<vmem>> -> memref<1x1024xi32, #tpu.memory_space<vmem>>
      %dma_start3A_1187 = tpu.memref_squeeze %dma_start3A_1186 : memref<1x1024xi32, #tpu.memory_space<vmem>> -> memref<1024xi32, #tpu.memory_space<vmem>>
      %dma_start3A_1188 = tpu.memref_slice %arg2[%mul3A_861] : memref<425984xi32, #tpu.memory_space<hbm>> -> memref<1024xi32, #tpu.memory_space<hbm>>
      %dma_start3A_1189 = arith.constant 0 : i32
      %dma_start3A_1190 = tpu.memref_slice %arg7[%run_scoped3A_862, %dma_start3A_1189] : memref<13x1024xi32, #tpu.memory_space<vmem>> -> memref<1x1024xi32, #tpu.memory_space<vmem>>
      %dma_start3A_1191 = tpu.memref_squeeze %dma_start3A_1190 : memref<1x1024xi32, #tpu.memory_space<vmem>> -> memref<1024xi32, #tpu.memory_space<vmem>>
      %dma_start3A_1192 = tpu.memref_slice %arg2[%mul3A_861] : memref<425984xi32, #tpu.memory_space<hbm>> -> memref<1024xi32, #tpu.memory_space<hbm>>
      tpu.enqueue_dma source(%dma_start3A_1192 : memref<1024xi32, #tpu.memory_space<hbm>>) target(%dma_start3A_1191 : memref<1024xi32, #tpu.memory_space<vmem>>) target_semaphore(%run_scoped3A_1184 : memref<!tpu.dma_semaphore, #tpu.memory_space<semaphore_mem>>)
      %dma_wait3A_1193 = arith.constant 0 : i32
      %dma_wait3A_1194 = tpu.memref_slice %arg7[%run_scoped3A_862, %dma_wait3A_1193] : memref<13x1024xi32, #tpu.memory_space<vmem>> -> memref<1x1024xi32, #tpu.memory_space<vmem>>
      %dma_wait3A_1195 = tpu.memref_squeeze %dma_wait3A_1194 : memref<1x1024xi32, #tpu.memory_space<vmem>> -> memref<1024xi32, #tpu.memory_space<vmem>>
      %dma_wait3A_1196 = tpu.memref_slice %arg2[%mul3A_861] : memref<425984xi32, #tpu.memory_space<hbm>> -> memref<1024xi32, #tpu.memory_space<hbm>>
      %dma_wait3A_1197 = arith.constant 0 : i32
      %dma_wait3A_1198 = tpu.memref_slice %arg7[%run_scoped3A_862, %dma_wait3A_1197] : memref<13x1024xi32, #tpu.memory_space<vmem>> -> memref<1x1024xi32, #tpu.memory_space<vmem>>
      %dma_wait3A_1199 = tpu.memref_squeeze %dma_wait3A_1198 : memref<1x1024xi32, #tpu.memory_space<vmem>> -> memref<1024xi32, #tpu.memory_space<vmem>>
      %dma_wait3A_1200 = tpu.memref_slice %arg2[%mul3A_861] : memref<425984xi32, #tpu.memory_space<hbm>> -> memref<1024xi32, #tpu.memory_space<hbm>>
      tpu.wait_dma2 semaphore(%run_scoped3A_1184 : memref<!tpu.dma_semaphore, #tpu.memory_space<semaphore_mem>>) src(%dma_wait3A_1200 : memref<1024xi32, #tpu.memory_space<hbm>>) dst(%dma_wait3A_1199 : memref<1024xi32, #tpu.memory_space<vmem>>)
      tpu.yield
    }) : () -> ()
    %get3A_863 = arith.index_cast %select_n3A_859 : i32 to index
    %get3A_864 = tpu.vector_load %arg6[%get3A_863] {strides = array<i32>} : memref<48xi32, #tpu.memory_space<vmem>>, vector<16xi32>,
    %get3A_865 = vector.shape_cast %get3A_864 : vector<16xi32> to vector<16xi32>
    %slice3A_866 = vector.extract_strided_slice %get3A_865 {offsets = [0], sizes = [1], strides = [1]} : vector<16xi32> to vector<1xi32>
    %squeeze3A_867 = vector.extract %slice3A_866[0] : i32 from vector<1xi32>
    %scan3A_868 = arith.constant 0 : i32
    %scan3A_869 = arith.constant 64 : i32
    %scan3A_870 = arith.addi %scan3A_868, %scan3A_869 : i32
    %scan3A_871 = arith.constant 1 : i32
    scf.for %scan3A_1184 = %scan3A_868 to %scan3A_870 step %scan3A_871  : i32 {
      %mul3A_1185 = arith.constant 16 : i32
      %mul3A_1186 = arith.muli %scan3A_1184, %mul3A_1185 : i32
      %get3A_1187 = arith.constant 10 : i32
      %get3A_1188 = arith.index_cast %get3A_1187 : i32 to index
      %get3A_1189 = arith.index_cast %mul3A_1186 : i32 to index
      %get3A_1190 = tpu.vector_load %arg7[%get3A_1188, %get3A_1189] {strides = array<i32>} : memref<13x1024xi32, #tpu.memory_space<vmem>>, vector<1x16xi32>,
      %get3A_1191 = vector.shape_cast %get3A_1190 : vector<1x16xi32> to vector<16xi32>
      %add3A_1192 = vector.broadcast %squeeze3A_867 : i32 to vector<16xi32>
      %add3A_1193 = arith.addi %get3A_1191, %add3A_1192 : vector<16xi32>
      %swap3A = arith.constant 10 : i32
      %swap3A_1194 = arith.index_cast %swap3A : i32 to index
      %swap3A_1195 = arith.index_cast %mul3A_1186 : i32 to index
      %swap3A_1196 = tpu.vector_load %arg7[%swap3A_1194, %swap3A_1195] {strides = array<i32>} : memref<13x1024xi32, #tpu.memory_space<vmem>>, vector<1x16xi32>,
      %swap3A_1197 = vector.shape_cast %swap3A_1196 : vector<1x16xi32> to vector<16xi32>
      %swap3A_1198 = vector.shape_cast %add3A_1193 : vector<16xi32> to vector<1x16xi32>
      tpu.vector_store %arg7[%swap3A_1194, %swap3A_1195], %swap3A_1198 {strides = array<i32>} : memref<13x1024xi32, #tpu.memory_space<vmem>>, vector<1x16xi32>,
    }
    %scan3A_872 = arith.constant 64 : i32
    %dma_start3A_873 = arith.constant 10 : i32
    %dma_start3A_874 = arith.constant 1 : i32
    %dma_start3A_875 = arith.constant 0 : i32
    %dma_start3A_876 = arith.constant 0 : i32
    %dma_start3A_877 = tpu.memref_slice %arg8[%dma_start3A_874, %dma_start3A_875, %dma_start3A_876] : memref<3x1024x32xf32, #tpu.memory_space<vmem>> -> memref<1x1024x32xf32, #tpu.memory_space<vmem>>
    %dma_start3A_878 = tpu.memref_squeeze %dma_start3A_877 : memref<1x1024x32xf32, #tpu.memory_space<vmem>> -> memref<1024x32xf32, #tpu.memory_space<vmem>>
    %dma_start3A_879 = arith.constant 0 : i32
    %dma_start3A_880 = tpu.memref_slice %arg7[%dma_start3A_873, %dma_start3A_879] : memref<13x1024xi32, #tpu.memory_space<vmem>> -> memref<1x1024xi32, #tpu.memory_space<vmem>>
    %dma_start3A_881 = tpu.memref_squeeze %dma_start3A_880 : memref<1x1024xi32, #tpu.memory_space<vmem>> -> memref<1024xi32, #tpu.memory_space<vmem>>
    %dma_start3A_882 = arith.constant 0 : i32
    %dma_start3A_883 = arith.constant 0 : i32
    %dma_start3A_884 = tpu.memref_slice %arg3[%dma_start3A_882, %dma_start3A_883] : memref<2600000x32xf32, #tpu.memory_space<hbm>> -> memref<2600000x32xf32, #tpu.memory_space<hbm>>
    tpu.enqueue_indirect_dma source(%dma_start3A_884 : memref<2600000x32xf32, #tpu.memory_space<hbm>>) target(%dma_start3A_878 : memref<1024x32xf32, #tpu.memory_space<vmem>>) offsets(%dma_start3A_881 : memref<1024xi32, #tpu.memory_space<vmem>>) semaphore(%arg10 : memref<!tpu.dma_semaphore, #tpu.memory_space<semaphore_mem>>)
    %dma_wait3A_885 = arith.constant 8 : i32
    %dma_wait3A_886 = arith.constant 2 : i32
    %dma_wait3A_887 = arith.constant 0 : i32
    %dma_wait3A_888 = arith.constant 0 : i32
    %dma_wait3A_889 = tpu.memref_slice %arg8[%dma_wait3A_886, %dma_wait3A_887, %dma_wait3A_888] : memref<3x1024x32xf32, #tpu.memory_space<vmem>> -> memref<1x1024x32xf32, #tpu.memory_space<vmem>>
    %dma_wait3A_890 = tpu.memref_squeeze %dma_wait3A_889 : memref<1x1024x32xf32, #tpu.memory_space<vmem>> -> memref<1024x32xf32, #tpu.memory_space<vmem>>
    %dma_wait3A_891 = arith.constant 0 : i32
    %dma_wait3A_892 = tpu.memref_slice %arg7[%dma_wait3A_885, %dma_wait3A_891] : memref<13x1024xi32, #tpu.memory_space<vmem>> -> memref<1x1024xi32, #tpu.memory_space<vmem>>
    %dma_wait3A_893 = tpu.memref_squeeze %dma_wait3A_892 : memref<1x1024xi32, #tpu.memory_space<vmem>> -> memref<1024xi32, #tpu.memory_space<vmem>>
    %dma_wait3A_894 = arith.constant 0 : i32
    %dma_wait3A_895 = arith.constant 0 : i32
    %dma_wait3A_896 = tpu.memref_slice %arg3[%dma_wait3A_894, %dma_wait3A_895] : memref<2600000x32xf32, #tpu.memory_space<hbm>> -> memref<2600000x32xf32, #tpu.memory_space<hbm>>
    tpu.wait_indirect_dma semaphore(%arg11 : memref<!tpu.dma_semaphore, #tpu.memory_space<semaphore_mem>>) src(%dma_wait3A_896 : memref<2600000x32xf32, #tpu.memory_space<hbm>>) dst(%dma_wait3A_890 : memref<1024x32xf32, #tpu.memory_space<vmem>>)
    %add3A_897 = arith.constant 8 : i32
    %add3A_898 = arith.addi %mul3A_2, %add3A_897 : i32
    %mul3A_899 = arith.constant 1024 : i32
    %mul3A_900 = arith.muli %add3A_898, %mul3A_899 : i32
    %dma_start3A_901 = arith.constant 2 : i32
    %dma_start3A_902 = arith.constant 0 : i32
    %dma_start3A_903 = arith.constant 0 : i32
    %dma_start3A_904 = tpu.memref_slice %arg8[%dma_start3A_901, %dma_start3A_902, %dma_start3A_903] : memref<3x1024x32xf32, #tpu.memory_space<vmem>> -> memref<1x1024x32xf32, #tpu.memory_space<vmem>>
    %dma_start3A_905 = tpu.memref_squeeze %dma_start3A_904 : memref<1x1024x32xf32, #tpu.memory_space<vmem>> -> memref<1024x32xf32, #tpu.memory_space<vmem>>
    %dma_start3A_906 = arith.constant 0 : i32
    %dma_start3A_907 = tpu.memref_slice %arg5[%mul3A_900, %dma_start3A_906] : memref<425984x32xf32, #tpu.memory_space<hbm>> -> memref<1024x32xf32, #tpu.memory_space<hbm>>
    %dma_start3A_908 = arith.constant 0 : i32
    %dma_start3A_909 = tpu.memref_slice %arg5[%mul3A_900, %dma_start3A_908] : memref<425984x32xf32, #tpu.memory_space<hbm>> -> memref<1024x32xf32, #tpu.memory_space<hbm>>
    %dma_start3A_910 = arith.constant 0 : i32
    %dma_start3A_911 = arith.constant 0 : i32
    %dma_start3A_912 = tpu.memref_slice %arg8[%dma_start3A_901, %dma_start3A_910, %dma_start3A_911] : memref<3x1024x32xf32, #tpu.memory_space<vmem>> -> memref<1x1024x32xf32, #tpu.memory_space<vmem>>
    %dma_start3A_913 = tpu.memref_squeeze %dma_start3A_912 : memref<1x1024x32xf32, #tpu.memory_space<vmem>> -> memref<1024x32xf32, #tpu.memory_space<vmem>>
    tpu.enqueue_dma source(%dma_start3A_913 : memref<1024x32xf32, #tpu.memory_space<vmem>>) target(%dma_start3A_909 : memref<1024x32xf32, #tpu.memory_space<hbm>>) target_semaphore(%arg12 : memref<!tpu.dma_semaphore, #tpu.memory_space<semaphore_mem>>)
    %dma_wait3A_914 = arith.constant 2 : i32
    %dma_wait3A_915 = arith.constant 0 : i32
    %dma_wait3A_916 = arith.constant 0 : i32
    %dma_wait3A_917 = tpu.memref_slice %arg8[%dma_wait3A_914, %dma_wait3A_915, %dma_wait3A_916] : memref<3x1024x32xf32, #tpu.memory_space<vmem>> -> memref<1x1024x32xf32, #tpu.memory_space<vmem>>
    %dma_wait3A_918 = tpu.memref_squeeze %dma_wait3A_917 : memref<1x1024x32xf32, #tpu.memory_space<vmem>> -> memref<1024x32xf32, #tpu.memory_space<vmem>>
    %dma_wait3A_919 = arith.constant 0 : i32
    %dma_wait3A_920 = tpu.memref_slice %arg5[%mul3A_900, %dma_wait3A_919] : memref<425984x32xf32, #tpu.memory_space<hbm>> -> memref<1024x32xf32, #tpu.memory_space<hbm>>
    %dma_wait3A_921 = arith.constant 0 : i32
    %dma_wait3A_922 = tpu.memref_slice %arg5[%mul3A_900, %dma_wait3A_921] : memref<425984x32xf32, #tpu.memory_space<hbm>> -> memref<1024x32xf32, #tpu.memory_space<hbm>>
    %dma_wait3A_923 = arith.constant 0 : i32
    %dma_wait3A_924 = arith.constant 0 : i32
    %dma_wait3A_925 = tpu.memref_slice %arg8[%dma_wait3A_914, %dma_wait3A_923, %dma_wait3A_924] : memref<3x1024x32xf32, #tpu.memory_space<vmem>> -> memref<1x1024x32xf32, #tpu.memory_space<vmem>>
    %dma_wait3A_926 = tpu.memref_squeeze %dma_wait3A_925 : memref<1x1024x32xf32, #tpu.memory_space<vmem>> -> memref<1024x32xf32, #tpu.memory_space<vmem>>
    tpu.wait_dma2 semaphore(%arg12 : memref<!tpu.dma_semaphore, #tpu.memory_space<semaphore_mem>>) src(%dma_wait3A_926 : memref<1024x32xf32, #tpu.memory_space<vmem>>) dst(%dma_wait3A_922 : memref<1024x32xf32, #tpu.memory_space<hbm>>)
    %add3A_927 = arith.constant 11 : i32
    %add3A_928 = arith.addi %mul3A_2, %add3A_927 : i32
    %jit3A_929 = arith.constant 16 : i32
    %div3A_930 = arith.divsi %add3A_928, %jit3A_929 : i32
    %sign3A_931 = arith.constant 0 : i32
    %sign3A_932 = arith.cmpi sgt, %add3A_928, %sign3A_931 : i32
    %sign3A_933 = arith.extui %sign3A_932 : i1 to i32
    %sign3A_934 = arith.constant 0 : i32
    %sign3A_935 = arith.cmpi slt, %add3A_928, %sign3A_934 : i32
    %sign3A_936 = arith.extui %sign3A_935 : i1 to i32
    %sign3A_937 = arith.subi %sign3A_933, %sign3A_936 : i32
    %sign3A_938 = arith.constant 0 : i32
    %sign3A_939 = arith.cmpi sgt, %jit3A_929, %sign3A_938 : i32
    %sign3A_940 = arith.extui %sign3A_939 : i1 to i32
    %sign3A_941 = arith.constant 0 : i32
    %sign3A_942 = arith.cmpi slt, %jit3A_929, %sign3A_941 : i32
    %sign3A_943 = arith.extui %sign3A_942 : i1 to i32
    %sign3A_944 = arith.subi %sign3A_940, %sign3A_943 : i32
    %ne3A_945 = arith.cmpi ne, %sign3A_937, %sign3A_944 : i32
    %rem3A_946 = arith.remsi %add3A_928, %jit3A_929 : i32
    %ne3A_947 = arith.constant 0 : i32
    %ne3A_948 = arith.cmpi ne, %rem3A_946, %ne3A_947 : i32
    %and3A_949 = arith.andi %ne3A_945, %ne3A_948 : i1
    %sub3A_950 = arith.constant 1 : i32
    %sub3A_951 = arith.subi %div3A_930, %sub3A_950 : i32
    %select_n3A_952 = arith.select %and3A_949, %sub3A_951, %div3A_930 : i32
    %mul3A_953 = arith.constant 1024 : i32
    %mul3A_954 = arith.muli %add3A_928, %mul3A_953 : i32
    %run_scoped3A_955 = arith.constant 11 : i32
    "tpu.region"() ({
      %run_scoped3A_1184 = tpu.sem_alloc : memref<!tpu.dma_semaphore, #tpu.memory_space<semaphore_mem>>
      %dma_start3A_1185 = arith.constant 0 : i32
      %dma_start3A_1186 = tpu.memref_slice %arg7[%run_scoped3A_955, %dma_start3A_1185] : memref<13x1024xi32, #tpu.memory_space<vmem>> -> memref<1x1024xi32, #tpu.memory_space<vmem>>
      %dma_start3A_1187 = tpu.memref_squeeze %dma_start3A_1186 : memref<1x1024xi32, #tpu.memory_space<vmem>> -> memref<1024xi32, #tpu.memory_space<vmem>>
      %dma_start3A_1188 = tpu.memref_slice %arg2[%mul3A_954] : memref<425984xi32, #tpu.memory_space<hbm>> -> memref<1024xi32, #tpu.memory_space<hbm>>
      %dma_start3A_1189 = arith.constant 0 : i32
      %dma_start3A_1190 = tpu.memref_slice %arg7[%run_scoped3A_955, %dma_start3A_1189] : memref<13x1024xi32, #tpu.memory_space<vmem>> -> memref<1x1024xi32, #tpu.memory_space<vmem>>
      %dma_start3A_1191 = tpu.memref_squeeze %dma_start3A_1190 : memref<1x1024xi32, #tpu.memory_space<vmem>> -> memref<1024xi32, #tpu.memory_space<vmem>>
      %dma_start3A_1192 = tpu.memref_slice %arg2[%mul3A_954] : memref<425984xi32, #tpu.memory_space<hbm>> -> memref<1024xi32, #tpu.memory_space<hbm>>
      tpu.enqueue_dma source(%dma_start3A_1192 : memref<1024xi32, #tpu.memory_space<hbm>>) target(%dma_start3A_1191 : memref<1024xi32, #tpu.memory_space<vmem>>) target_semaphore(%run_scoped3A_1184 : memref<!tpu.dma_semaphore, #tpu.memory_space<semaphore_mem>>)
      %dma_wait3A_1193 = arith.constant 0 : i32
      %dma_wait3A_1194 = tpu.memref_slice %arg7[%run_scoped3A_955, %dma_wait3A_1193] : memref<13x1024xi32, #tpu.memory_space<vmem>> -> memref<1x1024xi32, #tpu.memory_space<vmem>>
      %dma_wait3A_1195 = tpu.memref_squeeze %dma_wait3A_1194 : memref<1x1024xi32, #tpu.memory_space<vmem>> -> memref<1024xi32, #tpu.memory_space<vmem>>
      %dma_wait3A_1196 = tpu.memref_slice %arg2[%mul3A_954] : memref<425984xi32, #tpu.memory_space<hbm>> -> memref<1024xi32, #tpu.memory_space<hbm>>
      %dma_wait3A_1197 = arith.constant 0 : i32
      %dma_wait3A_1198 = tpu.memref_slice %arg7[%run_scoped3A_955, %dma_wait3A_1197] : memref<13x1024xi32, #tpu.memory_space<vmem>> -> memref<1x1024xi32, #tpu.memory_space<vmem>>
      %dma_wait3A_1199 = tpu.memref_squeeze %dma_wait3A_1198 : memref<1x1024xi32, #tpu.memory_space<vmem>> -> memref<1024xi32, #tpu.memory_space<vmem>>
      %dma_wait3A_1200 = tpu.memref_slice %arg2[%mul3A_954] : memref<425984xi32, #tpu.memory_space<hbm>> -> memref<1024xi32, #tpu.memory_space<hbm>>
      tpu.wait_dma2 semaphore(%run_scoped3A_1184 : memref<!tpu.dma_semaphore, #tpu.memory_space<semaphore_mem>>) src(%dma_wait3A_1200 : memref<1024xi32, #tpu.memory_space<hbm>>) dst(%dma_wait3A_1199 : memref<1024xi32, #tpu.memory_space<vmem>>)
      tpu.yield
    }) : () -> ()
    %get3A_956 = arith.index_cast %select_n3A_952 : i32 to index
    %get3A_957 = tpu.vector_load %arg6[%get3A_956] {strides = array<i32>} : memref<48xi32, #tpu.memory_space<vmem>>, vector<16xi32>,
    %get3A_958 = vector.shape_cast %get3A_957 : vector<16xi32> to vector<16xi32>
    %slice3A_959 = vector.extract_strided_slice %get3A_958 {offsets = [0], sizes = [1], strides = [1]} : vector<16xi32> to vector<1xi32>
    %squeeze3A_960 = vector.extract %slice3A_959[0] : i32 from vector<1xi32>
    %scan3A_961 = arith.constant 0 : i32
    %scan3A_962 = arith.constant 64 : i32
    %scan3A_963 = arith.addi %scan3A_961, %scan3A_962 : i32
    %scan3A_964 = arith.constant 1 : i32
    scf.for %scan3A_1184 = %scan3A_961 to %scan3A_963 step %scan3A_964  : i32 {
      %mul3A_1185 = arith.constant 16 : i32
      %mul3A_1186 = arith.muli %scan3A_1184, %mul3A_1185 : i32
      %get3A_1187 = arith.constant 11 : i32
      %get3A_1188 = arith.index_cast %get3A_1187 : i32 to index
      %get3A_1189 = arith.index_cast %mul3A_1186 : i32 to index
      %get3A_1190 = tpu.vector_load %arg7[%get3A_1188, %get3A_1189] {strides = array<i32>} : memref<13x1024xi32, #tpu.memory_space<vmem>>, vector<1x16xi32>,
      %get3A_1191 = vector.shape_cast %get3A_1190 : vector<1x16xi32> to vector<16xi32>
      %add3A_1192 = vector.broadcast %squeeze3A_960 : i32 to vector<16xi32>
      %add3A_1193 = arith.addi %get3A_1191, %add3A_1192 : vector<16xi32>
      %swap3A = arith.constant 11 : i32
      %swap3A_1194 = arith.index_cast %swap3A : i32 to index
      %swap3A_1195 = arith.index_cast %mul3A_1186 : i32 to index
      %swap3A_1196 = tpu.vector_load %arg7[%swap3A_1194, %swap3A_1195] {strides = array<i32>} : memref<13x1024xi32, #tpu.memory_space<vmem>>, vector<1x16xi32>,
      %swap3A_1197 = vector.shape_cast %swap3A_1196 : vector<1x16xi32> to vector<16xi32>
      %swap3A_1198 = vector.shape_cast %add3A_1193 : vector<16xi32> to vector<1x16xi32>
      tpu.vector_store %arg7[%swap3A_1194, %swap3A_1195], %swap3A_1198 {strides = array<i32>} : memref<13x1024xi32, #tpu.memory_space<vmem>>, vector<1x16xi32>,
    }
    %scan3A_965 = arith.constant 64 : i32
    %dma_start3A_966 = arith.constant 11 : i32
    %dma_start3A_967 = arith.constant 2 : i32
    %dma_start3A_968 = arith.constant 0 : i32
    %dma_start3A_969 = arith.constant 0 : i32
    %dma_start3A_970 = tpu.memref_slice %arg8[%dma_start3A_967, %dma_start3A_968, %dma_start3A_969] : memref<3x1024x32xf32, #tpu.memory_space<vmem>> -> memref<1x1024x32xf32, #tpu.memory_space<vmem>>
    %dma_start3A_971 = tpu.memref_squeeze %dma_start3A_970 : memref<1x1024x32xf32, #tpu.memory_space<vmem>> -> memref<1024x32xf32, #tpu.memory_space<vmem>>
    %dma_start3A_972 = arith.constant 0 : i32
    %dma_start3A_973 = tpu.memref_slice %arg7[%dma_start3A_966, %dma_start3A_972] : memref<13x1024xi32, #tpu.memory_space<vmem>> -> memref<1x1024xi32, #tpu.memory_space<vmem>>
    %dma_start3A_974 = tpu.memref_squeeze %dma_start3A_973 : memref<1x1024xi32, #tpu.memory_space<vmem>> -> memref<1024xi32, #tpu.memory_space<vmem>>
    %dma_start3A_975 = arith.constant 0 : i32
    %dma_start3A_976 = arith.constant 0 : i32
    %dma_start3A_977 = tpu.memref_slice %arg3[%dma_start3A_975, %dma_start3A_976] : memref<2600000x32xf32, #tpu.memory_space<hbm>> -> memref<2600000x32xf32, #tpu.memory_space<hbm>>
    tpu.enqueue_indirect_dma source(%dma_start3A_977 : memref<2600000x32xf32, #tpu.memory_space<hbm>>) target(%dma_start3A_971 : memref<1024x32xf32, #tpu.memory_space<vmem>>) offsets(%dma_start3A_974 : memref<1024xi32, #tpu.memory_space<vmem>>) semaphore(%arg11 : memref<!tpu.dma_semaphore, #tpu.memory_space<semaphore_mem>>)
    %dma_wait3A_978 = arith.constant 9 : i32
    %dma_wait3A_979 = arith.constant 0 : i32
    %dma_wait3A_980 = arith.constant 0 : i32
    %dma_wait3A_981 = arith.constant 0 : i32
    %dma_wait3A_982 = tpu.memref_slice %arg8[%dma_wait3A_979, %dma_wait3A_980, %dma_wait3A_981] : memref<3x1024x32xf32, #tpu.memory_space<vmem>> -> memref<1x1024x32xf32, #tpu.memory_space<vmem>>
    %dma_wait3A_983 = tpu.memref_squeeze %dma_wait3A_982 : memref<1x1024x32xf32, #tpu.memory_space<vmem>> -> memref<1024x32xf32, #tpu.memory_space<vmem>>
    %dma_wait3A_984 = arith.constant 0 : i32
    %dma_wait3A_985 = tpu.memref_slice %arg7[%dma_wait3A_978, %dma_wait3A_984] : memref<13x1024xi32, #tpu.memory_space<vmem>> -> memref<1x1024xi32, #tpu.memory_space<vmem>>
    %dma_wait3A_986 = tpu.memref_squeeze %dma_wait3A_985 : memref<1x1024xi32, #tpu.memory_space<vmem>> -> memref<1024xi32, #tpu.memory_space<vmem>>
    %dma_wait3A_987 = arith.constant 0 : i32
    %dma_wait3A_988 = arith.constant 0 : i32
    %dma_wait3A_989 = tpu.memref_slice %arg3[%dma_wait3A_987, %dma_wait3A_988] : memref<2600000x32xf32, #tpu.memory_space<hbm>> -> memref<2600000x32xf32, #tpu.memory_space<hbm>>
    tpu.wait_indirect_dma semaphore(%arg9 : memref<!tpu.dma_semaphore, #tpu.memory_space<semaphore_mem>>) src(%dma_wait3A_989 : memref<2600000x32xf32, #tpu.memory_space<hbm>>) dst(%dma_wait3A_983 : memref<1024x32xf32, #tpu.memory_space<vmem>>)
    %add3A_990 = arith.constant 9 : i32
    %add3A_991 = arith.addi %mul3A_2, %add3A_990 : i32
    %mul3A_992 = arith.constant 1024 : i32
    %mul3A_993 = arith.muli %add3A_991, %mul3A_992 : i32
    %dma_start3A_994 = arith.constant 0 : i32
    %dma_start3A_995 = arith.constant 0 : i32
    %dma_start3A_996 = arith.constant 0 : i32
    %dma_start3A_997 = tpu.memref_slice %arg8[%dma_start3A_994, %dma_start3A_995, %dma_start3A_996] : memref<3x1024x32xf32, #tpu.memory_space<vmem>> -> memref<1x1024x32xf32, #tpu.memory_space<vmem>>
    %dma_start3A_998 = tpu.memref_squeeze %dma_start3A_997 : memref<1x1024x32xf32, #tpu.memory_space<vmem>> -> memref<1024x32xf32, #tpu.memory_space<vmem>>
    %dma_start3A_999 = arith.constant 0 : i32
    %dma_start3A_1000 = tpu.memref_slice %arg5[%mul3A_993, %dma_start3A_999] : memref<425984x32xf32, #tpu.memory_space<hbm>> -> memref<1024x32xf32, #tpu.memory_space<hbm>>
    %dma_start3A_1001 = arith.constant 0 : i32
    %dma_start3A_1002 = tpu.memref_slice %arg5[%mul3A_993, %dma_start3A_1001] : memref<425984x32xf32, #tpu.memory_space<hbm>> -> memref<1024x32xf32, #tpu.memory_space<hbm>>
    %dma_start3A_1003 = arith.constant 0 : i32
    %dma_start3A_1004 = arith.constant 0 : i32
    %dma_start3A_1005 = tpu.memref_slice %arg8[%dma_start3A_994, %dma_start3A_1003, %dma_start3A_1004] : memref<3x1024x32xf32, #tpu.memory_space<vmem>> -> memref<1x1024x32xf32, #tpu.memory_space<vmem>>
    %dma_start3A_1006 = tpu.memref_squeeze %dma_start3A_1005 : memref<1x1024x32xf32, #tpu.memory_space<vmem>> -> memref<1024x32xf32, #tpu.memory_space<vmem>>
    tpu.enqueue_dma source(%dma_start3A_1006 : memref<1024x32xf32, #tpu.memory_space<vmem>>) target(%dma_start3A_1002 : memref<1024x32xf32, #tpu.memory_space<hbm>>) target_semaphore(%arg12 : memref<!tpu.dma_semaphore, #tpu.memory_space<semaphore_mem>>)
    %dma_wait3A_1007 = arith.constant 0 : i32
    %dma_wait3A_1008 = arith.constant 0 : i32
    %dma_wait3A_1009 = arith.constant 0 : i32
    %dma_wait3A_1010 = tpu.memref_slice %arg8[%dma_wait3A_1007, %dma_wait3A_1008, %dma_wait3A_1009] : memref<3x1024x32xf32, #tpu.memory_space<vmem>> -> memref<1x1024x32xf32, #tpu.memory_space<vmem>>
    %dma_wait3A_1011 = tpu.memref_squeeze %dma_wait3A_1010 : memref<1x1024x32xf32, #tpu.memory_space<vmem>> -> memref<1024x32xf32, #tpu.memory_space<vmem>>
    %dma_wait3A_1012 = arith.constant 0 : i32
    %dma_wait3A_1013 = tpu.memref_slice %arg5[%mul3A_993, %dma_wait3A_1012] : memref<425984x32xf32, #tpu.memory_space<hbm>> -> memref<1024x32xf32, #tpu.memory_space<hbm>>
    %dma_wait3A_1014 = arith.constant 0 : i32
    %dma_wait3A_1015 = tpu.memref_slice %arg5[%mul3A_993, %dma_wait3A_1014] : memref<425984x32xf32, #tpu.memory_space<hbm>> -> memref<1024x32xf32, #tpu.memory_space<hbm>>
    %dma_wait3A_1016 = arith.constant 0 : i32
    %dma_wait3A_1017 = arith.constant 0 : i32
    %dma_wait3A_1018 = tpu.memref_slice %arg8[%dma_wait3A_1007, %dma_wait3A_1016, %dma_wait3A_1017] : memref<3x1024x32xf32, #tpu.memory_space<vmem>> -> memref<1x1024x32xf32, #tpu.memory_space<vmem>>
    %dma_wait3A_1019 = tpu.memref_squeeze %dma_wait3A_1018 : memref<1x1024x32xf32, #tpu.memory_space<vmem>> -> memref<1024x32xf32, #tpu.memory_space<vmem>>
    tpu.wait_dma2 semaphore(%arg12 : memref<!tpu.dma_semaphore, #tpu.memory_space<semaphore_mem>>) src(%dma_wait3A_1019 : memref<1024x32xf32, #tpu.memory_space<vmem>>) dst(%dma_wait3A_1015 : memref<1024x32xf32, #tpu.memory_space<hbm>>)
    %add3A_1020 = arith.constant 12 : i32
    %add3A_1021 = arith.addi %mul3A_2, %add3A_1020 : i32
    %jit3A_1022 = arith.constant 16 : i32
    %div3A_1023 = arith.divsi %add3A_1021, %jit3A_1022 : i32
    %sign3A_1024 = arith.constant 0 : i32
    %sign3A_1025 = arith.cmpi sgt, %add3A_1021, %sign3A_1024 : i32
    %sign3A_1026 = arith.extui %sign3A_1025 : i1 to i32
    %sign3A_1027 = arith.constant 0 : i32
    %sign3A_1028 = arith.cmpi slt, %add3A_1021, %sign3A_1027 : i32
    %sign3A_1029 = arith.extui %sign3A_1028 : i1 to i32
    %sign3A_1030 = arith.subi %sign3A_1026, %sign3A_1029 : i32
    %sign3A_1031 = arith.constant 0 : i32
    %sign3A_1032 = arith.cmpi sgt, %jit3A_1022, %sign3A_1031 : i32
    %sign3A_1033 = arith.extui %sign3A_1032 : i1 to i32
    %sign3A_1034 = arith.constant 0 : i32
    %sign3A_1035 = arith.cmpi slt, %jit3A_1022, %sign3A_1034 : i32
    %sign3A_1036 = arith.extui %sign3A_1035 : i1 to i32
    %sign3A_1037 = arith.subi %sign3A_1033, %sign3A_1036 : i32
    %ne3A_1038 = arith.cmpi ne, %sign3A_1030, %sign3A_1037 : i32
    %rem3A_1039 = arith.remsi %add3A_1021, %jit3A_1022 : i32
    %ne3A_1040 = arith.constant 0 : i32
    %ne3A_1041 = arith.cmpi ne, %rem3A_1039, %ne3A_1040 : i32
    %and3A_1042 = arith.andi %ne3A_1038, %ne3A_1041 : i1
    %sub3A_1043 = arith.constant 1 : i32
    %sub3A_1044 = arith.subi %div3A_1023, %sub3A_1043 : i32
    %select_n3A_1045 = arith.select %and3A_1042, %sub3A_1044, %div3A_1023 : i32
    %mul3A_1046 = arith.constant 1024 : i32
    %mul3A_1047 = arith.muli %add3A_1021, %mul3A_1046 : i32
    %run_scoped3A_1048 = arith.constant 12 : i32
    "tpu.region"() ({
      %run_scoped3A_1184 = tpu.sem_alloc : memref<!tpu.dma_semaphore, #tpu.memory_space<semaphore_mem>>
      %dma_start3A_1185 = arith.constant 0 : i32
      %dma_start3A_1186 = tpu.memref_slice %arg7[%run_scoped3A_1048, %dma_start3A_1185] : memref<13x1024xi32, #tpu.memory_space<vmem>> -> memref<1x1024xi32, #tpu.memory_space<vmem>>
      %dma_start3A_1187 = tpu.memref_squeeze %dma_start3A_1186 : memref<1x1024xi32, #tpu.memory_space<vmem>> -> memref<1024xi32, #tpu.memory_space<vmem>>
      %dma_start3A_1188 = tpu.memref_slice %arg2[%mul3A_1047] : memref<425984xi32, #tpu.memory_space<hbm>> -> memref<1024xi32, #tpu.memory_space<hbm>>
      %dma_start3A_1189 = arith.constant 0 : i32
      %dma_start3A_1190 = tpu.memref_slice %arg7[%run_scoped3A_1048, %dma_start3A_1189] : memref<13x1024xi32, #tpu.memory_space<vmem>> -> memref<1x1024xi32, #tpu.memory_space<vmem>>
      %dma_start3A_1191 = tpu.memref_squeeze %dma_start3A_1190 : memref<1x1024xi32, #tpu.memory_space<vmem>> -> memref<1024xi32, #tpu.memory_space<vmem>>
      %dma_start3A_1192 = tpu.memref_slice %arg2[%mul3A_1047] : memref<425984xi32, #tpu.memory_space<hbm>> -> memref<1024xi32, #tpu.memory_space<hbm>>
      tpu.enqueue_dma source(%dma_start3A_1192 : memref<1024xi32, #tpu.memory_space<hbm>>) target(%dma_start3A_1191 : memref<1024xi32, #tpu.memory_space<vmem>>) target_semaphore(%run_scoped3A_1184 : memref<!tpu.dma_semaphore, #tpu.memory_space<semaphore_mem>>)
      %dma_wait3A_1193 = arith.constant 0 : i32
      %dma_wait3A_1194 = tpu.memref_slice %arg7[%run_scoped3A_1048, %dma_wait3A_1193] : memref<13x1024xi32, #tpu.memory_space<vmem>> -> memref<1x1024xi32, #tpu.memory_space<vmem>>
      %dma_wait3A_1195 = tpu.memref_squeeze %dma_wait3A_1194 : memref<1x1024xi32, #tpu.memory_space<vmem>> -> memref<1024xi32, #tpu.memory_space<vmem>>
      %dma_wait3A_1196 = tpu.memref_slice %arg2[%mul3A_1047] : memref<425984xi32, #tpu.memory_space<hbm>> -> memref<1024xi32, #tpu.memory_space<hbm>>
      %dma_wait3A_1197 = arith.constant 0 : i32
      %dma_wait3A_1198 = tpu.memref_slice %arg7[%run_scoped3A_1048, %dma_wait3A_1197] : memref<13x1024xi32, #tpu.memory_space<vmem>> -> memref<1x1024xi32, #tpu.memory_space<vmem>>
      %dma_wait3A_1199 = tpu.memref_squeeze %dma_wait3A_1198 : memref<1x1024xi32, #tpu.memory_space<vmem>> -> memref<1024xi32, #tpu.memory_space<vmem>>
      %dma_wait3A_1200 = tpu.memref_slice %arg2[%mul3A_1047] : memref<425984xi32, #tpu.memory_space<hbm>> -> memref<1024xi32, #tpu.memory_space<hbm>>
      tpu.wait_dma2 semaphore(%run_scoped3A_1184 : memref<!tpu.dma_semaphore, #tpu.memory_space<semaphore_mem>>) src(%dma_wait3A_1200 : memref<1024xi32, #tpu.memory_space<hbm>>) dst(%dma_wait3A_1199 : memref<1024xi32, #tpu.memory_space<vmem>>)
      tpu.yield
    }) : () -> ()
    %get3A_1049 = arith.index_cast %select_n3A_1045 : i32 to index
    %get3A_1050 = tpu.vector_load %arg6[%get3A_1049] {strides = array<i32>} : memref<48xi32, #tpu.memory_space<vmem>>, vector<16xi32>,
    %get3A_1051 = vector.shape_cast %get3A_1050 : vector<16xi32> to vector<16xi32>
    %slice3A_1052 = vector.extract_strided_slice %get3A_1051 {offsets = [0], sizes = [1], strides = [1]} : vector<16xi32> to vector<1xi32>
    %squeeze3A_1053 = vector.extract %slice3A_1052[0] : i32 from vector<1xi32>
    %scan3A_1054 = arith.constant 0 : i32
    %scan3A_1055 = arith.constant 64 : i32
    %scan3A_1056 = arith.addi %scan3A_1054, %scan3A_1055 : i32
    %scan3A_1057 = arith.constant 1 : i32
    scf.for %scan3A_1184 = %scan3A_1054 to %scan3A_1056 step %scan3A_1057  : i32 {
      %mul3A_1185 = arith.constant 16 : i32
      %mul3A_1186 = arith.muli %scan3A_1184, %mul3A_1185 : i32
      %get3A_1187 = arith.constant 12 : i32
      %get3A_1188 = arith.index_cast %get3A_1187 : i32 to index
      %get3A_1189 = arith.index_cast %mul3A_1186 : i32 to index
      %get3A_1190 = tpu.vector_load %arg7[%get3A_1188, %get3A_1189] {strides = array<i32>} : memref<13x1024xi32, #tpu.memory_space<vmem>>, vector<1x16xi32>,
      %get3A_1191 = vector.shape_cast %get3A_1190 : vector<1x16xi32> to vector<16xi32>
      %add3A_1192 = vector.broadcast %squeeze3A_1053 : i32 to vector<16xi32>
      %add3A_1193 = arith.addi %get3A_1191, %add3A_1192 : vector<16xi32>
      %swap3A = arith.constant 12 : i32
      %swap3A_1194 = arith.index_cast %swap3A : i32 to index
      %swap3A_1195 = arith.index_cast %mul3A_1186 : i32 to index
      %swap3A_1196 = tpu.vector_load %arg7[%swap3A_1194, %swap3A_1195] {strides = array<i32>} : memref<13x1024xi32, #tpu.memory_space<vmem>>, vector<1x16xi32>,
      %swap3A_1197 = vector.shape_cast %swap3A_1196 : vector<1x16xi32> to vector<16xi32>
      %swap3A_1198 = vector.shape_cast %add3A_1193 : vector<16xi32> to vector<1x16xi32>
      tpu.vector_store %arg7[%swap3A_1194, %swap3A_1195], %swap3A_1198 {strides = array<i32>} : memref<13x1024xi32, #tpu.memory_space<vmem>>, vector<1x16xi32>,
    }
    %scan3A_1058 = arith.constant 64 : i32
    %dma_start3A_1059 = arith.constant 12 : i32
    %dma_start3A_1060 = arith.constant 0 : i32
    %dma_start3A_1061 = arith.constant 0 : i32
    %dma_start3A_1062 = arith.constant 0 : i32
    %dma_start3A_1063 = tpu.memref_slice %arg8[%dma_start3A_1060, %dma_start3A_1061, %dma_start3A_1062] : memref<3x1024x32xf32, #tpu.memory_space<vmem>> -> memref<1x1024x32xf32, #tpu.memory_space<vmem>>
    %dma_start3A_1064 = tpu.memref_squeeze %dma_start3A_1063 : memref<1x1024x32xf32, #tpu.memory_space<vmem>> -> memref<1024x32xf32, #tpu.memory_space<vmem>>
    %dma_start3A_1065 = arith.constant 0 : i32
    %dma_start3A_1066 = tpu.memref_slice %arg7[%dma_start3A_1059, %dma_start3A_1065] : memref<13x1024xi32, #tpu.memory_space<vmem>> -> memref<1x1024xi32, #tpu.memory_space<vmem>>
    %dma_start3A_1067 = tpu.memref_squeeze %dma_start3A_1066 : memref<1x1024xi32, #tpu.memory_space<vmem>> -> memref<1024xi32, #tpu.memory_space<vmem>>
    %dma_start3A_1068 = arith.constant 0 : i32
    %dma_start3A_1069 = arith.constant 0 : i32
    %dma_start3A_1070 = tpu.memref_slice %arg3[%dma_start3A_1068, %dma_start3A_1069] : memref<2600000x32xf32, #tpu.memory_space<hbm>> -> memref<2600000x32xf32, #tpu.memory_space<hbm>>
    tpu.enqueue_indirect_dma source(%dma_start3A_1070 : memref<2600000x32xf32, #tpu.memory_space<hbm>>) target(%dma_start3A_1064 : memref<1024x32xf32, #tpu.memory_space<vmem>>) offsets(%dma_start3A_1067 : memref<1024xi32, #tpu.memory_space<vmem>>) semaphore(%arg9 : memref<!tpu.dma_semaphore, #tpu.memory_space<semaphore_mem>>)
    %dma_wait3A_1071 = arith.constant 10 : i32
    %dma_wait3A_1072 = arith.constant 1 : i32
    %dma_wait3A_1073 = arith.constant 0 : i32
    %dma_wait3A_1074 = arith.constant 0 : i32
    %dma_wait3A_1075 = tpu.memref_slice %arg8[%dma_wait3A_1072, %dma_wait3A_1073, %dma_wait3A_1074] : memref<3x1024x32xf32, #tpu.memory_space<vmem>> -> memref<1x1024x32xf32, #tpu.memory_space<vmem>>
    %dma_wait3A_1076 = tpu.memref_squeeze %dma_wait3A_1075 : memref<1x1024x32xf32, #tpu.memory_space<vmem>> -> memref<1024x32xf32, #tpu.memory_space<vmem>>
    %dma_wait3A_1077 = arith.constant 0 : i32
    %dma_wait3A_1078 = tpu.memref_slice %arg7[%dma_wait3A_1071, %dma_wait3A_1077] : memref<13x1024xi32, #tpu.memory_space<vmem>> -> memref<1x1024xi32, #tpu.memory_space<vmem>>
    %dma_wait3A_1079 = tpu.memref_squeeze %dma_wait3A_1078 : memref<1x1024xi32, #tpu.memory_space<vmem>> -> memref<1024xi32, #tpu.memory_space<vmem>>
    %dma_wait3A_1080 = arith.constant 0 : i32
    %dma_wait3A_1081 = arith.constant 0 : i32
    %dma_wait3A_1082 = tpu.memref_slice %arg3[%dma_wait3A_1080, %dma_wait3A_1081] : memref<2600000x32xf32, #tpu.memory_space<hbm>> -> memref<2600000x32xf32, #tpu.memory_space<hbm>>
    tpu.wait_indirect_dma semaphore(%arg10 : memref<!tpu.dma_semaphore, #tpu.memory_space<semaphore_mem>>) src(%dma_wait3A_1082 : memref<2600000x32xf32, #tpu.memory_space<hbm>>) dst(%dma_wait3A_1076 : memref<1024x32xf32, #tpu.memory_space<vmem>>)
    %add3A_1083 = arith.constant 10 : i32
    %add3A_1084 = arith.addi %mul3A_2, %add3A_1083 : i32
    %mul3A_1085 = arith.constant 1024 : i32
    %mul3A_1086 = arith.muli %add3A_1084, %mul3A_1085 : i32
    %dma_start3A_1087 = arith.constant 1 : i32
    %dma_start3A_1088 = arith.constant 0 : i32
    %dma_start3A_1089 = arith.constant 0 : i32
    %dma_start3A_1090 = tpu.memref_slice %arg8[%dma_start3A_1087, %dma_start3A_1088, %dma_start3A_1089] : memref<3x1024x32xf32, #tpu.memory_space<vmem>> -> memref<1x1024x32xf32, #tpu.memory_space<vmem>>
    %dma_start3A_1091 = tpu.memref_squeeze %dma_start3A_1090 : memref<1x1024x32xf32, #tpu.memory_space<vmem>> -> memref<1024x32xf32, #tpu.memory_space<vmem>>
    %dma_start3A_1092 = arith.constant 0 : i32
    %dma_start3A_1093 = tpu.memref_slice %arg5[%mul3A_1086, %dma_start3A_1092] : memref<425984x32xf32, #tpu.memory_space<hbm>> -> memref<1024x32xf32, #tpu.memory_space<hbm>>
    %dma_start3A_1094 = arith.constant 0 : i32
    %dma_start3A_1095 = tpu.memref_slice %arg5[%mul3A_1086, %dma_start3A_1094] : memref<425984x32xf32, #tpu.memory_space<hbm>> -> memref<1024x32xf32, #tpu.memory_space<hbm>>
    %dma_start3A_1096 = arith.constant 0 : i32
    %dma_start3A_1097 = arith.constant 0 : i32
    %dma_start3A_1098 = tpu.memref_slice %arg8[%dma_start3A_1087, %dma_start3A_1096, %dma_start3A_1097] : memref<3x1024x32xf32, #tpu.memory_space<vmem>> -> memref<1x1024x32xf32, #tpu.memory_space<vmem>>
    %dma_start3A_1099 = tpu.memref_squeeze %dma_start3A_1098 : memref<1x1024x32xf32, #tpu.memory_space<vmem>> -> memref<1024x32xf32, #tpu.memory_space<vmem>>
    tpu.enqueue_dma source(%dma_start3A_1099 : memref<1024x32xf32, #tpu.memory_space<vmem>>) target(%dma_start3A_1095 : memref<1024x32xf32, #tpu.memory_space<hbm>>) target_semaphore(%arg12 : memref<!tpu.dma_semaphore, #tpu.memory_space<semaphore_mem>>)
    %dma_wait3A_1100 = arith.constant 11 : i32
    %dma_wait3A_1101 = arith.constant 2 : i32
    %dma_wait3A_1102 = arith.constant 0 : i32
    %dma_wait3A_1103 = arith.constant 0 : i32
    %dma_wait3A_1104 = tpu.memref_slice %arg8[%dma_wait3A_1101, %dma_wait3A_1102, %dma_wait3A_1103] : memref<3x1024x32xf32, #tpu.memory_space<vmem>> -> memref<1x1024x32xf32, #tpu.memory_space<vmem>>
    %dma_wait3A_1105 = tpu.memref_squeeze %dma_wait3A_1104 : memref<1x1024x32xf32, #tpu.memory_space<vmem>> -> memref<1024x32xf32, #tpu.memory_space<vmem>>
    %dma_wait3A_1106 = arith.constant 0 : i32
    %dma_wait3A_1107 = tpu.memref_slice %arg7[%dma_wait3A_1100, %dma_wait3A_1106] : memref<13x1024xi32, #tpu.memory_space<vmem>> -> memref<1x1024xi32, #tpu.memory_space<vmem>>
    %dma_wait3A_1108 = tpu.memref_squeeze %dma_wait3A_1107 : memref<1x1024xi32, #tpu.memory_space<vmem>> -> memref<1024xi32, #tpu.memory_space<vmem>>
    %dma_wait3A_1109 = arith.constant 0 : i32
    %dma_wait3A_1110 = arith.constant 0 : i32
    %dma_wait3A_1111 = tpu.memref_slice %arg3[%dma_wait3A_1109, %dma_wait3A_1110] : memref<2600000x32xf32, #tpu.memory_space<hbm>> -> memref<2600000x32xf32, #tpu.memory_space<hbm>>
    tpu.wait_indirect_dma semaphore(%arg11 : memref<!tpu.dma_semaphore, #tpu.memory_space<semaphore_mem>>) src(%dma_wait3A_1111 : memref<2600000x32xf32, #tpu.memory_space<hbm>>) dst(%dma_wait3A_1105 : memref<1024x32xf32, #tpu.memory_space<vmem>>)
    %add3A_1112 = arith.constant 11 : i32
    %add3A_1113 = arith.addi %mul3A_2, %add3A_1112 : i32
    %mul3A_1114 = arith.constant 1024 : i32
    %mul3A_1115 = arith.muli %add3A_1113, %mul3A_1114 : i32
    %dma_start3A_1116 = arith.constant 2 : i32
    %dma_start3A_1117 = arith.constant 0 : i32
    %dma_start3A_1118 = arith.constant 0 : i32
    %dma_start3A_1119 = tpu.memref_slice %arg8[%dma_start3A_1116, %dma_start3A_1117, %dma_start3A_1118] : memref<3x1024x32xf32, #tpu.memory_space<vmem>> -> memref<1x1024x32xf32, #tpu.memory_space<vmem>>
    %dma_start3A_1120 = tpu.memref_squeeze %dma_start3A_1119 : memref<1x1024x32xf32, #tpu.memory_space<vmem>> -> memref<1024x32xf32, #tpu.memory_space<vmem>>
    %dma_start3A_1121 = arith.constant 0 : i32
    %dma_start3A_1122 = tpu.memref_slice %arg5[%mul3A_1115, %dma_start3A_1121] : memref<425984x32xf32, #tpu.memory_space<hbm>> -> memref<1024x32xf32, #tpu.memory_space<hbm>>
    %dma_start3A_1123 = arith.constant 0 : i32
    %dma_start3A_1124 = tpu.memref_slice %arg5[%mul3A_1115, %dma_start3A_1123] : memref<425984x32xf32, #tpu.memory_space<hbm>> -> memref<1024x32xf32, #tpu.memory_space<hbm>>
    %dma_start3A_1125 = arith.constant 0 : i32
    %dma_start3A_1126 = arith.constant 0 : i32
    %dma_start3A_1127 = tpu.memref_slice %arg8[%dma_start3A_1116, %dma_start3A_1125, %dma_start3A_1126] : memref<3x1024x32xf32, #tpu.memory_space<vmem>> -> memref<1x1024x32xf32, #tpu.memory_space<vmem>>
    %dma_start3A_1128 = tpu.memref_squeeze %dma_start3A_1127 : memref<1x1024x32xf32, #tpu.memory_space<vmem>> -> memref<1024x32xf32, #tpu.memory_space<vmem>>
    tpu.enqueue_dma source(%dma_start3A_1128 : memref<1024x32xf32, #tpu.memory_space<vmem>>) target(%dma_start3A_1124 : memref<1024x32xf32, #tpu.memory_space<hbm>>) target_semaphore(%arg12 : memref<!tpu.dma_semaphore, #tpu.memory_space<semaphore_mem>>)
    %dma_wait3A_1129 = arith.constant 12 : i32
    %dma_wait3A_1130 = arith.constant 0 : i32
    %dma_wait3A_1131 = arith.constant 0 : i32
    %dma_wait3A_1132 = arith.constant 0 : i32
    %dma_wait3A_1133 = tpu.memref_slice %arg8[%dma_wait3A_1130, %dma_wait3A_1131, %dma_wait3A_1132] : memref<3x1024x32xf32, #tpu.memory_space<vmem>> -> memref<1x1024x32xf32, #tpu.memory_space<vmem>>
    %dma_wait3A_1134 = tpu.memref_squeeze %dma_wait3A_1133 : memref<1x1024x32xf32, #tpu.memory_space<vmem>> -> memref<1024x32xf32, #tpu.memory_space<vmem>>
    %dma_wait3A_1135 = arith.constant 0 : i32
    %dma_wait3A_1136 = tpu.memref_slice %arg7[%dma_wait3A_1129, %dma_wait3A_1135] : memref<13x1024xi32, #tpu.memory_space<vmem>> -> memref<1x1024xi32, #tpu.memory_space<vmem>>
    %dma_wait3A_1137 = tpu.memref_squeeze %dma_wait3A_1136 : memref<1x1024xi32, #tpu.memory_space<vmem>> -> memref<1024xi32, #tpu.memory_space<vmem>>
    %dma_wait3A_1138 = arith.constant 0 : i32
    %dma_wait3A_1139 = arith.constant 0 : i32
    %dma_wait3A_1140 = tpu.memref_slice %arg3[%dma_wait3A_1138, %dma_wait3A_1139] : memref<2600000x32xf32, #tpu.memory_space<hbm>> -> memref<2600000x32xf32, #tpu.memory_space<hbm>>
    tpu.wait_indirect_dma semaphore(%arg9 : memref<!tpu.dma_semaphore, #tpu.memory_space<semaphore_mem>>) src(%dma_wait3A_1140 : memref<2600000x32xf32, #tpu.memory_space<hbm>>) dst(%dma_wait3A_1134 : memref<1024x32xf32, #tpu.memory_space<vmem>>)
    %add3A_1141 = arith.constant 12 : i32
    %add3A_1142 = arith.addi %mul3A_2, %add3A_1141 : i32
    %mul3A_1143 = arith.constant 1024 : i32
    %mul3A_1144 = arith.muli %add3A_1142, %mul3A_1143 : i32
    %dma_start3A_1145 = arith.constant 0 : i32
    %dma_start3A_1146 = arith.constant 0 : i32
    %dma_start3A_1147 = arith.constant 0 : i32
    %dma_start3A_1148 = tpu.memref_slice %arg8[%dma_start3A_1145, %dma_start3A_1146, %dma_start3A_1147] : memref<3x1024x32xf32, #tpu.memory_space<vmem>> -> memref<1x1024x32xf32, #tpu.memory_space<vmem>>
    %dma_start3A_1149 = tpu.memref_squeeze %dma_start3A_1148 : memref<1x1024x32xf32, #tpu.memory_space<vmem>> -> memref<1024x32xf32, #tpu.memory_space<vmem>>
    %dma_start3A_1150 = arith.constant 0 : i32
    %dma_start3A_1151 = tpu.memref_slice %arg5[%mul3A_1144, %dma_start3A_1150] : memref<425984x32xf32, #tpu.memory_space<hbm>> -> memref<1024x32xf32, #tpu.memory_space<hbm>>
    %dma_start3A_1152 = arith.constant 0 : i32
    %dma_start3A_1153 = tpu.memref_slice %arg5[%mul3A_1144, %dma_start3A_1152] : memref<425984x32xf32, #tpu.memory_space<hbm>> -> memref<1024x32xf32, #tpu.memory_space<hbm>>
    %dma_start3A_1154 = arith.constant 0 : i32
    %dma_start3A_1155 = arith.constant 0 : i32
    %dma_start3A_1156 = tpu.memref_slice %arg8[%dma_start3A_1145, %dma_start3A_1154, %dma_start3A_1155] : memref<3x1024x32xf32, #tpu.memory_space<vmem>> -> memref<1x1024x32xf32, #tpu.memory_space<vmem>>
    %dma_start3A_1157 = tpu.memref_squeeze %dma_start3A_1156 : memref<1x1024x32xf32, #tpu.memory_space<vmem>> -> memref<1024x32xf32, #tpu.memory_space<vmem>>
    tpu.enqueue_dma source(%dma_start3A_1157 : memref<1024x32xf32, #tpu.memory_space<vmem>>) target(%dma_start3A_1153 : memref<1024x32xf32, #tpu.memory_space<hbm>>) target_semaphore(%arg12 : memref<!tpu.dma_semaphore, #tpu.memory_space<semaphore_mem>>)
    %dma_wait3A_1158 = arith.constant 2 : i32
    %dma_wait3A_1159 = arith.constant 0 : i32
    %dma_wait3A_1160 = arith.constant 0 : i32
    %dma_wait3A_1161 = tpu.memref_slice %arg8[%dma_wait3A_1158, %dma_wait3A_1159, %dma_wait3A_1160] : memref<3x1024x32xf32, #tpu.memory_space<vmem>> -> memref<1x1024x32xf32, #tpu.memory_space<vmem>>
    %dma_wait3A_1162 = tpu.memref_squeeze %dma_wait3A_1161 : memref<1x1024x32xf32, #tpu.memory_space<vmem>> -> memref<1024x32xf32, #tpu.memory_space<vmem>>
    %dma_wait3A_1163 = arith.constant 0 : i32
    %dma_wait3A_1164 = tpu.memref_slice %arg5[%mul3A_1115, %dma_wait3A_1163] : memref<425984x32xf32, #tpu.memory_space<hbm>> -> memref<1024x32xf32, #tpu.memory_space<hbm>>
    %dma_wait3A_1165 = arith.constant 0 : i32
    %dma_wait3A_1166 = tpu.memref_slice %arg5[%mul3A_1115, %dma_wait3A_1165] : memref<425984x32xf32, #tpu.memory_space<hbm>> -> memref<1024x32xf32, #tpu.memory_space<hbm>>
    %dma_wait3A_1167 = arith.constant 0 : i32
    %dma_wait3A_1168 = arith.constant 0 : i32
    %dma_wait3A_1169 = tpu.memref_slice %arg8[%dma_wait3A_1158, %dma_wait3A_1167, %dma_wait3A_1168] : memref<3x1024x32xf32, #tpu.memory_space<vmem>> -> memref<1x1024x32xf32, #tpu.memory_space<vmem>>
    %dma_wait3A_1170 = tpu.memref_squeeze %dma_wait3A_1169 : memref<1x1024x32xf32, #tpu.memory_space<vmem>> -> memref<1024x32xf32, #tpu.memory_space<vmem>>
    tpu.wait_dma2 semaphore(%arg12 : memref<!tpu.dma_semaphore, #tpu.memory_space<semaphore_mem>>) src(%dma_wait3A_1170 : memref<1024x32xf32, #tpu.memory_space<vmem>>) dst(%dma_wait3A_1166 : memref<1024x32xf32, #tpu.memory_space<hbm>>)
    %dma_wait3A_1171 = arith.constant 0 : i32
    %dma_wait3A_1172 = arith.constant 0 : i32
    %dma_wait3A_1173 = arith.constant 0 : i32
    %dma_wait3A_1174 = tpu.memref_slice %arg8[%dma_wait3A_1171, %dma_wait3A_1172, %dma_wait3A_1173] : memref<3x1024x32xf32, #tpu.memory_space<vmem>> -> memref<1x1024x32xf32, #tpu.memory_space<vmem>>
    %dma_wait3A_1175 = tpu.memref_squeeze %dma_wait3A_1174 : memref<1x1024x32xf32, #tpu.memory_space<vmem>> -> memref<1024x32xf32, #tpu.memory_space<vmem>>
    %dma_wait3A_1176 = arith.constant 0 : i32
    %dma_wait3A_1177 = tpu.memref_slice %arg5[%mul3A_1144, %dma_wait3A_1176] : memref<425984x32xf32, #tpu.memory_space<hbm>> -> memref<1024x32xf32, #tpu.memory_space<hbm>>
    %dma_wait3A_1178 = arith.constant 0 : i32
    %dma_wait3A_1179 = tpu.memref_slice %arg5[%mul3A_1144, %dma_wait3A_1178] : memref<425984x32xf32, #tpu.memory_space<hbm>> -> memref<1024x32xf32, #tpu.memory_space<hbm>>
    %dma_wait3A_1180 = arith.constant 0 : i32
    %dma_wait3A_1181 = arith.constant 0 : i32
    %dma_wait3A_1182 = tpu.memref_slice %arg8[%dma_wait3A_1171, %dma_wait3A_1180, %dma_wait3A_1181] : memref<3x1024x32xf32, #tpu.memory_space<vmem>> -> memref<1x1024x32xf32, #tpu.memory_space<vmem>>
    %dma_wait3A_1183 = tpu.memref_squeeze %dma_wait3A_1182 : memref<1x1024x32xf32, #tpu.memory_space<vmem>> -> memref<1024x32xf32, #tpu.memory_space<vmem>>
    tpu.wait_dma2 semaphore(%arg12 : memref<!tpu.dma_semaphore, #tpu.memory_space<semaphore_mem>>) src(%dma_wait3A_1183 : memref<1024x32xf32, #tpu.memory_space<vmem>>) dst(%dma_wait3A_1179 : memref<1024x32xf32, #tpu.memory_space<hbm>>)
    return
  }
}

</mosaic_0001>

<sc_bundles>
// kernel: kernel.3.cloned.1.call-start
scs
__scs_entry_jumppad:
0x0: {  	(pc) =	sbr.rel $0x88, $3  }
0x1: {  	(tag) =	ssettag $0x0;
	lr =	simm.s32 $0x1  }
0x2: {  	[smem:$0x3F9E] =	sst lr;
	_ =	strace $0xD0000000  }
0x3: {  	_ = 	snop  }
0x4: {  	_ = 	snop  }
0x5: {  	_ = 	snop  }
0x6: {  	_ = 	snop  }
0x7: {  	_ = 	snop  }
__scs_overlays_trampoline_lowered:
0x8: {  	[smem:$0x3FAD] =	sst s0  }
0x9: {  	[smem:$0x3FAE] =	sst s1  }
0xa: {  	[smem:$0x3FAF] =	sst s2  }
0xb: {  	[smem:$0x3FB0] =	sst s3  }
0xc: {  	[smem:$0x3FB1] =	sst s4  }
0xd: {  	[smem:$0x3FB2] =	sst s5  }
0xe: {  	[smem:$0x3FB3] =	sst s6  }
0xf: {  	[smem:$0x3FB4] =	sst s7  }
0x10: {  	[smem:$0x3FB5] =	sst s8  }
0x11: {  	[smem:$0x3FB6] =	sst s9;
	s0 =	simm.s32 @!p0 $0x0  }
0x12: {  	s1 =	sld [smem:$0x3F9C];
	s0 =	simm.s32 @p0 $0x1  }
0x13: {  	[smem:$0x3FB7] =	sst s0;
	s0 =	simm.s32 @!p1 $0x0  }
0x14: {  	s2 =	sld [smem:$0x3F9B];
	s0 =	simm.s32 @p1 $0x1  }
0x15: {  	[smem:$0x3FB8] =	sst s0;
	s0 =	simm.s32 @!p2 $0x0  }
0x16: {  	s3 =	sld [smem:$0x3FDB];
	s0 =	simm.s32 @p2 $0x1  }
0x17: {  	s4 =	simm.s32 $0x1BF5;
	[smem:$0x3FBA] =	sst s0  }
0x18: {  	s0 =	sld [smem:$0x3F9D];
	_ =	swait.ge [sflag:s4], $0x0  }
0x19: {  	s7 =	sld [smem:$0x3F9E]  }
0x1a: {  	s8 =	sadd.s32 $0xFFFFE003, lr  }
0x1b: {  	s9 =	sadd.s32 $0xFFFFFEF7, lr;
	s5 =	simm.s32 $0xFFFFFFFF;
	p2 =	slt.u32 s8, $0xFFFFF086  }
0x1c: {  	p1 =	slt.u32 s9, $0xF7A;
	s5 =	simm.s32 @!p2 $0x0  }
0x1d: {  	s5 =	simm.s32 @p1 $0x1;
	p0 =	seq.s32 s7, s2  }
0x1e: {  	s7 =	smul.u32 @!p0 $0xF7A, s2;
	p2 =	seq.s32 @!p0 s5, $0x0  }
0x1f: {  	s9 =	smul.u32 $0xF7A, s1;
	s8 =	simm.s32 @!p0 $0x1BF5;
	p2 =	por !p2, p0  }
0x20: {  	[sflag:s8] =	ssyncset.s32 @!p0 $0xFFFFF086;
	s6 =	sadd.s32 @!p0 s3, s7;
	s7 =	simm.s32 @!p0 $0x108  }
0x21: {  	s3 =	sadd.s32 s3, s9;
	s6 =	sadd.s32 @!p0 $0x88, s6;
	s7 =	simm.s32 @p2 $0x1082  }
0x22: {  	[simem:s7], [sflag:s8] =	dma.local @!p0 [hbm:s6], $0xF7A  }
0x23: {  	s9 =	sor.u32 $0xD0000000, s2;
	s6 =	simm.s32 $0x108;
	_ =	swait.ge @!p0 [sflag:s8], $0x0  }
0x24: {  	s3 =	sadd.s32 $0x88, s3;
	s6 =	simm.s32 @!p1 $0x1082;
	[sflag:s4] =	ssyncset.s32 $0xFFFFF086  }
0x25: {  	[simem:s6], [sflag:s4] =	dma.local [hbm:s3], $0xF7A  }
0x26: {  	[smem:$0x3F9E] =	sst s1;
	(tag) =	ssettag s2;
	_ =	strace s9  }
0x27: {  	s1 =	sld [smem:$0x3FAE]  }
0x28: {  	s2 =	sld [smem:$0x3FAF]  }
0x29: {  	s4 =	sld [smem:$0x3FB1]  }
0x2a: {  	p0 =	seq.s32 s5, $0x0;
	s5 =	sld [smem:$0x3FB2]  }
0x2b: {  	s6 =	sld [smem:$0x3FB3]  }
0x2c: {  	s7 =	sld [smem:$0x3FB4]  }
0x2d: {  	s3 =	simm.s32 $0x108;
	s8 =	sld [smem:$0x3FB5]  }
0x2e: {  	s3 =	simm.s32 @!p0 $0x1082;
	s9 =	sld [smem:$0x3FB6]  }
0x2f: {  	lr =	sadd.s32 s0, s3;
	s0 =	sld [smem:$0x3FAD]  }
0x30: {  	s3 =	sld [smem:$0x3FB0]  }
0x31: {  	[smem:$0x3FB9] =	sst s10  }
0x32: {  	s10 =	sld [smem:$0x3FB7];
	_ =	sdelay $0x3  }
0x33: {  	p0 =	seq.s32 s10, $0x1;
	s10 =	sld [smem:$0x3FB9];
	_ =	sdelay $0x3  }
0x34: {  	[smem:$0x3FB9] =	sst s10  }
0x35: {  	s10 =	sld [smem:$0x3FB8];
	_ =	sdelay $0x3  }
0x36: {  	p1 =	seq.s32 s10, $0x1;
	s10 =	sld [smem:$0x3FB9];
	_ =	sdelay $0x3  }
0x37: {  	[smem:$0x3FB9] =	sst s10  }
0x38: {  	s10 =	sld [smem:$0x3FBA]  }
0x39: {  	_ = 	snop;
	(pc) =	sbr.ind lr, $3  }
0x3a: {  	_ = 	snop  }
0x3b: {  	_ = 	snop  }
0x3c: {  	p2 =	seq.s32 s10, $0x1;
	s10 =	sld [smem:$0x3FB9]  }
0x3d: {  	_ =	shalt  }
0x3e: {  	_ =	shalt  }
0x3f: {  	_ =	shalt  }
0x40: {  	_ =	shalt  }
0x41: {  	_ =	shalt  }
0x42: {  	_ =	shalt  }
0x43: {  	_ =	shalt  }
0x44: {  	_ =	shalt  }
0x45: {  	_ =	shalt  }
0x46: {  	_ =	shalt  }
0x47: {  	_ =	shalt  }
0x48: {  	_ =	shalt  }
0x49: {  	_ =	shalt  }
0x4a: {  	_ =	shalt  }
0x4b: {  	_ =	shalt  }
0x4c: {  	_ =	shalt  }
0x4d: {  	_ =	shalt  }
0x4e: {  	_ =	shalt  }
0x4f: {  	_ =	shalt  }
0x50: {  	_ =	shalt  }
0x51: {  	_ =	shalt  }
0x52: {  	_ =	shalt  }
0x53: {  	_ =	shalt  }
0x54: {  	_ =	shalt  }
0x55: {  	_ =	shalt  }
0x56: {  	_ =	shalt  }
0x57: {  	_ =	shalt  }
0x58: {  	_ =	shalt  }
0x59: {  	_ =	shalt  }
0x5a: {  	_ =	shalt  }
0x5b: {  	_ =	shalt  }
0x5c: {  	_ =	shalt  }
0x5d: {  	_ =	shalt  }
0x5e: {  	_ =	shalt  }
0x5f: {  	_ =	shalt  }
0x60: {  	_ =	shalt  }
0x61: {  	_ =	shalt  }
0x62: {  	_ =	shalt  }
0x63: {  	_ =	shalt  }
0x64: {  	_ =	shalt  }
0x65: {  	_ =	shalt  }
0x66: {  	_ =	shalt  }
0x67: {  	_ =	shalt  }
0x68: {  	_ =	shalt  }
0x69: {  	_ =	shalt  }
0x6a: {  	_ =	shalt  }
0x6b: {  	_ =	shalt  }
0x6c: {  	_ =	shalt  }
0x6d: {  	_ =	shalt  }
0x6e: {  	_ =	shalt  }
0x6f: {  	_ =	shalt  }
0x70: {  	_ =	shalt  }
0x71: {  	_ =	shalt  }
0x72: {  	_ =	shalt  }
0x73: {  	_ =	shalt  }
0x74: {  	_ =	shalt  }
0x75: {  	_ =	shalt  }
0x76: {  	_ =	shalt  }
0x77: {  	_ =	shalt  }
0x78: {  	_ =	shalt  }
0x79: {  	_ =	shalt  }
0x7a: {  	_ =	shalt  }
0x7b: {  	_ =	shalt  }
0x7c: {  	_ =	shalt  }
0x7d: {  	_ =	shalt  }
0x7e: {  	_ =	shalt  }
0x7f: {  	_ =	shalt  }
0x80: {  	_ =	shalt  }
0x81: {  	_ =	shalt  }
0x82: {  	_ =	shalt  }
0x83: {  	_ =	shalt  }
0x84: {  	_ =	shalt  }
0x85: {  	_ =	shalt  }
0x86: {  	_ =	shalt  }
0x87: {  	_ =	shalt  }
.Lfunc_end0:
.L_simem_size_0:
called_computation.1_lowered:
.L_overlay_start_0:
0x88: {  	s2 =	sld [smem:$0x3FD9]  }
0x89: {  	s3 =	sld [smem:$0x3FFE];
	_ =	sdelay $0x1  }
0x8a: {  	s1 =	srdreg.scid  }
0x8b: {  	s0 =	sand.u32 $0x1, s1  }
0x8c: {  	s17 =	sshll.u32 s0, $0xA;
	s2 =	sadd.s32 s3, s2  }
0x8d: {  	s2 =	sadd.s32 s2, s17  }
0x8e: {  	[smem:$0x3FC5] =	sst s2  }
0x8f: {  	_ = 	snop  }
0x90: {  	s2 =	sld [smem:$0x3FD0];
	(tm) =	ssettm $0x1  }
0x91: {  	s18 =	sld [smem:$0x3FFB];
	_ =	sdelay $0x3  }
0x92: {  	_ =	strace s18  }
0x93: {  	s3 =	sld [smem:$0x3FFC];
	_ =	sdelay $0x3  }
0x94: {  	_ =	strace s3  }
0x95: {  	s3 =	sld [smem:$0x3FFD];
	_ =	sdelay $0x3  }
0x96: {  	_ =	strace s3  }
0x97: {  	_ =	strace $0x8FFFFFFF  }
0x98: {  	s19 =	sld [smem:$0x3FDB];
	_ =	sdelay $0x1  }
0x99: {  	s4 =	simm.s32 $_scs_section_size  }
0x9a: {  	s5 =	simm.s32 $_size__tile_overlayer_lowered;
	s6 =	simm.s32 $_tile_overlayer_lowered  }
0x9b: {  	s22 =	simm.s32 $0x1BFF;
	s21 =	sshll.u32 s6, $0x1;
	s3 =	sadd.s32 s4, s19  }
0x9c: {  	s7 =	simm.s32 $0x0;
	s20 =	sshll.u32 s5, $0x1;
	s5 =	sadd.s32 s21, s3  }
0x9d: {  	[timem:s7], [sflag:s22] =	dma.local [hbm:s5], s20  }
0x9e: {  	_ =	swait.ge [sflag:s22], s20  }
0x9f: {  	s4 =	ssub.s32 $0x0, s20;
	[sflag:s22] =	ssyncset.done $0x0  }
0xa0: {  	[sflag:s22] =	ssyncadd.s32 s4;
	_ =	sdelay $0x1  }
0xa1: {  	s23 =	simm.s32 $0x1B8B  }
0xa2: {  	_ =	swait.ge [sflag:s23], $0x1  }
0xa3: {  	[sflag:s23] =	ssyncset.done $0x0  }
0xa4: {  	s25 =	simm.s32 $0x1B8E;
	s24 =	sld [smem:$0x3FFE];
	[sflag:s23] =	ssyncadd.s32 $0xFFFFFFFF  }
0xa5: {  	s26 =	simm.s32 $execute0_lowered;
	[smem:$0x3FD2] =	sst s25  }
0xa6: {  	s5 =	sshll.u32 s26, $0x1;
	_ =	strace $0x80000046;
	[dreg:$0x1] =	wrdreg $0xFFFFFFFF  }
0xa7: {  	s28 =	simm.s32 $_size_execute0_lowered;
	s3 =	sadd.s32 s3, s5;
	[dreg:$0x0] =	wrdreg $0x0  }
0xa8: {  	s5 =	sshll.u32 s28, $0x1;
	[dreg:$0x2] =	wrdreg s3  }
0xa9: {  	[dreg:$0x3] =	wrdreg s5  }
0xaa: {  	[dreg:$0x4] =	wrdreg $0xC0  }
0xab: {  	_ =	task [dreg:s7], $0x5FFFF  }
0xac: {  	[dreg:$0x1] =	wrdreg $0xFFFFFFFF  }
0xad: {  	[dreg:$0x0] =	wrdreg $0x60  }
0xae: {  	[dreg:$0x2] =	wrdreg s24  }
0xaf: {  	[dreg:$0x3] =	wrdreg s2  }
0xb0: {  	[dreg:$0x4] =	wrdreg $0x9  }
0xb1: {  	_ =	task.clear_ibuf [dreg:s7], $0x5FFFF;
	_ =	strace $0x90000046  }
0xb2: {  	s29 =	simm.s32 $0x9;
	_ =	strace $0x80000048  }
0xb3: {  	_ =	swait.ge [sflag:s29], $0x1  }
0xb4: {  	[sflag:s29] =	ssyncadd.s32 $0xFFFFFFFF  }
0xb5: {  	_ =	strace $0x90000048  }
0xb6: {  	_ =	sfence  }
0xb7: {  	s30 =	sld [smem:$0x0];
	_ =	sdelay $0x2  }
0xb8: {  	s31 =	sshll.u32 s1, $0xD;
	s1 =	sshrl.u32 s1, $0x2  }
0xb9: {  	s3 =	sand.u32 $0x4000, s31;
	s1 =	sadd.s32 s1, s30  }
0xba: {  	s0 =	sor.u32 s3, s0;
	s1 =	sshll.u32 s1, $0x11  }
0xbb: {  	s0 =	sor.u32 s1, s0  }
0xbc: {  	s0 =	sadd.s32 $0x8F2B, s0  }
0xbd: {  	[sflag:s0] =	ssyncadd.remote.s32 $0x1  }
0xbe: {  	_ =	sfence.sel $0xFFFF  }
0xbf: {  	[dreg:$0x0] =	wrdreg $0xFFFFFFFF;
	(pc) =	sbr.abs _section_cstart, $3  }
0xc0: {  	[dreg:$0x1] =	wrdreg $0xFFFFFFFF  }
0xc1: {  	_ =	task.clear_ibuf [dreg:s7], $0x2FFFF;
	_ =	strace $0x9FFFFFFF  }
0xc2: {  	(tm) =	ssettm $0x7FFFFFFF  }
0xc3: {  	_ =	shalt  }
tec
execute0_lowered:
.L_overlay_start_1:
0x0: {  	(tag) =	ssettag $0x1  }
0x1: {  	s0 =	srdreg.scid;
	s1 =	stileid.u32  }
0x2: {  	s0 =	sand.u32 $0x1, s0;
	s1 =	sshll.u32 s1, $0x1  }
0x3: {  	s2 =	rddreg [dreg:$0x0];
	s9 =	sor.u32 s0, s1  }
0x4: {  	s28 =	simm.s32 $0x1030;
	s29 =	simm.s32 $0x3;
	s3 =	smul.u32 $0x680, s9  }
0x5: {  	s31 =	simm.s32 $0x1430;
	s10 =	sadd.s32 $0xC00, s2;
	s1 =	smul.u32 $0xD, s9  }
0x6: {  	s30 =	sadd.s32 $0x27AD000, s2;
	s0 =	ssub.s32 $0x2, s0;
	s3 =	sadd.s32 s10, s3  }
0x7: {  	s4 =	sshrl.u32 s0, $0x1;
	[dreg:$0x3] =	wrdreg s3;
	s3 =	sadd.s32 $0x1, s1  }
0x8: {  	s0 =	ssub.s32 s0, s4;
	s4 =	sadd.s32 $0x2, s1;
	s6 =	sshll.u32 s3, $0x7  }
0x9: {  	s5 =	sadd.s32 $0x3, s1;
	s17 =	sshll.u32 s4, $0x7;
	s6 =	sadd.s32 s10, s6  }
0xa: {  	s8 =	sadd.s32 $0x6, s1;
	[dreg:$0x4] =	wrdreg s6;
	s6 =	sadd.s32 s10, s17  }
0xb: {  	s7 =	sshll.u32 s5, $0x7;
	[dreg:$0x5] =	wrdreg s6;
	s6 =	sadd.s32 $0x4, s1  }
0xc: {  	s18 =	sadd.s32 s10, s7;
	s7 =	sadd.s32 $0x5, s1;
	s11 =	sshll.u32 s6, $0x7  }
0xd: {  	s13 =	sadd.s32 $0x8, s1;
	s19 =	sshll.u32 s7, $0x7;
	s11 =	sadd.s32 s10, s11  }
0xe: {  	s15 =	sadd.s32 $0x9, s1;
	[dreg:$0x7] =	wrdreg s11;
	s11 =	sadd.s32 s10, s19  }
0xf: {  	s16 =	sadd.s32 $0xB, s1;
	[dreg:$0x8] =	wrdreg s11;
	s11 =	sadd.s32 $0x7, s1  }
0x10: {  	s12 =	sshll.u32 s8, $0x7;
	s22 =	sshll.u32 s13, $0x7;
	s21 =	sshll.u32 s11, $0x7  }
0x11: {  	s20 =	sadd.s32 s10, s12;
	[dreg:$0x6] =	wrdreg s18;
	s12 =	sadd.s32 s10, s21  }
0x12: {  	s14 =	sshll.u32 s15, $0x7;
	[dreg:$0xa] =	wrdreg s12;
	s12 =	sadd.s32 s10, s22  }
0x13: {  	s25 =	sshll.u32 s16, $0x7;
	[dreg:$0xb] =	wrdreg s12;
	s12 =	sadd.s32 $0xA, s1  }
0x14: {  	s23 =	sadd.s32 s10, s14;
	[dreg:$0x9] =	wrdreg s20;
	s24 =	sshll.u32 s12, $0x7  }
0x15: {  	[dreg:$0xc] =	wrdreg s23;
	s17 =	sadd.s32 $0xC, s1;
	s14 =	sadd.s32 s10, s24  }
0x16: {  	s18 =	sshll.u32 s17, $0x7;
	[dreg:$0xd] =	wrdreg s14;
	s14 =	sadd.s32 s10, s25  }
0x17: {  	s2 =	sadd.s32 $0xDC00, s2;
	s10 =	sadd.s32 s10, s18;
	[dreg:$0xe] =	wrdreg s14  }
0x18: {  	s9 =	smul.u32 $0xD000, s9;
	s26 =	sshll.u32 s3, $0xC;
	[dreg:$0xf] =	wrdreg s10  }
0x19: {  	s20 =	sshll.u32 s4, $0xC;
	s10 =	rddreg [dreg:$0x1];
	s14 =	simm.s32 $0x0  }
0x1a: {  	s21 =	sshll.u32 s5, $0xC;
	[smem:$0x7FF] =	sst s14;
	s9 =	sadd.s32 s10, s9  }
0x1b: {  	s1 =	sshrl.u32 s1, $0x4;
	s19 =	sadd.s32 s10, s26;
	[dreg:$0x10] =	wrdreg s9  }
0x1c: {  	s25 =	sshll.u32 s8, $0xC;
	s22 =	sadd.s32 s10, s21;
	[dreg:$0x11] =	wrdreg s19  }
0x1d: {  	s24 =	sshll.u32 s7, $0xC;
	s18 =	sadd.s32 s10, s25;
	[dreg:$0x13] =	wrdreg s22  }
0x1e: {  	s19 =	sshll.u32 s6, $0xC;
	s9 =	sadd.s32 s10, s20;
	[dreg:$0x16] =	wrdreg s18  }
0x1f: {  	s26 =	sshll.u32 s11, $0xC;
	[dreg:$0x12] =	wrdreg s9;
	s23 =	sadd.s32 s10, s19  }
0x20: {  	s21 =	sshll.u32 s15, $0xC;
	s9 =	sadd.s32 s10, s24;
	[dreg:$0x14] =	wrdreg s23  }
0x21: {  	s22 =	sshll.u32 s12, $0xC;
	s19 =	sadd.s32 s10, s26;
	[dreg:$0x15] =	wrdreg s9  }
0x22: {  	s20 =	sshll.u32 s13, $0xC;
	s24 =	sadd.s32 s10, s22;
	[dreg:$0x17] =	wrdreg s19  }
0x23: {  	s25 =	sshll.u32 s16, $0xC;
	s9 =	sadd.s32 s10, s20;
	[dreg:$0x1a] =	wrdreg s24  }
0x24: {  	s26 =	sshll.u32 s17, $0xC;
	s23 =	sadd.s32 s10, s21;
	[dreg:$0x18] =	wrdreg s9  }
0x25: {  	s22 =	sshrl.u32 s6, $0x4;
	s18 =	sadd.s32 s10, s26;
	[dreg:$0x19] =	wrdreg s23  }
0x26: {  	s6 =	simm.s32 $0x0;
	s9 =	sadd.s32 s10, s25;
	[dreg:$0x1c] =	wrdreg s18  }
0x27: {  	s19 =	sshrl.u32 s3, $0x4;
	s20 =	sshrl.u32 s4, $0x4;
	[dreg:$0x1b] =	wrdreg s9  }
0x28: {  	s21 =	sshrl.u32 s5, $0x4;
	_ =	strace $0x80000047;
	[dreg:$0x1d] =	wrdreg s2  }
0x29: {  	s24 =	sshrl.u32 s8, $0x4;
	s26 =	sshrl.u32 s13, $0x4;
	[dreg:$0x1e] =	wrdreg s1  }
0x2a: {  	s8 =	sshrl.u32 s15, $0x4;
	s13 =	simm.s32 $0x5;
	[dreg:$0x1f] =	wrdreg s19  }
0x2b: {  	s3 =	simm.s32 $0x2830;
	s4 =	simm.s32 $0x2C30;
	[smem:$0x7F7] =	sst s20  }
0x2c: {  	s5 =	simm.s32 $0x3030;
	s23 =	sshrl.u32 s7, $0x4;
	[smem:$0x7F8] =	sst s21  }
0x2d: {  	s25 =	sshrl.u32 s11, $0x4;
	s10 =	sshrl.u32 s16, $0x4;
	[smem:$0x7F9] =	sst s22  }
0x2e: {  	s11 =	sshrl.u32 s17, $0x4;
	s16 =	simm.s32 $0x400;
	[smem:$0x7FA] =	sst s23  }
0x2f: {  	s17 =	simm.s32 $0x3430;
	s18 =	simm.s32 $0x430;
	[smem:$0x7FB] =	sst s24  }
0x30: {  	s9 =	sshrl.u32 s12, $0x4;
	s12 =	smax.u32 s0, $0x1;
	[smem:$0x7FC] =	sst s25  }
0x31: {  	s0 =	simm.s32 $0x1C30;
	[smem:$0x7FD] =	sst s26;
	s19 =	simm.s32 $0xB430  }
0x32: {  	s20 =	simm.s32 $0x830;
	s21 =	simm.s32 $0x13430;
	s22 =	simm.s32 $0x1  }
0x33: {  	s24 =	simm.s32 $0x4;
	s25 =	simm.s32 $0xC30;
	s26 =	simm.s32 $0x2  }
0x34: {  	s23 =	simm.s32 $0x1830;
	s1 =	simm.s32 $0x2030;
	s2 =	simm.s32 $0x2430  }
.LBB2_1:
0x35: {  	s7 =	rddreg [dreg:$0x1d]  }
0x36: {  	[tilespmem:s14], [sflag:$0x5] =	stream.linear.gather [hbm4b:s7+s14], $0x30, $0x38;
	[tilespmem:$0x1B430] =	vst v63  }
0x37: {  	_ =	swait.ge [sflag:s13], $0x30  }
0x38: {  	[sflag:s13] =	ssyncset.done $0x0  }
0x39: {  	s15 =	simm.s32 $0x30;
	s7 =	rddreg [dreg:$0x3];
	[sflag:s13] =	ssyncadd.s32 $0xFFFFFFD0  }
0x3a: {  	[tilespmem:s15], [sflag:$0x5] =	stream.linear.gather [hbm4b:s7+s14], $0x400, $0x38;
	[tilespmem:$0x1B430] =	vst v63  }
0x3b: {  	_ =	swait.ge [sflag:s13], $0x400  }
0x3c: {  	[sflag:s13] =	ssyncset.done $0x0  }
0x3d: {  	s15 =	rddreg [dreg:$0x1e];
	[sflag:s13] =	ssyncadd.s32 $0xFFFFFC00  }
0x3e: {  	s7 =	simm.s32 $0x40;
	v0 =	vld.msk [tilespmem:s15+$0x0 ss:$0x0], $0xffff;
	s15 =	simm.s32 $0x0  }
.LBB2_2:
0x3f: {  	p0 =	sne.s32 s7, $0xFC0;
	v1 =	vld [tilespmem:s15+$0x30];
	_ =	sdelay $0x1  }
.Ltmp0:
0x40: {  	(pc) =	sbr.rel @p0 .LBB2_2-.Ltmp0, $3  }
0x41: {  	_ =	sdelay $0x1  }
0x42: {  	v1 =	vadd.s32 v0, v1  }
0x43: {  	[tilespmem:s15+$0x30] =	vst v1;
	s15 =	sshra.s32 s7, $0x2;
	s7 =	sadd.s32 $0x40, s7  }
0x44: {  	v1 =	vld [tilespmem:s15+$0x30];
	_ =	sdelay $0x4  }
0x45: {  	v0 =	vadd.s32 v0, v1  }
0x46: {  	s7 =	simm.s32 $0x30;
	[tilespmem:s15+$0x30] =	vst v0  }
0x47: {  	[tilespmem:s17], [sflag:$0x1] =	stream.indirect.gather [hbm4b:s30+s16], $0x20, s7, s16, $0xb8;
	[tilespmem:$0x1B430] =	vst v63  }
0x48: {  	s15 =	rddreg [dreg:$0x4];
	s7 =	simm.s32 $0x0  }
0x49: {  	[tilespmem:s18], [sflag:$0x5] =	stream.linear.gather [hbm4b:s15+s7], $0x400, $0x38;
	[tilespmem:$0x1B430] =	vst v63  }
0x4a: {  	_ =	swait.ge [sflag:s13], $0x400  }
0x4b: {  	[sflag:s13] =	ssyncset.done $0x0  }
0x4c: {  	s15 =	rddreg [dreg:$0x1f];
	[sflag:s13] =	ssyncadd.s32 $0xFFFFFC00  }
0x4d: {  	s7 =	simm.s32 $0x40;
	v0 =	vld.msk [tilespmem:s15+$0x0 ss:$0x0], $0xffff;
	s15 =	simm.s32 $0x0  }
.LBB2_4:
0x4e: {  	p0 =	sne.s32 s7, $0xFC0;
	v1 =	vld [tilespmem:s15+$0x430];
	_ =	sdelay $0x1  }
.Ltmp1:
0x4f: {  	(pc) =	sbr.rel @p0 .LBB2_4-.Ltmp1, $3  }
0x50: {  	_ =	sdelay $0x1  }
0x51: {  	v1 =	vadd.s32 v0, v1  }
0x52: {  	[tilespmem:s15+$0x430] =	vst v1;
	s15 =	sshra.s32 s7, $0x2;
	s7 =	sadd.s32 $0x40, s7  }
0x53: {  	v1 =	vld [tilespmem:s15+$0x430];
	_ =	sdelay $0x4  }
0x54: {  	v0 =	vadd.s32 v0, v1  }
0x55: {  	[tilespmem:s15+$0x430] =	vst v0  }
0x56: {  	[tilespmem:s19], [sflag:$0x2] =	stream.indirect.gather [hbm4b:s30+s16], $0x20, s18, s16, $0xb8;
	[tilespmem:$0x1B430] =	vst v63  }
0x57: {  	s7 =	simm.s32 $0x0;
	s15 =	rddreg [dreg:$0x5]  }
0x58: {  	[tilespmem:s20], [sflag:$0x5] =	stream.linear.gather [hbm4b:s15+s7], $0x400, $0x38;
	[tilespmem:$0x1B430] =	vst v63  }
0x59: {  	_ =	swait.ge [sflag:s13], $0x400  }
0x5a: {  	s15 =	sld [smem:$0x7F7]  }
0x5b: {  	[sflag:s13] =	ssyncset.done $0x0  }
0x5c: {  	[sflag:s13] =	ssyncadd.s32 $0xFFFFFC00  }
0x5d: {  	s7 =	simm.s32 $0x40;
	v0 =	vld.msk [tilespmem:s15+$0x0 ss:$0x0], $0xffff;
	s15 =	simm.s32 $0x0  }
.LBB2_6:
0x5e: {  	p0 =	sne.s32 s7, $0xFC0;
	v1 =	vld [tilespmem:s15+$0x830];
	_ =	sdelay $0x1  }
.Ltmp2:
0x5f: {  	(pc) =	sbr.rel @p0 .LBB2_6-.Ltmp2, $3  }
0x60: {  	_ =	sdelay $0x1  }
0x61: {  	v1 =	vadd.s32 v0, v1  }
0x62: {  	[tilespmem:s15+$0x830] =	vst v1;
	s15 =	sshra.s32 s7, $0x2;
	s7 =	sadd.s32 $0x40, s7  }
0x63: {  	v1 =	vld [tilespmem:s15+$0x830];
	_ =	sdelay $0x4  }
0x64: {  	v0 =	vadd.s32 v0, v1  }
0x65: {  	[tilespmem:s15+$0x830] =	vst v0  }
0x66: {  	[tilespmem:s21], [sflag:$0x3] =	stream.indirect.gather [hbm4b:s30+s16], $0x20, s20, s16, $0xb8;
	[tilespmem:$0x1B430] =	vst v63  }
0x67: {  	_ =	swait.ge [sflag:s22], $0x8000  }
0x68: {  	[sflag:s22] =	ssyncset.done $0x0  }
0x69: {  	s7 =	simm.s32 $0x0;
	s15 =	rddreg [dreg:$0x10];
	[sflag:s22] =	ssyncadd.s32 $0xFFFF8000  }
0x6a: {  	[hbm4b:s15+s7] =	stream.linear.scatter [tilespmem:s17], [sflag:$0x4], $0x8000, $0x38;
	[tilespmem:$0x1B430] =	vst v63  }
0x6b: {  	_ =	swait.ge [sflag:s24], $0x8000  }
0x6c: {  	[sflag:s24] =	ssyncset.done $0x0  }
0x6d: {  	s15 =	rddreg [dreg:$0x6];
	[sflag:s24] =	ssyncadd.s32 $0xFFFF8000  }
0x6e: {  	[tilespmem:s25], [sflag:$0x5] =	stream.linear.gather [hbm4b:s15+s7], $0x400, $0x38;
	[tilespmem:$0x1B430] =	vst v63  }
0x6f: {  	_ =	swait.ge [sflag:s13], $0x400  }
0x70: {  	s15 =	sld [smem:$0x7F8]  }
0x71: {  	[sflag:s13] =	ssyncset.done $0x0  }
0x72: {  	[sflag:s13] =	ssyncadd.s32 $0xFFFFFC00  }
0x73: {  	s7 =	simm.s32 $0x40;
	v0 =	vld.msk [tilespmem:s15+$0x0 ss:$0x0], $0xffff;
	s15 =	simm.s32 $0x0  }
.LBB2_8:
0x74: {  	p0 =	sne.s32 s7, $0xFC0;
	v1 =	vld [tilespmem:s15+$0xC30];
	_ =	sdelay $0x1  }
.Ltmp3:
0x75: {  	(pc) =	sbr.rel @p0 .LBB2_8-.Ltmp3, $3  }
0x76: {  	_ =	sdelay $0x1  }
0x77: {  	v1 =	vadd.s32 v0, v1  }
0x78: {  	[tilespmem:s15+$0xC30] =	vst v1;
	s15 =	sshra.s32 s7, $0x2;
	s7 =	sadd.s32 $0x40, s7  }
0x79: {  	v1 =	vld [tilespmem:s15+$0xC30];
	_ =	sdelay $0x4  }
0x7a: {  	v0 =	vadd.s32 v0, v1  }
0x7b: {  	[tilespmem:s15+$0xC30] =	vst v0  }
0x7c: {  	[tilespmem:s17], [sflag:$0x1] =	stream.indirect.gather [hbm4b:s30+s16], $0x20, s25, s16, $0xb8;
	[tilespmem:$0x1B430] =	vst v63  }
0x7d: {  	_ =	swait.ge [sflag:s26], $0x8000  }
0x7e: {  	[sflag:s26] =	ssyncset.done $0x0  }
0x7f: {  	s7 =	simm.s32 $0x0;
	s15 =	rddreg [dreg:$0x11];
	[sflag:s26] =	ssyncadd.s32 $0xFFFF8000  }
0x80: {  	[hbm4b:s15+s7] =	stream.linear.scatter [tilespmem:s19], [sflag:$0x4], $0x8000, $0x38;
	[tilespmem:$0x1B430] =	vst v63  }
0x81: {  	_ =	swait.ge [sflag:s24], $0x8000  }
0x82: {  	[sflag:s24] =	ssyncset.done $0x0  }
0x83: {  	s15 =	rddreg [dreg:$0x7];
	[sflag:s24] =	ssyncadd.s32 $0xFFFF8000  }
0x84: {  	[tilespmem:s28], [sflag:$0x5] =	stream.linear.gather [hbm4b:s15+s7], $0x400, $0x38;
	[tilespmem:$0x1B430] =	vst v63  }
0x85: {  	_ =	swait.ge [sflag:s13], $0x400  }
0x86: {  	s15 =	sld [smem:$0x7F9]  }
0x87: {  	[sflag:s13] =	ssyncset.done $0x0  }
0x88: {  	[sflag:s13] =	ssyncadd.s32 $0xFFFFFC00  }
0x89: {  	s7 =	simm.s32 $0x40;
	v0 =	vld.msk [tilespmem:s15+$0x0 ss:$0x0], $0xffff;
	s15 =	simm.s32 $0x0  }
.LBB2_10:
0x8a: {  	p0 =	sne.s32 s7, $0xFC0;
	v1 =	vld [tilespmem:s15+$0x1030];
	_ =	sdelay $0x1  }
.Ltmp4:
0x8b: {  	(pc) =	sbr.rel @p0 .LBB2_10-.Ltmp4, $3  }
0x8c: {  	_ =	sdelay $0x1  }
0x8d: {  	v1 =	vadd.s32 v0, v1  }
0x8e: {  	[tilespmem:s15+$0x1030] =	vst v1;
	s15 =	sshra.s32 s7, $0x2;
	s7 =	sadd.s32 $0x40, s7  }
0x8f: {  	v1 =	vld [tilespmem:s15+$0x1030];
	_ =	sdelay $0x4  }
0x90: {  	v0 =	vadd.s32 v0, v1  }
0x91: {  	[tilespmem:s15+$0x1030] =	vst v0  }
0x92: {  	[tilespmem:s19], [sflag:$0x2] =	stream.indirect.gather [hbm4b:s30+s16], $0x20, s28, s16, $0xb8;
	[tilespmem:$0x1B430] =	vst v63  }
0x93: {  	_ =	swait.ge [sflag:s29], $0x8000  }
0x94: {  	[sflag:s29] =	ssyncset.done $0x0  }
0x95: {  	s7 =	simm.s32 $0x0;
	s15 =	rddreg [dreg:$0x12];
	[sflag:s29] =	ssyncadd.s32 $0xFFFF8000  }
0x96: {  	[hbm4b:s15+s7] =	stream.linear.scatter [tilespmem:s21], [sflag:$0x4], $0x8000, $0x38;
	[tilespmem:$0x1B430] =	vst v63  }
0x97: {  	_ =	swait.ge [sflag:s24], $0x8000  }
0x98: {  	[sflag:s24] =	ssyncset.done $0x0  }
0x99: {  	s15 =	rddreg [dreg:$0x8];
	[sflag:s24] =	ssyncadd.s32 $0xFFFF8000  }
0x9a: {  	[tilespmem:s31], [sflag:$0x5] =	stream.linear.gather [hbm4b:s15+s7], $0x400, $0x38;
	[tilespmem:$0x1B430] =	vst v63  }
0x9b: {  	_ =	swait.ge [sflag:s13], $0x400  }
0x9c: {  	s15 =	sld [smem:$0x7FA]  }
0x9d: {  	[sflag:s13] =	ssyncset.done $0x0  }
0x9e: {  	[sflag:s13] =	ssyncadd.s32 $0xFFFFFC00  }
0x9f: {  	s7 =	simm.s32 $0x40;
	v0 =	vld.msk [tilespmem:s15+$0x0 ss:$0x0], $0xffff;
	s15 =	simm.s32 $0x0  }
.LBB2_12:
0xa0: {  	p0 =	sne.s32 s7, $0xFC0;
	v1 =	vld [tilespmem:s15+$0x1430];
	_ =	sdelay $0x1  }
.Ltmp5:
0xa1: {  	(pc) =	sbr.rel @p0 .LBB2_12-.Ltmp5, $3  }
0xa2: {  	_ =	sdelay $0x1  }
0xa3: {  	v1 =	vadd.s32 v0, v1  }
0xa4: {  	[tilespmem:s15+$0x1430] =	vst v1;
	s15 =	sshra.s32 s7, $0x2;
	s7 =	sadd.s32 $0x40, s7  }
0xa5: {  	v1 =	vld [tilespmem:s15+$0x1430];
	_ =	sdelay $0x4  }
0xa6: {  	v0 =	vadd.s32 v0, v1  }
0xa7: {  	[tilespmem:s15+$0x1430] =	vst v0  }
0xa8: {  	[tilespmem:s21], [sflag:$0x3] =	stream.indirect.gather [hbm4b:s30+s16], $0x20, s31, s16, $0xb8;
	[tilespmem:$0x1B430] =	vst v63  }
0xa9: {  	_ =	swait.ge [sflag:s22], $0x8000  }
0xaa: {  	[sflag:s22] =	ssyncset.done $0x0  }
0xab: {  	s7 =	simm.s32 $0x0;
	s15 =	rddreg [dreg:$0x13];
	[sflag:s22] =	ssyncadd.s32 $0xFFFF8000  }
0xac: {  	[hbm4b:s15+s7] =	stream.linear.scatter [tilespmem:s17], [sflag:$0x4], $0x8000, $0x38;
	[tilespmem:$0x1B430] =	vst v63  }
0xad: {  	_ =	swait.ge [sflag:s24], $0x8000  }
0xae: {  	[sflag:s24] =	ssyncset.done $0x0  }
0xaf: {  	s15 =	rddreg [dreg:$0x9];
	[sflag:s24] =	ssyncadd.s32 $0xFFFF8000  }
0xb0: {  	[tilespmem:s23], [sflag:$0x5] =	stream.linear.gather [hbm4b:s15+s7], $0x400, $0x38;
	[tilespmem:$0x1B430] =	vst v63  }
0xb1: {  	_ =	swait.ge [sflag:s13], $0x400  }
0xb2: {  	s15 =	sld [smem:$0x7FB]  }
0xb3: {  	[sflag:s13] =	ssyncset.done $0x0  }
0xb4: {  	[sflag:s13] =	ssyncadd.s32 $0xFFFFFC00  }
0xb5: {  	s7 =	simm.s32 $0x40;
	v0 =	vld.msk [tilespmem:s15+$0x0 ss:$0x0], $0xffff;
	s15 =	simm.s32 $0x0  }
.LBB2_14:
0xb6: {  	p0 =	sne.s32 s7, $0xFC0;
	v1 =	vld [tilespmem:s15+$0x1830];
	_ =	sdelay $0x1  }
.Ltmp6:
0xb7: {  	(pc) =	sbr.rel @p0 .LBB2_14-.Ltmp6, $3  }
0xb8: {  	_ =	sdelay $0x1  }
0xb9: {  	v1 =	vadd.s32 v0, v1  }
0xba: {  	[tilespmem:s15+$0x1830] =	vst v1;
	s15 =	sshra.s32 s7, $0x2;
	s7 =	sadd.s32 $0x40, s7  }
0xbb: {  	v1 =	vld [tilespmem:s15+$0x1830];
	_ =	sdelay $0x4  }
0xbc: {  	v0 =	vadd.s32 v0, v1  }
0xbd: {  	[tilespmem:s15+$0x1830] =	vst v0  }
0xbe: {  	[tilespmem:s17], [sflag:$0x1] =	stream.indirect.gather [hbm4b:s30+s16], $0x20, s23, s16, $0xb8;
	[tilespmem:$0x1B430] =	vst v63  }
0xbf: {  	_ =	swait.ge [sflag:s26], $0x8000  }
0xc0: {  	[sflag:s26] =	ssyncset.done $0x0  }
0xc1: {  	s7 =	simm.s32 $0x0;
	s15 =	rddreg [dreg:$0x14];
	[sflag:s26] =	ssyncadd.s32 $0xFFFF8000  }
0xc2: {  	[hbm4b:s15+s7] =	stream.linear.scatter [tilespmem:s19], [sflag:$0x4], $0x8000, $0x38;
	[tilespmem:$0x1B430] =	vst v63  }
0xc3: {  	_ =	swait.ge [sflag:s24], $0x8000  }
0xc4: {  	[sflag:s24] =	ssyncset.done $0x0  }
0xc5: {  	s15 =	rddreg [dreg:$0xa];
	[sflag:s24] =	ssyncadd.s32 $0xFFFF8000  }
0xc6: {  	[tilespmem:s0], [sflag:$0x5] =	stream.linear.gather [hbm4b:s15+s7], $0x400, $0x38;
	[tilespmem:$0x1B430] =	vst v63  }
0xc7: {  	_ =	swait.ge [sflag:s13], $0x400  }
0xc8: {  	s15 =	sld [smem:$0x7FC]  }
0xc9: {  	[sflag:s13] =	ssyncset.done $0x0  }
0xca: {  	[sflag:s13] =	ssyncadd.s32 $0xFFFFFC00  }
0xcb: {  	s7 =	simm.s32 $0x40;
	v0 =	vld.msk [tilespmem:s15+$0x0 ss:$0x0], $0xffff;
	s15 =	simm.s32 $0x0  }
.LBB2_16:
0xcc: {  	p0 =	sne.s32 s7, $0xFC0;
	v1 =	vld [tilespmem:s15+$0x1C30];
	_ =	sdelay $0x1  }
.Ltmp7:
0xcd: {  	(pc) =	sbr.rel @p0 .LBB2_16-.Ltmp7, $3  }
0xce: {  	_ =	sdelay $0x1  }
0xcf: {  	v1 =	vadd.s32 v0, v1  }
0xd0: {  	[tilespmem:s15+$0x1C30] =	vst v1;
	s15 =	sshra.s32 s7, $0x2;
	s7 =	sadd.s32 $0x40, s7  }
0xd1: {  	v1 =	vld [tilespmem:s15+$0x1C30];
	_ =	sdelay $0x4  }
0xd2: {  	v0 =	vadd.s32 v0, v1  }
0xd3: {  	[tilespmem:s15+$0x1C30] =	vst v0  }
0xd4: {  	[tilespmem:s19], [sflag:$0x2] =	stream.indirect.gather [hbm4b:s30+s16], $0x20, s0, s16, $0xb8;
	[tilespmem:$0x1B430] =	vst v63  }
0xd5: {  	_ =	swait.ge [sflag:s29], $0x8000  }
0xd6: {  	[sflag:s29] =	ssyncset.done $0x0  }
0xd7: {  	s7 =	simm.s32 $0x0;
	s15 =	rddreg [dreg:$0x15];
	[sflag:s29] =	ssyncadd.s32 $0xFFFF8000  }
0xd8: {  	[hbm4b:s15+s7] =	stream.linear.scatter [tilespmem:s21], [sflag:$0x4], $0x8000, $0x38;
	[tilespmem:$0x1B430] =	vst v63  }
0xd9: {  	_ =	swait.ge [sflag:s24], $0x8000  }
0xda: {  	[sflag:s24] =	ssyncset.done $0x0  }
0xdb: {  	s15 =	rddreg [dreg:$0xb];
	[sflag:s24] =	ssyncadd.s32 $0xFFFF8000  }
0xdc: {  	[tilespmem:s1], [sflag:$0x5] =	stream.linear.gather [hbm4b:s15+s7], $0x400, $0x38;
	[tilespmem:$0x1B430] =	vst v63  }
0xdd: {  	_ =	swait.ge [sflag:s13], $0x400  }
0xde: {  	s15 =	sld [smem:$0x7FD]  }
0xdf: {  	[sflag:s13] =	ssyncset.done $0x0  }
0xe0: {  	[sflag:s13] =	ssyncadd.s32 $0xFFFFFC00  }
0xe1: {  	s7 =	simm.s32 $0x40;
	v0 =	vld.msk [tilespmem:s15+$0x0 ss:$0x0], $0xffff;
	s15 =	simm.s32 $0x0  }
.LBB2_18:
0xe2: {  	p0 =	sne.s32 s7, $0xFC0;
	v1 =	vld [tilespmem:s15+$0x2030];
	_ =	sdelay $0x1  }
.Ltmp8:
0xe3: {  	(pc) =	sbr.rel @p0 .LBB2_18-.Ltmp8, $3  }
0xe4: {  	_ =	sdelay $0x1  }
0xe5: {  	v1 =	vadd.s32 v0, v1  }
0xe6: {  	[tilespmem:s15+$0x2030] =	vst v1;
	s15 =	sshra.s32 s7, $0x2;
	s7 =	sadd.s32 $0x40, s7  }
0xe7: {  	v1 =	vld [tilespmem:s15+$0x2030];
	_ =	sdelay $0x4  }
0xe8: {  	v0 =	vadd.s32 v0, v1  }
0xe9: {  	[tilespmem:s15+$0x2030] =	vst v0  }
0xea: {  	[tilespmem:s21], [sflag:$0x3] =	stream.indirect.gather [hbm4b:s30+s16], $0x20, s1, s16, $0xb8;
	[tilespmem:$0x1B430] =	vst v63  }
0xeb: {  	_ =	swait.ge [sflag:s22], $0x8000  }
0xec: {  	[sflag:s22] =	ssyncset.done $0x0  }
0xed: {  	s7 =	simm.s32 $0x0;
	s15 =	rddreg [dreg:$0x16];
	[sflag:s22] =	ssyncadd.s32 $0xFFFF8000  }
0xee: {  	[hbm4b:s15+s7] =	stream.linear.scatter [tilespmem:s17], [sflag:$0x4], $0x8000, $0x38;
	[tilespmem:$0x1B430] =	vst v63  }
0xef: {  	_ =	swait.ge [sflag:s24], $0x8000  }
0xf0: {  	[sflag:s24] =	ssyncset.done $0x0  }
0xf1: {  	s15 =	rddreg [dreg:$0xc];
	[sflag:s24] =	ssyncadd.s32 $0xFFFF8000  }
0xf2: {  	[tilespmem:s2], [sflag:$0x5] =	stream.linear.gather [hbm4b:s15+s7], $0x400, $0x38;
	[tilespmem:$0x1B430] =	vst v63  }
0xf3: {  	_ =	swait.ge [sflag:s13], $0x400  }
0xf4: {  	[sflag:s13] =	ssyncset.done $0x0  }
0xf5: {  	[sflag:s13] =	ssyncadd.s32 $0xFFFFFC00  }
0xf6: {  	s15 =	simm.s32 $0x0;
	s7 =	simm.s32 $0x40;
	v0 =	vld.msk [tilespmem:s8+$0x0 ss:$0x0], $0xffff  }
.LBB2_20:
0xf7: {  	p0 =	sne.s32 s7, $0xFC0;
	v1 =	vld [tilespmem:s15+$0x2430];
	_ =	sdelay $0x1  }
.Ltmp9:
0xf8: {  	(pc) =	sbr.rel @p0 .LBB2_20-.Ltmp9, $3  }
0xf9: {  	_ =	sdelay $0x1  }
0xfa: {  	v1 =	vadd.s32 v0, v1  }
0xfb: {  	[tilespmem:s15+$0x2430] =	vst v1;
	s15 =	sshra.s32 s7, $0x2;
	s7 =	sadd.s32 $0x40, s7  }
0xfc: {  	v1 =	vld [tilespmem:s15+$0x2430];
	_ =	sdelay $0x4  }
0xfd: {  	v0 =	vadd.s32 v0, v1  }
0xfe: {  	[tilespmem:s15+$0x2430] =	vst v0  }
0xff: {  	[tilespmem:s17], [sflag:$0x1] =	stream.indirect.gather [hbm4b:s30+s16], $0x20, s2, s16, $0xb8;
	[tilespmem:$0x1B430] =	vst v63  }
0x100: {  	_ =	swait.ge [sflag:s26], $0x8000  }
0x101: {  	[sflag:s26] =	ssyncset.done $0x0  }
0x102: {  	s7 =	simm.s32 $0x0;
	s15 =	rddreg [dreg:$0x17];
	[sflag:s26] =	ssyncadd.s32 $0xFFFF8000  }
0x103: {  	[hbm4b:s15+s7] =	stream.linear.scatter [tilespmem:s19], [sflag:$0x4], $0x8000, $0x38;
	[tilespmem:$0x1B430] =	vst v63  }
0x104: {  	_ =	swait.ge [sflag:s24], $0x8000  }
0x105: {  	[sflag:s24] =	ssyncset.done $0x0  }
0x106: {  	s15 =	rddreg [dreg:$0xd];
	[sflag:s24] =	ssyncadd.s32 $0xFFFF8000  }
0x107: {  	[tilespmem:s3], [sflag:$0x5] =	stream.linear.gather [hbm4b:s15+s7], $0x400, $0x38;
	[tilespmem:$0x1B430] =	vst v63  }
0x108: {  	_ =	swait.ge [sflag:s13], $0x400  }
0x109: {  	[sflag:s13] =	ssyncset.done $0x0  }
0x10a: {  	[sflag:s13] =	ssyncadd.s32 $0xFFFFFC00  }
0x10b: {  	s15 =	simm.s32 $0x0;
	s7 =	simm.s32 $0x40;
	v0 =	vld.msk [tilespmem:s9+$0x0 ss:$0x0], $0xffff  }
.LBB2_22:
0x10c: {  	p0 =	sne.s32 s7, $0xFC0;
	v1 =	vld [tilespmem:s15+$0x2830];
	_ =	sdelay $0x1  }
.Ltmp10:
0x10d: {  	(pc) =	sbr.rel @p0 .LBB2_22-.Ltmp10, $3  }
0x10e: {  	_ =	sdelay $0x1  }
0x10f: {  	v1 =	vadd.s32 v0, v1  }
0x110: {  	[tilespmem:s15+$0x2830] =	vst v1;
	s15 =	sshra.s32 s7, $0x2;
	s7 =	sadd.s32 $0x40, s7  }
0x111: {  	v1 =	vld [tilespmem:s15+$0x2830];
	_ =	sdelay $0x4  }
0x112: {  	v0 =	vadd.s32 v0, v1  }
0x113: {  	[tilespmem:s15+$0x2830] =	vst v0  }
0x114: {  	[tilespmem:s19], [sflag:$0x2] =	stream.indirect.gather [hbm4b:s30+s16], $0x20, s3, s16, $0xb8;
	[tilespmem:$0x1B430] =	vst v63  }
0x115: {  	_ =	swait.ge [sflag:s29], $0x8000  }
0x116: {  	[sflag:s29] =	ssyncset.done $0x0  }
0x117: {  	s7 =	simm.s32 $0x0;
	s15 =	rddreg [dreg:$0x18];
	[sflag:s29] =	ssyncadd.s32 $0xFFFF8000  }
0x118: {  	[hbm4b:s15+s7] =	stream.linear.scatter [tilespmem:s21], [sflag:$0x4], $0x8000, $0x38;
	[tilespmem:$0x1B430] =	vst v63  }
0x119: {  	_ =	swait.ge [sflag:s24], $0x8000  }
0x11a: {  	[sflag:s24] =	ssyncset.done $0x0  }
0x11b: {  	s15 =	rddreg [dreg:$0xe];
	[sflag:s24] =	ssyncadd.s32 $0xFFFF8000  }
0x11c: {  	[tilespmem:s4], [sflag:$0x5] =	stream.linear.gather [hbm4b:s15+s7], $0x400, $0x38;
	[tilespmem:$0x1B430] =	vst v63  }
0x11d: {  	_ =	swait.ge [sflag:s13], $0x400  }
0x11e: {  	[sflag:s13] =	ssyncset.done $0x0  }
0x11f: {  	[sflag:s13] =	ssyncadd.s32 $0xFFFFFC00  }
0x120: {  	s15 =	simm.s32 $0x0;
	s7 =	simm.s32 $0x40;
	v0 =	vld.msk [tilespmem:s10+$0x0 ss:$0x0], $0xffff  }
.LBB2_24:
0x121: {  	p0 =	sne.s32 s7, $0xFC0;
	v1 =	vld [tilespmem:s15+$0x2C30];
	_ =	sdelay $0x1  }
.Ltmp11:
0x122: {  	(pc) =	sbr.rel @p0 .LBB2_24-.Ltmp11, $3  }
0x123: {  	_ =	sdelay $0x1  }
0x124: {  	v1 =	vadd.s32 v0, v1  }
0x125: {  	[tilespmem:s15+$0x2C30] =	vst v1;
	s15 =	sshra.s32 s7, $0x2;
	s7 =	sadd.s32 $0x40, s7  }
0x126: {  	v1 =	vld [tilespmem:s15+$0x2C30];
	_ =	sdelay $0x4  }
0x127: {  	v0 =	vadd.s32 v0, v1  }
0x128: {  	[tilespmem:s15+$0x2C30] =	vst v0  }
0x129: {  	[tilespmem:s21], [sflag:$0x3] =	stream.indirect.gather [hbm4b:s30+s16], $0x20, s4, s16, $0xb8;
	[tilespmem:$0x1B430] =	vst v63  }
0x12a: {  	_ =	swait.ge [sflag:s22], $0x8000  }
0x12b: {  	[sflag:s22] =	ssyncset.done $0x0  }
0x12c: {  	s7 =	simm.s32 $0x0;
	s15 =	rddreg [dreg:$0x19];
	[sflag:s22] =	ssyncadd.s32 $0xFFFF8000  }
0x12d: {  	[hbm4b:s15+s7] =	stream.linear.scatter [tilespmem:s17], [sflag:$0x4], $0x8000, $0x38;
	[tilespmem:$0x1B430] =	vst v63  }
0x12e: {  	_ =	swait.ge [sflag:s24], $0x8000  }
0x12f: {  	[sflag:s24] =	ssyncset.done $0x0  }
0x130: {  	s15 =	rddreg [dreg:$0xf];
	[sflag:s24] =	ssyncadd.s32 $0xFFFF8000  }
0x131: {  	[tilespmem:s5], [sflag:$0x5] =	stream.linear.gather [hbm4b:s15+s7], $0x400, $0x38;
	[tilespmem:$0x1B430] =	vst v63  }
0x132: {  	_ =	swait.ge [sflag:s13], $0x400  }
0x133: {  	[sflag:s13] =	ssyncset.done $0x0  }
0x134: {  	[sflag:s13] =	ssyncadd.s32 $0xFFFFFC00  }
0x135: {  	s15 =	simm.s32 $0x0;
	s7 =	simm.s32 $0x40;
	v0 =	vld.msk [tilespmem:s11+$0x0 ss:$0x0], $0xffff  }
.LBB2_26:
0x136: {  	p0 =	sne.s32 s7, $0xFC0;
	v1 =	vld [tilespmem:s15+$0x3030];
	_ =	sdelay $0x1  }
.Ltmp12:
0x137: {  	(pc) =	sbr.rel @p0 .LBB2_26-.Ltmp12, $3  }
0x138: {  	_ =	sdelay $0x1  }
0x139: {  	v1 =	vadd.s32 v0, v1  }
0x13a: {  	[tilespmem:s15+$0x3030] =	vst v1;
	s15 =	sshra.s32 s7, $0x2;
	s7 =	sadd.s32 $0x40, s7  }
0x13b: {  	v1 =	vld [tilespmem:s15+$0x3030];
	_ =	sdelay $0x4  }
0x13c: {  	v0 =	vadd.s32 v0, v1  }
0x13d: {  	[tilespmem:s15+$0x3030] =	vst v0  }
0x13e: {  	[tilespmem:s17], [sflag:$0x1] =	stream.indirect.gather [hbm4b:s30+s16], $0x20, s5, s16, $0xb8;
	[tilespmem:$0x1B430] =	vst v63  }
0x13f: {  	_ =	swait.ge [sflag:s26], $0x8000  }
0x140: {  	[sflag:s26] =	ssyncset.done $0x0  }
0x141: {  	s7 =	rddreg [dreg:$0x1a];
	[sflag:s26] =	ssyncadd.s32 $0xFFFF8000  }
0x142: {  	[hbm4b:s7+s14] =	stream.linear.scatter [tilespmem:s19], [sflag:$0x4], $0x8000, $0x38;
	[tilespmem:$0x1B430] =	vst v63  }
0x143: {  	_ =	swait.ge [sflag:s29], $0x8000  }
0x144: {  	[sflag:s29] =	ssyncset.done $0x0  }
0x145: {  	s15 =	rddreg [dreg:$0x1b];
	[sflag:s29] =	ssyncadd.s32 $0xFFFF8000  }
0x146: {  	[hbm4b:s15+s14] =	stream.linear.scatter [tilespmem:s21], [sflag:$0x4], $0x8000, $0x38;
	[tilespmem:$0x1B430] =	vst v63  }
0x147: {  	_ =	swait.ge [sflag:s22], $0x8000  }
0x148: {  	[sflag:s22] =	ssyncset.done $0x0  }
0x149: {  	s6 =	sadd.s32 $0x1, s6;
	s15 =	rddreg [dreg:$0x1c];
	[sflag:s22] =	ssyncadd.s32 $0xFFFF8000  }
0x14a: {  	[hbm4b:s15+s14] =	stream.linear.scatter [tilespmem:s17], [sflag:$0x4], $0x8000, $0x38;
	[tilespmem:$0x1B430] =	vst v63  }
0x14b: {  	p0 =	sne.s32 s6, s12;
	_ =	swait.ge [sflag:s24], $0x8000  }
.Ltmp13:
0x14c: {  	[sflag:s24] =	ssyncset.done $0x0;
	(pc) =	sbr.rel @p0 .LBB2_1-.Ltmp13, $4  }
0x14d: {  	[sflag:s24] =	ssyncadd.s32 $0xFFFF8000  }
0x14e: {  	_ =	swait.ge [sflag:s24], $0x8000  }
0x14f: {  	[sflag:s24] =	ssyncset.done $0x0  }
0x150: {  	[sflag:s24] =	ssyncadd.s32 $0xFFFF8000  }
0x151: {  	_ =	sfence.sel $0x180000  }
0x152: {  	[bflag:$0x0] =	sbarrier.arrive $0xFFFF  }
0x153: {  	_ =	strace $0x90000047  }
0x154: {  	s0 =	stileid.u32;
	[bflag:$0x2] =	sbarrier.arrive $0xFFFF  }
0x155: {  	p0 =	sne.s32 s0, $0x0;
	s0 =	rddreg [dreg:$0x2]  }
0x156: {  	s0 =	sadd.s32 @!p0 $0x100000, s0  }
0x157: {  	[sflag:s0] =	ssyncadd.tile.s32 @!p0 $0x1;
	_ =	shalt  }
.Lfunc_end2:
_tile_overlayer_lowered:
.L_overlay_start_2:
0x158: {  	(tag) =	ssettag $0x2  }
0x159: {  	s0 =	rddreg [dreg:$0x0];
	s2 =	stileid.u32  }
0x15a: {  	s1 =	rddreg [dreg:$0x1];
	p0 =	sne.s32 s2, $0x0  }
0x15b: {  	s3 =	rddreg [dreg:$0x2];
	[bflag:$0x3] =	sbarrier.arrive $0xFFFF;
	s2 =	simm.s32 @!p0 $0x1C05  }
0x15c: {  	[timem:s3], [sflag:s2] =	dma.local @!p0 [hbm:s0], s1  }
0x15d: {  	s0 =	simm.s32 @!p0 $0x5  }
0x15e: {  	_ =	swait.ge @!p0 [sflag:s0], s1  }
0x15f: {  	s1 =	ssub.s32 @!p0 $0x0, s1;
	[sflag:s0] =	ssyncset.done @!p0 $0x0  }
0x160: {  	[sflag:s0] =	ssyncadd.s32 @!p0 s1  }
0x161: {  	[bflag:$0x3] =	sbarrier.arrive $0xFFFF  }
0x162: {  	_ =	shalt  }

// kernel: sparse-core-data-format-call.cloned.1.call-start
scs
called_computation_lowered:
.L_overlay_start_0:
0x0: {  	s2 =	sld [smem:$0x3FD9]  }
0x1: {  	s3 =	sld [smem:$0x3FFE];
	_ =	sdelay $0x1  }
0x2: {  	s1 =	srdreg.scid  }
0x3: {  	s0 =	sand.u32 $0x1, s1  }
0x4: {  	s18 =	sshll.u32 s0, $0xA;
	s2 =	sadd.s32 s3, s2  }
0x5: {  	s2 =	sadd.s32 s2, s18  }
0x6: {  	[smem:$0x3FC5] =	sst s2  }
0x7: {  	_ = 	snop  }
0x8: {  	s2 =	sld [smem:$0x3FD0];
	(tm) =	ssettm $0x1  }
0x9: {  	s19 =	sld [smem:$0x3FFB];
	_ =	sdelay $0x3  }
0xa: {  	_ =	strace s19  }
0xb: {  	s3 =	sld [smem:$0x3FFC];
	_ =	sdelay $0x3  }
0xc: {  	_ =	strace s3  }
0xd: {  	s3 =	sld [smem:$0x3FFD];
	_ =	sdelay $0x3  }
0xe: {  	_ =	strace s3  }
0xf: {  	_ =	strace $0x8FFFFFFF  }
0x10: {  	s20 =	sld [smem:$0x3FDB];
	_ =	sdelay $0x1  }
0x11: {  	s4 =	simm.s32 $_scs_section_size  }
0x12: {  	s5 =	simm.s32 $_size__tile_overlayer_lowered;
	s6 =	simm.s32 $_tile_overlayer_lowered  }
0x13: {  	s23 =	simm.s32 $0x1BFF;
	s22 =	sshll.u32 s6, $0x1;
	s3 =	sadd.s32 s4, s20  }
0x14: {  	s7 =	simm.s32 $0x0;
	s21 =	sshll.u32 s5, $0x1;
	s5 =	sadd.s32 s22, s3  }
0x15: {  	[timem:s7], [sflag:s23] =	dma.local [hbm:s5], s21  }
0x16: {  	_ =	swait.ge [sflag:s23], s21  }
0x17: {  	s4 =	ssub.s32 $0x0, s21;
	[sflag:s23] =	ssyncset.done $0x0  }
0x18: {  	[sflag:s23] =	ssyncadd.s32 s4;
	_ =	sdelay $0x1  }
0x19: {  	s24 =	simm.s32 $0x1B8B  }
0x1a: {  	_ =	swait.ge [sflag:s24], $0x1  }
0x1b: {  	[sflag:s24] =	ssyncset.done $0x0  }
0x1c: {  	s26 =	simm.s32 $0x1B8E;
	s25 =	sld [smem:$0x3FFE];
	[sflag:s24] =	ssyncadd.s32 $0xFFFFFFFF  }
0x1d: {  	s27 =	simm.s32 $execute0_lowered;
	[smem:$0x3FD2] =	sst s26  }
0x1e: {  	s5 =	sshll.u32 s27, $0x1;
	_ =	strace $0x80000049;
	[dreg:$0x1] =	wrdreg $0xFFFFFFFF  }
0x1f: {  	s28 =	simm.s32 $_size_execute0_lowered;
	s3 =	sadd.s32 s3, s5;
	[dreg:$0x0] =	wrdreg $0x0  }
0x20: {  	s5 =	sshll.u32 s28, $0x1;
	[dreg:$0x2] =	wrdreg s3  }
0x21: {  	[dreg:$0x3] =	wrdreg s5  }
0x22: {  	[dreg:$0x4] =	wrdreg $0xC0  }
0x23: {  	_ =	task [dreg:s7], $0x5FFFF  }
0x24: {  	[dreg:$0x1] =	wrdreg $0xFFFFFFFF  }
0x25: {  	[dreg:$0x0] =	wrdreg $0x60  }
0x26: {  	[dreg:$0x2] =	wrdreg s25  }
0x27: {  	[dreg:$0x3] =	wrdreg s2  }
0x28: {  	[dreg:$0x4] =	wrdreg $0x9  }
0x29: {  	_ =	task.clear_ibuf [dreg:s7], $0x5FFFF;
	_ =	strace $0x90000049  }
0x2a: {  	s29 =	simm.s32 $0x9;
	_ =	strace $0x8000004B  }
0x2b: {  	_ =	swait.ge [sflag:s29], $0x1  }
0x2c: {  	[sflag:s29] =	ssyncadd.s32 $0xFFFFFFFF  }
0x2d: {  	_ =	strace $0x9000004B  }
0x2e: {  	_ =	sfence  }
0x2f: {  	s30 =	sld [smem:$0x0];
	_ =	sdelay $0x2  }
0x30: {  	s31 =	sshll.u32 s1, $0xD;
	s1 =	sshrl.u32 s1, $0x2  }
0x31: {  	s3 =	sand.u32 $0x4000, s31;
	s1 =	sadd.s32 s1, s30  }
0x32: {  	s0 =	sor.u32 s3, s0;
	s1 =	sshll.u32 s1, $0x11  }
0x33: {  	s0 =	sor.u32 s1, s0  }
0x34: {  	s0 =	sadd.s32 $0x8F2B, s0  }
0x35: {  	[sflag:s0] =	ssyncadd.remote.s32 $0x1  }
0x36: {  	_ =	sfence.sel $0xFFFF  }
0x37: {  	[dreg:$0x0] =	wrdreg $0xFFFFFFFF;
	(pc) =	sbr.abs _section_cstart, $3  }
0x38: {  	[dreg:$0x1] =	wrdreg $0xFFFFFFFF  }
0x39: {  	_ =	task.clear_ibuf [dreg:s7], $0x2FFFF;
	_ =	strace $0x9FFFFFFF  }
0x3a: {  	(tm) =	ssettm $0x7FFFFFFF  }
0x3b: {  	_ =	shalt  }
tec
execute0_lowered:
.L_overlay_start_1:
0x0: {  	(tag) =	ssettag $0x1  }
0x1: {  	s0 =	srdreg.scid  }
0x2: {  	s1 =	sshll.u32 s0, $0x4  }
0x3: {  	s0 =	stileid.u32;
	s1 =	sand.u32 $0x10, s1  }
0x4: {  	s7 =	rddreg [dreg:$0x0];
	s1 =	sor.u32 s0, s1  }
0x5: {  	s4 =	simm.s32 $0x1;
	s8 =	simm.s32 $0x2;
	s2 =	sshll.u32 s1, $0x7  }
0x6: {  	s13 =	simm.s32 $0x0;
	s9 =	simm.s32 $0x20000;
	s1 =	ssub.s32 $0x4000, s2  }
0x7: {  	s14 =	simm.s32 $0x0;
	s11 =	simm.s32 $0x0;
	s3 =	sand.u32 $0xF80, s1  }
0x8: {  	s12 =	simm.s32 $0x0;
	s5 =	sshrl.u32 s1, $0xC;
	p0 =	sne.s32 s3, $0x0  }
.Ltmp0:
0x9: {  	s1 =	rddreg [dreg:$0x2];
	s4 =	simm.s32 @!p0 $0x0;
	(pc) =	sbr.rel .LBB1_1-.Ltmp0, $4  }
0xa: {  	s6 =	sadd.s32 $0xC00, s7;
	s3 =	rddreg [dreg:$0x1];
	s5 =	sadd.s32 s4, s5  }
0xb: {  	_ =	strace $0x8000004A;
	s4 =	simm.s32 $0x1;
	s5 =	smul.u32 $0xD, s5  }
0xc: {  	s7 =	sadd.s32 $0x40C00, s7;
	s10 =	smov.u32 s2;
	[sflag:s4] =	ssyncpa.u1 $0x0  }
0xd: {  	p0 =	por $0x0, $0x0;
	[sflag:s8] =	ssyncpa.u1 $0x0;
	s8 =	sadd.s32 $0x1, s5  }
.LBB1_7:
0xe: {  	s15 =	sadd.s32 $0x1000, s10  }
0xf: {  	s13 =	sadd.s32 $0x2, s11;
	s17 =	smov.u32 s11;
	p2 =	sgt.s32 s15, $0x3FFF  }
0x10: {  	s17 =	smov.u32 @p2 s13  }
0x11: {  	s15 =	smov.u32 @p2 s2;
	p2 =	sgt.s32 s17, $0x19  }
0x12: {  	s17 =	simm.s32 @p2 $0x0;
	p2 =	sne.s32 s12, s8  }
.Ltmp1:
0x13: {  	p1 =	slt.u32 s12, $0x2;
	(pc) =	sbr.rel @!p2 .LBB1_8-.Ltmp1, $4  }
0x14: {  	s16 =	simm.s32 @!p1 $0x2  }
0x15: {  	s14 =	smov.u32 s11;
	p0 =	por !p0, !p0;
	_ =	swait.ge @!p1 [sflag:s16], $0x2000  }
0x16: {  	s13 =	smov.u32 s10;
	[sflag:s16] =	ssyncset.done @!p1 $0x0;
	s10 =	smov.u32 s15  }
0x17: {  	s12 =	sadd.s32 $0x1, s12;
	[sflag:s16] =	ssyncadd.s32 @!p1 $0xFFFFE000;
	s11 =	smov.u32 s17  }
.LBB1_1:
0x18: {  	p1 =	sge.u32 s12, s5  }
0x19: {  	s15 =	sxor.u32 @!p1 $0xFFFFFFFF, s12;
	s16 =	sshll.u32 @!p1 s11, $0x12  }
0x1a: {  	s17 =	sshll.u32 @!p1 s10, $0x4;
	s19 =	simm.s32 @!p1 $0x20;
	s20 =	simm.s32 @!p1 $0x80  }
0x1b: {  	s15 =	sshll.u32 @!p1 s15, $0xD;
	s17 =	sand.u32 @!p1 $0x3FFF0, s17;
	s18 =	sadd.s32 @!p1 s6, s16  }
0x1c: {  	s16 =	sadd.s32 @!p1 s16, s7;
	s15 =	sand.u32 @!p1 $0x2000, s15;
	s18 =	sadd.s32 @!p1 s17, s18  }
0x1d: {  	[tilespmem:s15], [sflag:$0x1] =	stream.strided.gather @!p1 [hbm4b:s18+s19], $0x1000, s20, s19, $0x38;
	[tilespmem:$0x8080] =	vst v63  }
0x1e: {  	s31 =	sadd.s32 $0xFFFFFFFF, s12;
	s16 =	sadd.s32 @!p1 s17, s16;
	s15 =	sor.u32 @!p1 $0x1000, s15  }
0x1f: {  	[tilespmem:s15], [sflag:$0x1] =	stream.strided.gather @!p1 [hbm4b:s16+s19], $0x1000, s20, s19, $0x38;
	[tilespmem:$0x8080] =	vst v63  }
0x20: {  	p1 =	sge.u32 s31, s5  }
.Ltmp2:
0x21: {  	_ = 	snop;
	(pc) =	sbr.rel @p1 .LBB1_7-.Ltmp2, $1  }
0x22: {  	_ =	sdelay $0x3  }
0x23: {  	s15 =	simm.s32 $0x1;
	s17 =	sand.u32 $0x1, s12  }
0x24: {  	_ =	swait.ge [sflag:s4], $0x2000;
	s15 =	simm.s32 @!p0 $0x0;
	s17 =	smul.u32 $0x8100, s17  }
0x25: {  	p2 =	por $0x1, $0x1;
	[sflag:s4] =	ssyncset.done $0x0;
	s16 =	smul.u32 $0x8100, s15  }
0x26: {  	s18 =	sshll.u32 s15, $0xF;
	[sflag:s4] =	ssyncadd.s32 $0xFFFFE000;
	s30 =	sshrl.u32 s17, $0x2  }
0x27: {  	s31 =	sshrl.u32 s18, $0x2;
	s18 =	simm.s32 $0x0;
	s16 =	sshrl.u32 s16, $0x2  }
0x28: {  	s15 =	sor.u32 $0x4000, s30;
	s17 =	sadd.s32 $0x10, s31;
	s16 =	sor.u32 $0x4000, s16  }
.LBB1_3:
0x29: {  	s19 =	sshll.u32 s18, $0xC  }
0x2a: {  	s19 =	sand.u32 $0x3FFFF000, s19  }
0x2b: {  	s20 =	sadd.s32 s19, s17  }
0x2c: {  	s31 =	smul.u32 $0x4080, s18;
	v1 =	vld [tilespmem:s20+$0x0]  }
0x2d: {  	v0 =	vld [tilespmem:s20+$0xFFFFFFF0]  }
0x2e: {  	s18 =	sshra.s32 s31, $0x2  }
0x2f: {  	s18 =	sadd.s32 s18, s16  }
0x30: {  	s21 =	sadd.s32 $0x0, s18  }
0x31: {  	p1 =	por p2, p2;
	s19 =	simm.s32 $0x4;
	s20 =	sadd.s32 $0x20, s20;
	[tilespmem:s21+$0x810 ss:$0x81] =	vst.msk $0xffff, v1  }
.LBB1_4:
0x32: {  	v1 =	vld [tilespmem:s20+$0x0];
	p2 =	sne.s32 s19, $0x1FC;
	[tilespmem:s21+$0x0 ss:$0x81] =	vst.msk $0xffff, v0;
	s21 =	smov.u32 s19;
	s19 =	sadd.s32 $0x4, s19  }
.Ltmp3:
0x33: {  	v0 =	vld [tilespmem:s20+$0xFFFFFFF0];
	(pc) =	sbr.rel @p2 .LBB1_4-.Ltmp3, $4  }
0x34: {  	_ = 	snop  }
0x35: {  	s21 =	sshra.s32 s21, $0x2  }
0x36: {  	s21 =	sadd.s32 s21, s18  }
0x37: {  	s20 =	sadd.s32 $0x20, s20;
	[tilespmem:s21+$0x810 ss:$0x81] =	vst.msk $0xffff, v1  }
.Ltmp4:
0x38: {  	(pc) =	sbr.rel @p1 .LBB1_3-.Ltmp4, $2  }
0x39: {  	_ =	sdelay $0x2  }
0x3a: {  	[tilespmem:s21+$0x0 ss:$0x81] =	vst.msk $0xffff, v0;
	s18 =	simm.s32 $0x1;
	p2 =	por $0x0, $0x0  }
0x3b: {  	s16 =	sshll.u32 s13, $0x3;
	s17 =	sand.u32 $0x78, s13;
	s14 =	sshll.u32 s14, $0x10  }
.Ltmp5:
0x3c: {  	s30 =	sand.u32 $0xF800, s13;
	s16 =	sand.u32 $0x3C00, s16;
	(pc) =	sbr.rel .LBB1_7-.Ltmp5, $4  }
0x3d: {  	s31 =	sand.u32 $0x7, s13;
	s14 =	sadd.s32 s3, s14;
	s16 =	sor.u32 s17, s16  }
0x3e: {  	s13 =	sshll.u32 s31, $0x12;
	s14 =	sadd.s32 s30, s14;
	s16 =	sshrl.u32 s16, $0x3  }
0x3f: {  	s13 =	sor.u32 $0x400, s13;
	s14 =	sadd.s32 s16, s14  }
0x40: {  	[hbm4b:s14+s13] =	stream.strided.scatter [tilespmem:s15], [sflag:$0x2], $0x2000, s9, s13, $0x20;
	[tilespmem:$0x8080] =	vst v63  }
.LBB1_8:
0x41: {  	_ =	sfence.sel $0x180000  }
0x42: {  	s2 =	simm.s32 $0x1;
	[bflag:$0x0] =	sbarrier.arrive $0xFFFF  }
0x43: {  	s31 =	simm.s32 $0x2;
	[sflag:s2] =	ssyncpa.u1 $0x1  }
0x44: {  	[sflag:s31] =	ssyncpa.u1 $0x1  }
0x45: {  	p0 =	sne.s32 s0, $0x0;
	_ =	strace $0x9000004A  }
0x46: {  	s0 =	sadd.s32 @!p0 $0x100000, s1;
	[bflag:$0x2] =	sbarrier.arrive $0xFFFF  }
0x47: {  	[sflag:s0] =	ssyncadd.tile.s32 @!p0 $0x1;
	_ =	shalt  }
.Lfunc_end1:
_tile_overlayer_lowered:
.L_overlay_start_2:
0x48: {  	(tag) =	ssettag $0x2  }
0x49: {  	s0 =	rddreg [dreg:$0x0];
	s2 =	stileid.u32  }
0x4a: {  	s1 =	rddreg [dreg:$0x1];
	p0 =	sne.s32 s2, $0x0  }
0x4b: {  	s3 =	rddreg [dreg:$0x2];
	[bflag:$0x3] =	sbarrier.arrive $0xFFFF;
	s2 =	simm.s32 @!p0 $0x1C01  }
0x4c: {  	[timem:s3], [sflag:s2] =	dma.local @!p0 [hbm:s0], s1  }
0x4d: {  	s0 =	simm.s32 @!p0 $0x1  }
0x4e: {  	_ =	swait.ge @!p0 [sflag:s0], s1  }
0x4f: {  	s1 =	ssub.s32 @!p0 $0x0, s1;
	[sflag:s0] =	ssyncset.done @!p0 $0x0  }
0x50: {  	[sflag:s0] =	ssyncadd.s32 @!p0 s1  }
0x51: {  	[bflag:$0x3] =	sbarrier.arrive $0xFFFF  }
0x52: {  	_ =	shalt  }

</sc_bundles>
